<compile_context>
chip_gen: v7x
topology: tpu7x:2x2x1
jax: 0.10.2.dev20260603
libtpu: 0.0.44.dev20260713+nightly
codegen_flags: <defaults>
</compile_context>

<pallas_src>
import functools

import jax
import jax.numpy as jnp
from jax import lax
from jax.experimental import pallas as pl
from jax.experimental.pallas import tpu as pltpu
from jax.experimental.pallas import tpu_sc as plsc

N = 10000
E = 320000
D = 128
NC = 2
NS = 16
NW = NC * NS
CHUNK = 128
CPT = 80
EPT = CPT * CHUNK
E_PAD = NW * EPT
ROWS_PER_TILE = 640
N_PAD = NS * ROWS_PER_TILE
WB = ROWS_PER_TILE // CHUNK
NBLK = 10
BLK = N // NBLK


def _make_sc_agg(do_meta):
    mesh = plsc.VectorSubcoreMesh(core_axis_name="c", subcore_axis_name="s")
    out_type = [jax.ShapeDtypeStruct((NC, N_PAD, D), jnp.float32)]
    if do_meta:
        out_type.append(jax.ShapeDtypeStruct((NC, N_PAD, 16), jnp.float32))
    scratch = [
        pltpu.VMEM((1, CHUNK), jnp.int32),
        pltpu.VMEM((1, CHUNK), jnp.int32),
        pltpu.VMEM((1, CHUNK), jnp.int32),
        pltpu.VMEM((1, CHUNK), jnp.int32),
        pltpu.VMEM((CHUNK, D), jnp.float32),
        pltpu.VMEM((CHUNK, D), jnp.float32),
        pltpu.SemaphoreType.DMA,
        pltpu.SemaphoreType.DMA,
        pltpu.SemaphoreType.DMA,
        pltpu.SemaphoreType.DMA,
        pltpu.VMEM_SHARED((N_PAD, D), jnp.float32),
    ]
    if do_meta:
        scratch += [
            pltpu.VMEM((CHUNK, 16), jnp.float32),
            pltpu.VMEM((CHUNK, 16), jnp.float32),
            pltpu.SemaphoreType.DMA,
            pltpu.SemaphoreType.DMA,
            pltpu.VMEM_SHARED((N_PAD, 16), jnp.float32),
        ]

    @functools.partial(pl.kernel, mesh=mesh, out_type=out_type,
                       scratch_types=scratch,
                       compiler_params=pltpu.CompilerParams(
                           use_tc_tiling_on_sc=False))
    def k(*refs):
        if do_meta:
            (src_hbm, dst_hbm, meta_hbm, table_hbm, z_hbm, zm_hbm,
             agg_out, meta_out,
             si0, si1, di0, di1, rw0, rw1, g0, g1, ii0, ii1, acc_sh,
             mv0, mv1, mi0, mi1, macc_sh) = refs
        else:
            (src_hbm, dst_hbm, table_hbm, z_hbm,
             agg_out,
             si0, si1, di0, di1, rw0, rw1, g0, g1, ii0, ii1, acc_sh) = refs
            mv0 = mv1 = mi0 = mi1 = macc_sh = None
        c = lax.axis_index("c")
        s = lax.axis_index("s")
        wid = c * NS + s
        row0 = s * ROWS_PER_TILE

        def start_idx(j, si, di, sem):
            pltpu.async_copy(src_hbm.at[wid, j], si, sem)
            pltpu.async_copy(dst_hbm.at[wid, j], di, sem)

        def wait_idx(j, si, di, sem):
            pltpu.make_async_copy(src_hbm.at[wid, j], si, sem).wait()
            pltpu.make_async_copy(dst_hbm.at[wid, j], di, sem).wait()

        def start_meta(j, mv, sem):
            pltpu.async_copy(meta_hbm.at[wid, j], mv, sem)

        def wait_meta(j, mv, sem):
            pltpu.make_async_copy(meta_hbm.at[wid, j], mv, sem).wait()

        NSUB = 4
        SUB = CHUNK // NSUB

        def start_gather(si, rw, sem):
            for q in range(NSUB):
                pltpu.async_copy(
                    table_hbm.at[si.at[0, pl.ds(q * SUB, SUB)]],
                    rw.at[pl.ds(q * SUB, SUB)], sem)

        def wait_gather(si, rw, sem):
            for q in range(NSUB):
                pltpu.make_async_copy(
                    table_hbm.at[si.at[0, pl.ds(q * SUB, SUB)]],
                    rw.at[pl.ds(q * SUB, SUB)], sem).wait()

        pltpu.sync_copy(z_hbm, rw0)
        if do_meta:
            pltpu.sync_copy(zm_hbm, mv0)
        for kk in range(WB):
            pltpu.sync_copy(rw0, acc_sh.at[pl.ds(row0 + kk * CHUNK, CHUNK)])
            if do_meta:
                pltpu.sync_copy(mv0,
                                macc_sh.at[pl.ds(row0 + kk * CHUNK, CHUNK)])
        plsc.subcore_barrier()

        bufs = [(si0, di0, rw0, g0, ii0, mv0, mi0),
                (si1, di1, rw1, g1, ii1, mv1, mi1)]

        start_idx(0, si0, di0, ii0)
        start_idx(1, si1, di1, ii1)
        if do_meta:
            start_meta(0, mv0, mi0)
            start_meta(1, mv1, mi1)
        wait_idx(0, si0, di0, ii0)
        start_gather(si0, rw0, g0)

        def pair(jj, carry):
            for t in (0, 1):
                sia, dia, ra, ga, iia, ma, mia = bufs[t]
                sib, dib, rb, gb, iib, mb, mib = bufs[1 - t]
                j = 2 * jj + t
                wait_gather(sia, ra, ga)

                @pl.when(j < CPT - 1)
                def _():
                    wait_idx(j + 1, sib, dib, iib)
                    start_gather(sib, rb, gb)

                pltpu.sync_copy(ra, acc_sh.at[dia.at[0]], add=True)
                if do_meta:
                    wait_meta(j, ma, mia)
                    pltpu.sync_copy(ma, macc_sh.at[dia.at[0]], add=True)

                @pl.when(j < CPT - 2)
                def _():
                    start_idx(j + 2, sia, dia, iia)
                    if do_meta:
                        start_meta(j + 2, ma, mia)
            return carry

        lax.fori_loop(0, CPT // 2, pair, None)
        plsc.subcore_barrier()

        for kk in range(WB):
            r0k = row0 + kk * CHUNK
            pltpu.sync_copy(acc_sh.at[pl.ds(r0k, CHUNK)], rw0)
            pltpu.sync_copy(rw0, agg_out.at[c, pl.ds(r0k, CHUNK)])
            if do_meta:
                pltpu.sync_copy(macc_sh.at[pl.ds(r0k, CHUNK)], mv0)
                pltpu.sync_copy(mv0, meta_out.at[c, pl.ds(r0k, CHUNK)])

    return k


_sc_agg_cache = {}


def _get_sc_agg(do_meta):
    if do_meta not in _sc_agg_cache:
        _sc_agg_cache[do_meta] = _make_sc_agg(do_meta)
    return _sc_agg_cache[do_meta]


def _degree_update(agg, meta, Uh, Ue):
    ha = agg[0] + agg[1]
    me = meta[0] + meta[1]
    di = jnp.clip(me[:, 4].astype(jnp.int32), 1, 4) - 1
    z = jnp.zeros((BLK, D), jnp.float32)
    for d in range(4):
        zd = (jnp.dot(ha, Uh[d], preferred_element_type=jnp.float32,
                      precision=lax.Precision.HIGHEST)
              + jnp.dot(me, Ue[d], preferred_element_type=jnp.float32,
                        precision=lax.Precision.HIGHEST))
        z = jnp.where((di == d)[:, None], zd, z)
    return jax.nn.sigmoid(z)


def _softsum(h, R):
    sm = jax.nn.softmax(jnp.dot(h, R, preferred_element_type=jnp.float32,
                                precision=lax.Precision.HIGHEST), axis=-1)
    return jnp.sum(sm, axis=0)


def _tc1_body(agg_ref, meta_ref, x_ref, U0h_ref, U0e_ref, R0_ref, R1_ref,
              h1_ref, racc_ref):
    i = pl.program_id(0)
    h1 = _degree_update(agg_ref[...], meta_ref[...], U0h_ref[...], U0e_ref[...])
    h1_ref[...] = h1
    r = _softsum(x_ref[...], R0_ref[...]) + _softsum(h1, R1_ref[...])

    @pl.when(i == 0)
    def _():
        racc_ref[...] = jnp.zeros_like(racc_ref)

    racc_ref[0:1, :] += r[None, :]


def _tc2_body(agg_ref, meta_ref, U1h_ref, U1e_ref, R2_ref, racc01_ref,
              W_ref, b_ref, out_ref, r2_scr):
    i = pl.program_id(0)
    h2 = _degree_update(agg_ref[...], meta_ref[...], U1h_ref[...], U1e_ref[...])
    r = _softsum(h2, R2_ref[...])

    @pl.when(i == 0)
    def _():
        r2_scr[...] = jnp.zeros_like(r2_scr)

    r2_scr[...] += r[None, :]

    @pl.when(i == NBLK - 1)
    def _():
        total = racc01_ref[0:1, :] + r2_scr[...]
        out_ref[...] = (jnp.dot(total, W_ref[...],
                                preferred_element_type=jnp.float32,
                                precision=lax.Precision.HIGHEST)
                        + b_ref[...])


def kernel(x, edge_index, edge_attr, U0, U1, R0, R1, R2, W_out, b_out):
    src = edge_index[0]
    dst = edge_index[1]
    pad = E_PAD - E
    src_r = jnp.concatenate([src, jnp.zeros((pad,), jnp.int32)]
                            ).reshape(NW, CPT, 1, CHUNK)
    dst_r = jnp.concatenate([dst, jnp.full((pad,), N, jnp.int32)]
                            ).reshape(NW, CPT, 1, CHUNK)
    meta = jnp.concatenate(
        [edge_attr, jnp.ones((E, 1), jnp.float32), jnp.zeros((E, 11), jnp.float32)],
        axis=1)
    meta_r = jnp.concatenate([meta, jnp.zeros((pad, 16), jnp.float32)]
                             ).reshape(NW, CPT, CHUNK, 16)
    zeros_d = jnp.zeros((CHUNK, D), jnp.float32)
    zeros_m = jnp.zeros((CHUNK, 16), jnp.float32)

    U0h, U0e = U0[:, :D, :], jnp.pad(U0[:, D:, :], ((0, 0), (0, 12), (0, 0)))
    U1h, U1e = U1[:, :D, :], jnp.pad(U1[:, D:, :], ((0, 0), (0, 12), (0, 0)))

    agg1, meta_p = _get_sc_agg(True)(src_r, dst_r, meta_r, x, zeros_d, zeros_m)

    full2 = lambda shp: pl.BlockSpec(shp, lambda i: (0, 0))
    full3 = lambda shp: pl.BlockSpec(shp, lambda i: (0, 0, 0))
    h1, racc01 = pl.pallas_call(
        _tc1_body,
        grid=(NBLK,),
        in_specs=[
            pl.BlockSpec((NC, BLK, D), lambda i: (0, i, 0)),
            pl.BlockSpec((NC, BLK, 16), lambda i: (0, i, 0)),
            pl.BlockSpec((BLK, D), lambda i: (i, 0)),
            full3((4, D, D)), full3((4, 16, D)),
            full2((D, D)), full2((D, D)),
        ],
        out_specs=[
            pl.BlockSpec((BLK, D), lambda i: (i, 0)),
            pl.BlockSpec((8, D), lambda i: (0, 0)),
        ],
        out_shape=[
            jax.ShapeDtypeStruct((N, D), jnp.float32),
            jax.ShapeDtypeStruct((8, D), jnp.float32),
        ],
    )(agg1, meta_p, x, U0h, U0e, R0, R1)

    agg2, = _get_sc_agg(False)(src_r, dst_r, h1, zeros_d)

    out = pl.pallas_call(
        _tc2_body,
        grid=(NBLK,),
        in_specs=[
            pl.BlockSpec((NC, BLK, D), lambda i: (0, i, 0)),
            pl.BlockSpec((NC, BLK, 16), lambda i: (0, i, 0)),
            full3((4, D, D)), full3((4, 16, D)),
            full2((D, D)),
            pl.BlockSpec((8, D), lambda i: (0, 0)),
            pl.BlockSpec((D, 1), lambda i: (0, 0)),
            pl.BlockSpec((1, 1), lambda i: (0, 0)),
        ],
        out_specs=pl.BlockSpec((1, 1), lambda i: (0, 0)),
        out_shape=jax.ShapeDtypeStruct((1, 1), jnp.float32),
        scratch_shapes=[pltpu.VMEM((1, D), jnp.float32)],
    )(agg2, meta_p, U1h, U1e, R2, racc01, W_out, b_out.reshape(1, 1))

    return out.reshape(1)

# --- scband reference (transcript-rebuilt; emitter-appended) ---
"""Pipeline reference for scband-nmp-4157528342836 (READ-ONLY COPY).

The authoritative reference and input builder live on the scoring server;
editing this copy changes nothing except your own understanding.
"""

import jax, jax.numpy as jnp
import numpy as np

N = 10000
E = 320000
D_FEAT = 128
D_EDGE = 4
OUT0 = 128
OUT1 = 128
OUT2 = 128
TARGET = 1
N_DEG = 4  # degree-specific update matrices, matching d=[1,2,3,4] (degree clipped into [1,4])


def setup_inputs(seed: int = 0) -> dict:
    key = jax.random.key(seed)
    ks = jax.random.split(key, 10)
    x = jax.random.normal(ks[0], (N, D_FEAT), dtype=jnp.float32)
    edge_index = jax.random.randint(ks[1], (2, E), 0, N, dtype=jnp.int32)
    edge_attr = jax.random.uniform(ks[2], (E, D_EDGE), dtype=jnp.float32)
    # Learned parameters (Duvenaud NMP):
    # Update functions: per-degree weight matrices H_t^{deg}
    U0 = jax.random.normal(ks[3], (N_DEG, D_FEAT + D_EDGE, OUT0), dtype=jnp.float32) * 0.1
    U1 = jax.random.normal(ks[4], (N_DEG, OUT0 + D_EDGE, OUT1), dtype=jnp.float32) * 0.1
    # Readout: per-layer softmax projection matrices W_l, then final linear to target
    R0 = jax.random.normal(ks[5], (D_FEAT, OUT2), dtype=jnp.float32) * 0.1
    R1 = jax.random.normal(ks[6], (OUT0, OUT2), dtype=jnp.float32) * 0.1
    R2 = jax.random.normal(ks[7], (OUT1, OUT2), dtype=jnp.float32) * 0.1
    W_out = jax.random.normal(ks[8], (OUT2, TARGET), dtype=jnp.float32) * 0.1
    b_out = jnp.zeros((TARGET,), dtype=jnp.float32)
    return {"x": x, "edge_index": edge_index, "edge_attr": edge_attr,
            "U0": U0, "U1": U1, "R0": R0, "R1": R1, "R2": R2,
            "W_out": W_out, "b_out": b_out}


def reference(x, edge_index, edge_attr, U0, U1, R0, R1, R2, W_out, b_out):
    src = edge_index[0]
    dst = edge_index[1]
    n = x.shape[0]
    # node in-degree (number of neighbors contributing messages)
    deg = jnp.zeros((n,), jnp.int32).at[dst].add(1)
    deg_idx = jnp.clip(deg, 1, N_DEG) - 1  # original only supports degrees in d=[1..4]

    def mp_layer(h, U):
        # Duvenaud message: m_{v<-w} = concat(h_w, e_vw); aggregate by sum over neighbors
        m = jnp.concatenate([h[src], edge_attr], axis=1)
        m_agg = jax.ops.segment_sum(m, dst, num_segments=n)
        # Duvenaud update: h_v' = sigmoid(m_agg_v @ H^{deg(v)})
        outs = jnp.einsum('ni,dio->ndo', m_agg, U)
        sel = jnp.take_along_axis(outs, deg_idx[:, None, None], axis=1)[:, 0, :]
        return jax.nn.sigmoid(sel)

    h1 = mp_layer(x, U0)
    h2 = mp_layer(h1, U1)
    # Duvenaud readout: sum over layers and nodes of softmax(h^l W_l), then linear
    acc = (jnp.sum(jax.nn.softmax(x @ R0, axis=-1), axis=0)
           + jnp.sum(jax.nn.softmax(h1 @ R1, axis=-1), axis=0)
           + jnp.sum(jax.nn.softmax(h2 @ R2, axis=-1), axis=0))
    return acc @ W_out + b_out

if __name__ == "__main__":
    import jax
    _d = setup_inputs()
    print(jax.jit(kernel)(*tuple(_d.values())))

</pallas_src>

<mosaic_0001>
#map = affine_map<(d0, d1) -> (0, 0, 0, 0)>
#map1 = affine_map<(d0, d1) -> (0, 0)>
#map2 = affine_map<(d0, d1) -> (0, 0, 0)>
module attributes {stable_mosaic.version = 14 : i64} {
  func.func @k(%arg0: i32, %arg1: i32, %arg2: memref<32x80x1x128xi32, #tpu.memory_space<hbm>>, %arg3: memref<32x80x1x128xi32, #tpu.memory_space<hbm>>, %arg4: memref<32x80x128x16xf32, #tpu.memory_space<hbm>>, %arg5: memref<10000x128xf32, #tpu.memory_space<hbm>>, %arg6: memref<128x128xf32, #tpu.memory_space<hbm>>, %arg7: memref<128x16xf32, #tpu.memory_space<hbm>>, %arg8: memref<2x10240x128xf32, #tpu.memory_space<hbm>>, %arg9: memref<2x10240x16xf32, #tpu.memory_space<hbm>>, %arg10: memref<1x128xi32, #tpu.memory_space<vmem>>, %arg11: memref<1x128xi32, #tpu.memory_space<vmem>>, %arg12: memref<1x128xi32, #tpu.memory_space<vmem>>, %arg13: memref<1x128xi32, #tpu.memory_space<vmem>>, %arg14: memref<128x128xf32, #tpu.memory_space<vmem>>, %arg15: memref<128x128xf32, #tpu.memory_space<vmem>>, %arg16: memref<!tpu.dma_semaphore, #tpu.memory_space<semaphore_mem>>, %arg17: memref<!tpu.dma_semaphore, #tpu.memory_space<semaphore_mem>>, %arg18: memref<!tpu.dma_semaphore, #tpu.memory_space<semaphore_mem>>, %arg19: memref<!tpu.dma_semaphore, #tpu.memory_space<semaphore_mem>>, %arg20: memref<10240x128xf32, #tpu.memory_space<vmem_shared>>, %arg21: memref<128x16xf32, #tpu.memory_space<vmem>>, %arg22: memref<128x16xf32, #tpu.memory_space<vmem>>, %arg23: memref<!tpu.dma_semaphore, #tpu.memory_space<semaphore_mem>>, %arg24: memref<!tpu.dma_semaphore, #tpu.memory_space<semaphore_mem>>, %arg25: memref<10240x16xf32, #tpu.memory_space<vmem_shared>>) attributes {dimension_semantics = [#tpu.dimension_semantics<core_parallel>, #tpu.dimension_semantics<subcore_parallel>], iteration_bounds = array<i64: 2, 16>, scalar_prefetch = 0 : i64, scratch_operands = 16 : i64, tpu.core_type = #tpu.core_type<sc_vector_subcore>, window_params = [{transform_indices = #map}, {transform_indices = #map}, {transform_indices = #map}, {transform_indices = #map1}, {transform_indices = #map1}, {transform_indices = #map1}, {transform_indices = #map2}, {transform_indices = #map2}]} {
    %mul3A = arith.constant 16 : i32
    %mul3A_0 = arith.muli %arg0, %mul3A : i32
    %add3A = arith.addi %mul3A_0, %arg1 : i32
    %mul3A_1 = arith.constant 640 : i32
    %mul3A_2 = arith.muli %arg1, %mul3A_1 : i32
    "tpu.region"() ({
      %run_scoped3A = tpu.sem_alloc : memref<!tpu.dma_semaphore, #tpu.memory_space<semaphore_mem>>
      tpu.enqueue_dma source(%arg6 : memref<128x128xf32, #tpu.memory_space<hbm>>) target(%arg14 : memref<128x128xf32, #tpu.memory_space<vmem>>) target_semaphore(%run_scoped3A : memref<!tpu.dma_semaphore, #tpu.memory_space<semaphore_mem>>)
      tpu.wait_dma2 semaphore(%run_scoped3A : memref<!tpu.dma_semaphore, #tpu.memory_space<semaphore_mem>>) src(%arg6 : memref<128x128xf32, #tpu.memory_space<hbm>>) dst(%arg14 : memref<128x128xf32, #tpu.memory_space<vmem>>)
      tpu.yield
    }) : () -> ()
    "tpu.region"() ({
      %run_scoped3A = tpu.sem_alloc : memref<!tpu.dma_semaphore, #tpu.memory_space<semaphore_mem>>
      tpu.enqueue_dma source(%arg7 : memref<128x16xf32, #tpu.memory_space<hbm>>) target(%arg21 : memref<128x16xf32, #tpu.memory_space<vmem>>) target_semaphore(%run_scoped3A : memref<!tpu.dma_semaphore, #tpu.memory_space<semaphore_mem>>)
      tpu.wait_dma2 semaphore(%run_scoped3A : memref<!tpu.dma_semaphore, #tpu.memory_space<semaphore_mem>>) src(%arg7 : memref<128x16xf32, #tpu.memory_space<hbm>>) dst(%arg21 : memref<128x16xf32, #tpu.memory_space<vmem>>)
      tpu.yield
    }) : () -> ()
    %add3A_3 = arith.constant 0 : i32
    %add3A_4 = arith.addi %mul3A_2, %add3A_3 : i32
    "tpu.region"() ({
      %run_scoped3A = tpu.sem_alloc : memref<!tpu.dma_semaphore, #tpu.memory_space<semaphore_mem>>
      %dma_start3A_148 = arith.constant 0 : i32
      %dma_start3A_149 = tpu.memref_slice %arg20[%add3A_4, %dma_start3A_148] : memref<10240x128xf32, #tpu.memory_space<vmem_shared>> -> memref<128x128xf32, #tpu.memory_space<vmem_shared>>
      %dma_start3A_150 = arith.constant 0 : i32
      %dma_start3A_151 = tpu.memref_slice %arg20[%add3A_4, %dma_start3A_150] : memref<10240x128xf32, #tpu.memory_space<vmem_shared>> -> memref<128x128xf32, #tpu.memory_space<vmem_shared>>
      tpu.enqueue_dma source(%arg14 : memref<128x128xf32, #tpu.memory_space<vmem>>) target(%dma_start3A_151 : memref<128x128xf32, #tpu.memory_space<vmem_shared>>) target_semaphore(%run_scoped3A : memref<!tpu.dma_semaphore, #tpu.memory_space<semaphore_mem>>)
      %dma_wait3A_152 = arith.constant 0 : i32
      %dma_wait3A_153 = tpu.memref_slice %arg20[%add3A_4, %dma_wait3A_152] : memref<10240x128xf32, #tpu.memory_space<vmem_shared>> -> memref<128x128xf32, #tpu.memory_space<vmem_shared>>
      %dma_wait3A_154 = arith.constant 0 : i32
      %dma_wait3A_155 = tpu.memref_slice %arg20[%add3A_4, %dma_wait3A_154] : memref<10240x128xf32, #tpu.memory_space<vmem_shared>> -> memref<128x128xf32, #tpu.memory_space<vmem_shared>>
      tpu.wait_dma2 semaphore(%run_scoped3A : memref<!tpu.dma_semaphore, #tpu.memory_space<semaphore_mem>>) src(%arg14 : memref<128x128xf32, #tpu.memory_space<vmem>>) dst(%dma_wait3A_155 : memref<128x128xf32, #tpu.memory_space<vmem_shared>>)
      tpu.yield
    }) : () -> ()
    %add3A_5 = arith.constant 0 : i32
    %add3A_6 = arith.addi %mul3A_2, %add3A_5 : i32
    "tpu.region"() ({
      %run_scoped3A = tpu.sem_alloc : memref<!tpu.dma_semaphore, #tpu.memory_space<semaphore_mem>>
      %dma_start3A_148 = arith.constant 0 : i32
      %dma_start3A_149 = tpu.memref_slice %arg25[%add3A_6, %dma_start3A_148] : memref<10240x16xf32, #tpu.memory_space<vmem_shared>> -> memref<128x16xf32, #tpu.memory_space<vmem_shared>>
      %dma_start3A_150 = arith.constant 0 : i32
      %dma_start3A_151 = tpu.memref_slice %arg25[%add3A_6, %dma_start3A_150] : memref<10240x16xf32, #tpu.memory_space<vmem_shared>> -> memref<128x16xf32, #tpu.memory_space<vmem_shared>>
      tpu.enqueue_dma source(%arg21 : memref<128x16xf32, #tpu.memory_space<vmem>>) target(%dma_start3A_151 : memref<128x16xf32, #tpu.memory_space<vmem_shared>>) target_semaphore(%run_scoped3A : memref<!tpu.dma_semaphore, #tpu.memory_space<semaphore_mem>>)
      %dma_wait3A_152 = arith.constant 0 : i32
      %dma_wait3A_153 = tpu.memref_slice %arg25[%add3A_6, %dma_wait3A_152] : memref<10240x16xf32, #tpu.memory_space<vmem_shared>> -> memref<128x16xf32, #tpu.memory_space<vmem_shared>>
      %dma_wait3A_154 = arith.constant 0 : i32
      %dma_wait3A_155 = tpu.memref_slice %arg25[%add3A_6, %dma_wait3A_154] : memref<10240x16xf32, #tpu.memory_space<vmem_shared>> -> memref<128x16xf32, #tpu.memory_space<vmem_shared>>
      tpu.wait_dma2 semaphore(%run_scoped3A : memref<!tpu.dma_semaphore, #tpu.memory_space<semaphore_mem>>) src(%arg21 : memref<128x16xf32, #tpu.memory_space<vmem>>) dst(%dma_wait3A_155 : memref<128x16xf32, #tpu.memory_space<vmem_shared>>)
      tpu.yield
    }) : () -> ()
    %add3A_7 = arith.constant 128 : i32
    %add3A_8 = arith.addi %mul3A_2, %add3A_7 : i32
    "tpu.region"() ({
      %run_scoped3A = tpu.sem_alloc : memref<!tpu.dma_semaphore, #tpu.memory_space<semaphore_mem>>
      %dma_start3A_148 = arith.constant 0 : i32
      %dma_start3A_149 = tpu.memref_slice %arg20[%add3A_8, %dma_start3A_148] : memref<10240x128xf32, #tpu.memory_space<vmem_shared>> -> memref<128x128xf32, #tpu.memory_space<vmem_shared>>
      %dma_start3A_150 = arith.constant 0 : i32
      %dma_start3A_151 = tpu.memref_slice %arg20[%add3A_8, %dma_start3A_150] : memref<10240x128xf32, #tpu.memory_space<vmem_shared>> -> memref<128x128xf32, #tpu.memory_space<vmem_shared>>
      tpu.enqueue_dma source(%arg14 : memref<128x128xf32, #tpu.memory_space<vmem>>) target(%dma_start3A_151 : memref<128x128xf32, #tpu.memory_space<vmem_shared>>) target_semaphore(%run_scoped3A : memref<!tpu.dma_semaphore, #tpu.memory_space<semaphore_mem>>)
      %dma_wait3A_152 = arith.constant 0 : i32
      %dma_wait3A_153 = tpu.memref_slice %arg20[%add3A_8, %dma_wait3A_152] : memref<10240x128xf32, #tpu.memory_space<vmem_shared>> -> memref<128x128xf32, #tpu.memory_space<vmem_shared>>
      %dma_wait3A_154 = arith.constant 0 : i32
      %dma_wait3A_155 = tpu.memref_slice %arg20[%add3A_8, %dma_wait3A_154] : memref<10240x128xf32, #tpu.memory_space<vmem_shared>> -> memref<128x128xf32, #tpu.memory_space<vmem_shared>>
      tpu.wait_dma2 semaphore(%run_scoped3A : memref<!tpu.dma_semaphore, #tpu.memory_space<semaphore_mem>>) src(%arg14 : memref<128x128xf32, #tpu.memory_space<vmem>>) dst(%dma_wait3A_155 : memref<128x128xf32, #tpu.memory_space<vmem_shared>>)
      tpu.yield
    }) : () -> ()
    %add3A_9 = arith.constant 128 : i32
    %add3A_10 = arith.addi %mul3A_2, %add3A_9 : i32
    "tpu.region"() ({
      %run_scoped3A = tpu.sem_alloc : memref<!tpu.dma_semaphore, #tpu.memory_space<semaphore_mem>>
      %dma_start3A_148 = arith.constant 0 : i32
      %dma_start3A_149 = tpu.memref_slice %arg25[%add3A_10, %dma_start3A_148] : memref<10240x16xf32, #tpu.memory_space<vmem_shared>> -> memref<128x16xf32, #tpu.memory_space<vmem_shared>>
      %dma_start3A_150 = arith.constant 0 : i32
      %dma_start3A_151 = tpu.memref_slice %arg25[%add3A_10, %dma_start3A_150] : memref<10240x16xf32, #tpu.memory_space<vmem_shared>> -> memref<128x16xf32, #tpu.memory_space<vmem_shared>>
      tpu.enqueue_dma source(%arg21 : memref<128x16xf32, #tpu.memory_space<vmem>>) target(%dma_start3A_151 : memref<128x16xf32, #tpu.memory_space<vmem_shared>>) target_semaphore(%run_scoped3A : memref<!tpu.dma_semaphore, #tpu.memory_space<semaphore_mem>>)
      %dma_wait3A_152 = arith.constant 0 : i32
      %dma_wait3A_153 = tpu.memref_slice %arg25[%add3A_10, %dma_wait3A_152] : memref<10240x16xf32, #tpu.memory_space<vmem_shared>> -> memref<128x16xf32, #tpu.memory_space<vmem_shared>>
      %dma_wait3A_154 = arith.constant 0 : i32
      %dma_wait3A_155 = tpu.memref_slice %arg25[%add3A_10, %dma_wait3A_154] : memref<10240x16xf32, #tpu.memory_space<vmem_shared>> -> memref<128x16xf32, #tpu.memory_space<vmem_shared>>
      tpu.wait_dma2 semaphore(%run_scoped3A : memref<!tpu.dma_semaphore, #tpu.memory_space<semaphore_mem>>) src(%arg21 : memref<128x16xf32, #tpu.memory_space<vmem>>) dst(%dma_wait3A_155 : memref<128x16xf32, #tpu.memory_space<vmem_shared>>)
      tpu.yield
    }) : () -> ()
    %add3A_11 = arith.constant 256 : i32
    %add3A_12 = arith.addi %mul3A_2, %add3A_11 : i32
    "tpu.region"() ({
      %run_scoped3A = tpu.sem_alloc : memref<!tpu.dma_semaphore, #tpu.memory_space<semaphore_mem>>
      %dma_start3A_148 = arith.constant 0 : i32
      %dma_start3A_149 = tpu.memref_slice %arg20[%add3A_12, %dma_start3A_148] : memref<10240x128xf32, #tpu.memory_space<vmem_shared>> -> memref<128x128xf32, #tpu.memory_space<vmem_shared>>
      %dma_start3A_150 = arith.constant 0 : i32
      %dma_start3A_151 = tpu.memref_slice %arg20[%add3A_12, %dma_start3A_150] : memref<10240x128xf32, #tpu.memory_space<vmem_shared>> -> memref<128x128xf32, #tpu.memory_space<vmem_shared>>
      tpu.enqueue_dma source(%arg14 : memref<128x128xf32, #tpu.memory_space<vmem>>) target(%dma_start3A_151 : memref<128x128xf32, #tpu.memory_space<vmem_shared>>) target_semaphore(%run_scoped3A : memref<!tpu.dma_semaphore, #tpu.memory_space<semaphore_mem>>)
      %dma_wait3A_152 = arith.constant 0 : i32
      %dma_wait3A_153 = tpu.memref_slice %arg20[%add3A_12, %dma_wait3A_152] : memref<10240x128xf32, #tpu.memory_space<vmem_shared>> -> memref<128x128xf32, #tpu.memory_space<vmem_shared>>
      %dma_wait3A_154 = arith.constant 0 : i32
      %dma_wait3A_155 = tpu.memref_slice %arg20[%add3A_12, %dma_wait3A_154] : memref<10240x128xf32, #tpu.memory_space<vmem_shared>> -> memref<128x128xf32, #tpu.memory_space<vmem_shared>>
      tpu.wait_dma2 semaphore(%run_scoped3A : memref<!tpu.dma_semaphore, #tpu.memory_space<semaphore_mem>>) src(%arg14 : memref<128x128xf32, #tpu.memory_space<vmem>>) dst(%dma_wait3A_155 : memref<128x128xf32, #tpu.memory_space<vmem_shared>>)
      tpu.yield
    }) : () -> ()
    %add3A_13 = arith.constant 256 : i32
    %add3A_14 = arith.addi %mul3A_2, %add3A_13 : i32
    "tpu.region"() ({
      %run_scoped3A = tpu.sem_alloc : memref<!tpu.dma_semaphore, #tpu.memory_space<semaphore_mem>>
      %dma_start3A_148 = arith.constant 0 : i32
      %dma_start3A_149 = tpu.memref_slice %arg25[%add3A_14, %dma_start3A_148] : memref<10240x16xf32, #tpu.memory_space<vmem_shared>> -> memref<128x16xf32, #tpu.memory_space<vmem_shared>>
      %dma_start3A_150 = arith.constant 0 : i32
      %dma_start3A_151 = tpu.memref_slice %arg25[%add3A_14, %dma_start3A_150] : memref<10240x16xf32, #tpu.memory_space<vmem_shared>> -> memref<128x16xf32, #tpu.memory_space<vmem_shared>>
      tpu.enqueue_dma source(%arg21 : memref<128x16xf32, #tpu.memory_space<vmem>>) target(%dma_start3A_151 : memref<128x16xf32, #tpu.memory_space<vmem_shared>>) target_semaphore(%run_scoped3A : memref<!tpu.dma_semaphore, #tpu.memory_space<semaphore_mem>>)
      %dma_wait3A_152 = arith.constant 0 : i32
      %dma_wait3A_153 = tpu.memref_slice %arg25[%add3A_14, %dma_wait3A_152] : memref<10240x16xf32, #tpu.memory_space<vmem_shared>> -> memref<128x16xf32, #tpu.memory_space<vmem_shared>>
      %dma_wait3A_154 = arith.constant 0 : i32
      %dma_wait3A_155 = tpu.memref_slice %arg25[%add3A_14, %dma_wait3A_154] : memref<10240x16xf32, #tpu.memory_space<vmem_shared>> -> memref<128x16xf32, #tpu.memory_space<vmem_shared>>
      tpu.wait_dma2 semaphore(%run_scoped3A : memref<!tpu.dma_semaphore, #tpu.memory_space<semaphore_mem>>) src(%arg21 : memref<128x16xf32, #tpu.memory_space<vmem>>) dst(%dma_wait3A_155 : memref<128x16xf32, #tpu.memory_space<vmem_shared>>)
      tpu.yield
    }) : () -> ()
    %add3A_15 = arith.constant 384 : i32
    %add3A_16 = arith.addi %mul3A_2, %add3A_15 : i32
    "tpu.region"() ({
      %run_scoped3A = tpu.sem_alloc : memref<!tpu.dma_semaphore, #tpu.memory_space<semaphore_mem>>
      %dma_start3A_148 = arith.constant 0 : i32
      %dma_start3A_149 = tpu.memref_slice %arg20[%add3A_16, %dma_start3A_148] : memref<10240x128xf32, #tpu.memory_space<vmem_shared>> -> memref<128x128xf32, #tpu.memory_space<vmem_shared>>
      %dma_start3A_150 = arith.constant 0 : i32
      %dma_start3A_151 = tpu.memref_slice %arg20[%add3A_16, %dma_start3A_150] : memref<10240x128xf32, #tpu.memory_space<vmem_shared>> -> memref<128x128xf32, #tpu.memory_space<vmem_shared>>
      tpu.enqueue_dma source(%arg14 : memref<128x128xf32, #tpu.memory_space<vmem>>) target(%dma_start3A_151 : memref<128x128xf32, #tpu.memory_space<vmem_shared>>) target_semaphore(%run_scoped3A : memref<!tpu.dma_semaphore, #tpu.memory_space<semaphore_mem>>)
      %dma_wait3A_152 = arith.constant 0 : i32
      %dma_wait3A_153 = tpu.memref_slice %arg20[%add3A_16, %dma_wait3A_152] : memref<10240x128xf32, #tpu.memory_space<vmem_shared>> -> memref<128x128xf32, #tpu.memory_space<vmem_shared>>
      %dma_wait3A_154 = arith.constant 0 : i32
      %dma_wait3A_155 = tpu.memref_slice %arg20[%add3A_16, %dma_wait3A_154] : memref<10240x128xf32, #tpu.memory_space<vmem_shared>> -> memref<128x128xf32, #tpu.memory_space<vmem_shared>>
      tpu.wait_dma2 semaphore(%run_scoped3A : memref<!tpu.dma_semaphore, #tpu.memory_space<semaphore_mem>>) src(%arg14 : memref<128x128xf32, #tpu.memory_space<vmem>>) dst(%dma_wait3A_155 : memref<128x128xf32, #tpu.memory_space<vmem_shared>>)
      tpu.yield
    }) : () -> ()
    %add3A_17 = arith.constant 384 : i32
    %add3A_18 = arith.addi %mul3A_2, %add3A_17 : i32
    "tpu.region"() ({
      %run_scoped3A = tpu.sem_alloc : memref<!tpu.dma_semaphore, #tpu.memory_space<semaphore_mem>>
      %dma_start3A_148 = arith.constant 0 : i32
      %dma_start3A_149 = tpu.memref_slice %arg25[%add3A_18, %dma_start3A_148] : memref<10240x16xf32, #tpu.memory_space<vmem_shared>> -> memref<128x16xf32, #tpu.memory_space<vmem_shared>>
      %dma_start3A_150 = arith.constant 0 : i32
      %dma_start3A_151 = tpu.memref_slice %arg25[%add3A_18, %dma_start3A_150] : memref<10240x16xf32, #tpu.memory_space<vmem_shared>> -> memref<128x16xf32, #tpu.memory_space<vmem_shared>>
      tpu.enqueue_dma source(%arg21 : memref<128x16xf32, #tpu.memory_space<vmem>>) target(%dma_start3A_151 : memref<128x16xf32, #tpu.memory_space<vmem_shared>>) target_semaphore(%run_scoped3A : memref<!tpu.dma_semaphore, #tpu.memory_space<semaphore_mem>>)
      %dma_wait3A_152 = arith.constant 0 : i32
      %dma_wait3A_153 = tpu.memref_slice %arg25[%add3A_18, %dma_wait3A_152] : memref<10240x16xf32, #tpu.memory_space<vmem_shared>> -> memref<128x16xf32, #tpu.memory_space<vmem_shared>>
      %dma_wait3A_154 = arith.constant 0 : i32
      %dma_wait3A_155 = tpu.memref_slice %arg25[%add3A_18, %dma_wait3A_154] : memref<10240x16xf32, #tpu.memory_space<vmem_shared>> -> memref<128x16xf32, #tpu.memory_space<vmem_shared>>
      tpu.wait_dma2 semaphore(%run_scoped3A : memref<!tpu.dma_semaphore, #tpu.memory_space<semaphore_mem>>) src(%arg21 : memref<128x16xf32, #tpu.memory_space<vmem>>) dst(%dma_wait3A_155 : memref<128x16xf32, #tpu.memory_space<vmem_shared>>)
      tpu.yield
    }) : () -> ()
    %add3A_19 = arith.constant 512 : i32
    %add3A_20 = arith.addi %mul3A_2, %add3A_19 : i32
    "tpu.region"() ({
      %run_scoped3A = tpu.sem_alloc : memref<!tpu.dma_semaphore, #tpu.memory_space<semaphore_mem>>
      %dma_start3A_148 = arith.constant 0 : i32
      %dma_start3A_149 = tpu.memref_slice %arg20[%add3A_20, %dma_start3A_148] : memref<10240x128xf32, #tpu.memory_space<vmem_shared>> -> memref<128x128xf32, #tpu.memory_space<vmem_shared>>
      %dma_start3A_150 = arith.constant 0 : i32
      %dma_start3A_151 = tpu.memref_slice %arg20[%add3A_20, %dma_start3A_150] : memref<10240x128xf32, #tpu.memory_space<vmem_shared>> -> memref<128x128xf32, #tpu.memory_space<vmem_shared>>
      tpu.enqueue_dma source(%arg14 : memref<128x128xf32, #tpu.memory_space<vmem>>) target(%dma_start3A_151 : memref<128x128xf32, #tpu.memory_space<vmem_shared>>) target_semaphore(%run_scoped3A : memref<!tpu.dma_semaphore, #tpu.memory_space<semaphore_mem>>)
      %dma_wait3A_152 = arith.constant 0 : i32
      %dma_wait3A_153 = tpu.memref_slice %arg20[%add3A_20, %dma_wait3A_152] : memref<10240x128xf32, #tpu.memory_space<vmem_shared>> -> memref<128x128xf32, #tpu.memory_space<vmem_shared>>
      %dma_wait3A_154 = arith.constant 0 : i32
      %dma_wait3A_155 = tpu.memref_slice %arg20[%add3A_20, %dma_wait3A_154] : memref<10240x128xf32, #tpu.memory_space<vmem_shared>> -> memref<128x128xf32, #tpu.memory_space<vmem_shared>>
      tpu.wait_dma2 semaphore(%run_scoped3A : memref<!tpu.dma_semaphore, #tpu.memory_space<semaphore_mem>>) src(%arg14 : memref<128x128xf32, #tpu.memory_space<vmem>>) dst(%dma_wait3A_155 : memref<128x128xf32, #tpu.memory_space<vmem_shared>>)
      tpu.yield
    }) : () -> ()
    %add3A_21 = arith.constant 512 : i32
    %add3A_22 = arith.addi %mul3A_2, %add3A_21 : i32
    "tpu.region"() ({
      %run_scoped3A = tpu.sem_alloc : memref<!tpu.dma_semaphore, #tpu.memory_space<semaphore_mem>>
      %dma_start3A_148 = arith.constant 0 : i32
      %dma_start3A_149 = tpu.memref_slice %arg25[%add3A_22, %dma_start3A_148] : memref<10240x16xf32, #tpu.memory_space<vmem_shared>> -> memref<128x16xf32, #tpu.memory_space<vmem_shared>>
      %dma_start3A_150 = arith.constant 0 : i32
      %dma_start3A_151 = tpu.memref_slice %arg25[%add3A_22, %dma_start3A_150] : memref<10240x16xf32, #tpu.memory_space<vmem_shared>> -> memref<128x16xf32, #tpu.memory_space<vmem_shared>>
      tpu.enqueue_dma source(%arg21 : memref<128x16xf32, #tpu.memory_space<vmem>>) target(%dma_start3A_151 : memref<128x16xf32, #tpu.memory_space<vmem_shared>>) target_semaphore(%run_scoped3A : memref<!tpu.dma_semaphore, #tpu.memory_space<semaphore_mem>>)
      %dma_wait3A_152 = arith.constant 0 : i32
      %dma_wait3A_153 = tpu.memref_slice %arg25[%add3A_22, %dma_wait3A_152] : memref<10240x16xf32, #tpu.memory_space<vmem_shared>> -> memref<128x16xf32, #tpu.memory_space<vmem_shared>>
      %dma_wait3A_154 = arith.constant 0 : i32
      %dma_wait3A_155 = tpu.memref_slice %arg25[%add3A_22, %dma_wait3A_154] : memref<10240x16xf32, #tpu.memory_space<vmem_shared>> -> memref<128x16xf32, #tpu.memory_space<vmem_shared>>
      tpu.wait_dma2 semaphore(%run_scoped3A : memref<!tpu.dma_semaphore, #tpu.memory_space<semaphore_mem>>) src(%arg21 : memref<128x16xf32, #tpu.memory_space<vmem>>) dst(%dma_wait3A_155 : memref<128x16xf32, #tpu.memory_space<vmem_shared>>)
      tpu.yield
    }) : () -> ()
    %barrier3A = arith.constant 0 : index
    tpu.barrier barrier_id(%barrier3A)
    %dma_start3A = arith.constant 0 : i32
    %dma_start3A_23 = arith.constant 0 : i32
    %dma_start3A_24 = arith.constant 0 : i32
    %dma_start3A_25 = tpu.memref_slice %arg2[%add3A, %dma_start3A, %dma_start3A_23, %dma_start3A_24] : memref<32x80x1x128xi32, #tpu.memory_space<hbm>> -> memref<1x1x1x128xi32, #tpu.memory_space<hbm>>
    %dma_start3A_26 = tpu.memref_squeeze %dma_start3A_25 : memref<1x1x1x128xi32, #tpu.memory_space<hbm>> -> memref<1x128xi32, #tpu.memory_space<hbm>>
    %dma_start3A_27 = arith.constant 0 : i32
    %dma_start3A_28 = arith.constant 0 : i32
    %dma_start3A_29 = tpu.memref_slice %arg2[%add3A, %dma_start3A, %dma_start3A_27, %dma_start3A_28] : memref<32x80x1x128xi32, #tpu.memory_space<hbm>> -> memref<1x1x1x128xi32, #tpu.memory_space<hbm>>
    %dma_start3A_30 = tpu.memref_squeeze %dma_start3A_29 : memref<1x1x1x128xi32, #tpu.memory_space<hbm>> -> memref<1x128xi32, #tpu.memory_space<hbm>>
    tpu.enqueue_dma source(%dma_start3A_30 : memref<1x128xi32, #tpu.memory_space<hbm>>) target(%arg10 : memref<1x128xi32, #tpu.memory_space<vmem>>) target_semaphore(%arg18 : memref<!tpu.dma_semaphore, #tpu.memory_space<semaphore_mem>>)
    %dma_start3A_31 = arith.constant 0 : i32
    %dma_start3A_32 = arith.constant 0 : i32
    %dma_start3A_33 = arith.constant 0 : i32
    %dma_start3A_34 = tpu.memref_slice %arg3[%add3A, %dma_start3A_31, %dma_start3A_32, %dma_start3A_33] : memref<32x80x1x128xi32, #tpu.memory_space<hbm>> -> memref<1x1x1x128xi32, #tpu.memory_space<hbm>>
    %dma_start3A_35 = tpu.memref_squeeze %dma_start3A_34 : memref<1x1x1x128xi32, #tpu.memory_space<hbm>> -> memref<1x128xi32, #tpu.memory_space<hbm>>
    %dma_start3A_36 = arith.constant 0 : i32
    %dma_start3A_37 = arith.constant 0 : i32
    %dma_start3A_38 = tpu.memref_slice %arg3[%add3A, %dma_start3A_31, %dma_start3A_36, %dma_start3A_37] : memref<32x80x1x128xi32, #tpu.memory_space<hbm>> -> memref<1x1x1x128xi32, #tpu.memory_space<hbm>>
    %dma_start3A_39 = tpu.memref_squeeze %dma_start3A_38 : memref<1x1x1x128xi32, #tpu.memory_space<hbm>> -> memref<1x128xi32, #tpu.memory_space<hbm>>
    tpu.enqueue_dma source(%dma_start3A_39 : memref<1x128xi32, #tpu.memory_space<hbm>>) target(%arg12 : memref<1x128xi32, #tpu.memory_space<vmem>>) target_semaphore(%arg18 : memref<!tpu.dma_semaphore, #tpu.memory_space<semaphore_mem>>)
    %dma_start3A_40 = arith.constant 1 : i32
    %dma_start3A_41 = arith.constant 0 : i32
    %dma_start3A_42 = arith.constant 0 : i32
    %dma_start3A_43 = tpu.memref_slice %arg2[%add3A, %dma_start3A_40, %dma_start3A_41, %dma_start3A_42] : memref<32x80x1x128xi32, #tpu.memory_space<hbm>> -> memref<1x1x1x128xi32, #tpu.memory_space<hbm>>
    %dma_start3A_44 = tpu.memref_squeeze %dma_start3A_43 : memref<1x1x1x128xi32, #tpu.memory_space<hbm>> -> memref<1x128xi32, #tpu.memory_space<hbm>>
    %dma_start3A_45 = arith.constant 0 : i32
    %dma_start3A_46 = arith.constant 0 : i32
    %dma_start3A_47 = tpu.memref_slice %arg2[%add3A, %dma_start3A_40, %dma_start3A_45, %dma_start3A_46] : memref<32x80x1x128xi32, #tpu.memory_space<hbm>> -> memref<1x1x1x128xi32, #tpu.memory_space<hbm>>
    %dma_start3A_48 = tpu.memref_squeeze %dma_start3A_47 : memref<1x1x1x128xi32, #tpu.memory_space<hbm>> -> memref<1x128xi32, #tpu.memory_space<hbm>>
    tpu.enqueue_dma source(%dma_start3A_48 : memref<1x128xi32, #tpu.memory_space<hbm>>) target(%arg11 : memref<1x128xi32, #tpu.memory_space<vmem>>) target_semaphore(%arg19 : memref<!tpu.dma_semaphore, #tpu.memory_space<semaphore_mem>>)
    %dma_start3A_49 = arith.constant 1 : i32
    %dma_start3A_50 = arith.constant 0 : i32
    %dma_start3A_51 = arith.constant 0 : i32
    %dma_start3A_52 = tpu.memref_slice %arg3[%add3A, %dma_start3A_49, %dma_start3A_50, %dma_start3A_51] : memref<32x80x1x128xi32, #tpu.memory_space<hbm>> -> memref<1x1x1x128xi32, #tpu.memory_space<hbm>>
    %dma_start3A_53 = tpu.memref_squeeze %dma_start3A_52 : memref<1x1x1x128xi32, #tpu.memory_space<hbm>> -> memref<1x128xi32, #tpu.memory_space<hbm>>
    %dma_start3A_54 = arith.constant 0 : i32
    %dma_start3A_55 = arith.constant 0 : i32
    %dma_start3A_56 = tpu.memref_slice %arg3[%add3A, %dma_start3A_49, %dma_start3A_54, %dma_start3A_55] : memref<32x80x1x128xi32, #tpu.memory_space<hbm>> -> memref<1x1x1x128xi32, #tpu.memory_space<hbm>>
    %dma_start3A_57 = tpu.memref_squeeze %dma_start3A_56 : memref<1x1x1x128xi32, #tpu.memory_space<hbm>> -> memref<1x128xi32, #tpu.memory_space<hbm>>
    tpu.enqueue_dma source(%dma_start3A_57 : memref<1x128xi32, #tpu.memory_space<hbm>>) target(%arg13 : memref<1x128xi32, #tpu.memory_space<vmem>>) target_semaphore(%arg19 : memref<!tpu.dma_semaphore, #tpu.memory_space<semaphore_mem>>)
    %dma_start3A_58 = arith.constant 0 : i32
    %dma_start3A_59 = arith.constant 0 : i32
    %dma_start3A_60 = arith.constant 0 : i32
    %dma_start3A_61 = tpu.memref_slice %arg4[%add3A, %dma_start3A_58, %dma_start3A_59, %dma_start3A_60] : memref<32x80x128x16xf32, #tpu.memory_space<hbm>> -> memref<1x1x128x16xf32, #tpu.memory_space<hbm>>
    %dma_start3A_62 = tpu.memref_squeeze %dma_start3A_61 : memref<1x1x128x16xf32, #tpu.memory_space<hbm>> -> memref<128x16xf32, #tpu.memory_space<hbm>>
    %dma_start3A_63 = arith.constant 0 : i32
    %dma_start3A_64 = arith.constant 0 : i32
    %dma_start3A_65 = tpu.memref_slice %arg4[%add3A, %dma_start3A_58, %dma_start3A_63, %dma_start3A_64] : memref<32x80x128x16xf32, #tpu.memory_space<hbm>> -> memref<1x1x128x16xf32, #tpu.memory_space<hbm>>
    %dma_start3A_66 = tpu.memref_squeeze %dma_start3A_65 : memref<1x1x128x16xf32, #tpu.memory_space<hbm>> -> memref<128x16xf32, #tpu.memory_space<hbm>>
    tpu.enqueue_dma source(%dma_start3A_66 : memref<128x16xf32, #tpu.memory_space<hbm>>) target(%arg21 : memref<128x16xf32, #tpu.memory_space<vmem>>) target_semaphore(%arg23 : memref<!tpu.dma_semaphore, #tpu.memory_space<semaphore_mem>>)
    %dma_start3A_67 = arith.constant 1 : i32
    %dma_start3A_68 = arith.constant 0 : i32
    %dma_start3A_69 = arith.constant 0 : i32
    %dma_start3A_70 = tpu.memref_slice %arg4[%add3A, %dma_start3A_67, %dma_start3A_68, %dma_start3A_69] : memref<32x80x128x16xf32, #tpu.memory_space<hbm>> -> memref<1x1x128x16xf32, #tpu.memory_space<hbm>>
    %dma_start3A_71 = tpu.memref_squeeze %dma_start3A_70 : memref<1x1x128x16xf32, #tpu.memory_space<hbm>> -> memref<128x16xf32, #tpu.memory_space<hbm>>
    %dma_start3A_72 = arith.constant 0 : i32
    %dma_start3A_73 = arith.constant 0 : i32
    %dma_start3A_74 = tpu.memref_slice %arg4[%add3A, %dma_start3A_67, %dma_start3A_72, %dma_start3A_73] : memref<32x80x128x16xf32, #tpu.memory_space<hbm>> -> memref<1x1x128x16xf32, #tpu.memory_space<hbm>>
    %dma_start3A_75 = tpu.memref_squeeze %dma_start3A_74 : memref<1x1x128x16xf32, #tpu.memory_space<hbm>> -> memref<128x16xf32, #tpu.memory_space<hbm>>
    tpu.enqueue_dma source(%dma_start3A_75 : memref<128x16xf32, #tpu.memory_space<hbm>>) target(%arg22 : memref<128x16xf32, #tpu.memory_space<vmem>>) target_semaphore(%arg24 : memref<!tpu.dma_semaphore, #tpu.memory_space<semaphore_mem>>)
    %dma_wait3A = arith.constant 0 : i32
    %dma_wait3A_76 = arith.constant 0 : i32
    %dma_wait3A_77 = arith.constant 0 : i32
    %dma_wait3A_78 = tpu.memref_slice %arg2[%add3A, %dma_wait3A, %dma_wait3A_76, %dma_wait3A_77] : memref<32x80x1x128xi32, #tpu.memory_space<hbm>> -> memref<1x1x1x128xi32, #tpu.memory_space<hbm>>
    %dma_wait3A_79 = tpu.memref_squeeze %dma_wait3A_78 : memref<1x1x1x128xi32, #tpu.memory_space<hbm>> -> memref<1x128xi32, #tpu.memory_space<hbm>>
    %dma_wait3A_80 = arith.constant 0 : i32
    %dma_wait3A_81 = arith.constant 0 : i32
    %dma_wait3A_82 = tpu.memref_slice %arg2[%add3A, %dma_wait3A, %dma_wait3A_80, %dma_wait3A_81] : memref<32x80x1x128xi32, #tpu.memory_space<hbm>> -> memref<1x1x1x128xi32, #tpu.memory_space<hbm>>
    %dma_wait3A_83 = tpu.memref_squeeze %dma_wait3A_82 : memref<1x1x1x128xi32, #tpu.memory_space<hbm>> -> memref<1x128xi32, #tpu.memory_space<hbm>>
    tpu.wait_dma2 semaphore(%arg18 : memref<!tpu.dma_semaphore, #tpu.memory_space<semaphore_mem>>) src(%dma_wait3A_83 : memref<1x128xi32, #tpu.memory_space<hbm>>) dst(%arg10 : memref<1x128xi32, #tpu.memory_space<vmem>>)
    %dma_wait3A_84 = arith.constant 0 : i32
    %dma_wait3A_85 = arith.constant 0 : i32
    %dma_wait3A_86 = arith.constant 0 : i32
    %dma_wait3A_87 = tpu.memref_slice %arg3[%add3A, %dma_wait3A_84, %dma_wait3A_85, %dma_wait3A_86] : memref<32x80x1x128xi32, #tpu.memory_space<hbm>> -> memref<1x1x1x128xi32, #tpu.memory_space<hbm>>
    %dma_wait3A_88 = tpu.memref_squeeze %dma_wait3A_87 : memref<1x1x1x128xi32, #tpu.memory_space<hbm>> -> memref<1x128xi32, #tpu.memory_space<hbm>>
    %dma_wait3A_89 = arith.constant 0 : i32
    %dma_wait3A_90 = arith.constant 0 : i32
    %dma_wait3A_91 = tpu.memref_slice %arg3[%add3A, %dma_wait3A_84, %dma_wait3A_89, %dma_wait3A_90] : memref<32x80x1x128xi32, #tpu.memory_space<hbm>> -> memref<1x1x1x128xi32, #tpu.memory_space<hbm>>
    %dma_wait3A_92 = tpu.memref_squeeze %dma_wait3A_91 : memref<1x1x1x128xi32, #tpu.memory_space<hbm>> -> memref<1x128xi32, #tpu.memory_space<hbm>>
    tpu.wait_dma2 semaphore(%arg18 : memref<!tpu.dma_semaphore, #tpu.memory_space<semaphore_mem>>) src(%dma_wait3A_92 : memref<1x128xi32, #tpu.memory_space<hbm>>) dst(%arg12 : memref<1x128xi32, #tpu.memory_space<vmem>>)
    %dma_start3A_93 = arith.constant 0 : i32
    %dma_start3A_94 = arith.constant 0 : i32
    %dma_start3A_95 = arith.constant 0 : i32
    %dma_start3A_96 = tpu.memref_slice %arg14[%dma_start3A_94, %dma_start3A_95] : memref<128x128xf32, #tpu.memory_space<vmem>> -> memref<32x128xf32, #tpu.memory_space<vmem>>
    %dma_start3A_97 = arith.constant 0 : i32
    %dma_start3A_98 = tpu.memref_slice %arg10[%dma_start3A_93, %dma_start3A_97] : memref<1x128xi32, #tpu.memory_space<vmem>> -> memref<1x32xi32, #tpu.memory_space<vmem>>
    %dma_start3A_99 = tpu.memref_squeeze %dma_start3A_98 : memref<1x32xi32, #tpu.memory_space<vmem>> -> memref<32xi32, #tpu.memory_space<vmem>>
    %dma_start3A_100 = arith.constant 0 : i32
    %dma_start3A_101 = arith.constant 0 : i32
    %dma_start3A_102 = tpu.memref_slice %arg5[%dma_start3A_100, %dma_start3A_101] : memref<10000x128xf32, #tpu.memory_space<hbm>> -> memref<10000x128xf32, #tpu.memory_space<hbm>>
    tpu.enqueue_indirect_dma source(%dma_start3A_102 : memref<10000x128xf32, #tpu.memory_space<hbm>>) target(%dma_start3A_96 : memref<32x128xf32, #tpu.memory_space<vmem>>) offsets(%dma_start3A_99 : memref<32xi32, #tpu.memory_space<vmem>>) semaphore(%arg16 : memref<!tpu.dma_semaphore, #tpu.memory_space<semaphore_mem>>)
    %dma_start3A_103 = arith.constant 0 : i32
    %dma_start3A_104 = arith.constant 32 : i32
    %dma_start3A_105 = arith.constant 0 : i32
    %dma_start3A_106 = tpu.memref_slice %arg14[%dma_start3A_104, %dma_start3A_105] : memref<128x128xf32, #tpu.memory_space<vmem>> -> memref<32x128xf32, #tpu.memory_space<vmem>>
    %dma_start3A_107 = arith.constant 32 : i32
    %dma_start3A_108 = tpu.memref_slice %arg10[%dma_start3A_103, %dma_start3A_107] : memref<1x128xi32, #tpu.memory_space<vmem>> -> memref<1x32xi32, #tpu.memory_space<vmem>>
    %dma_start3A_109 = tpu.memref_squeeze %dma_start3A_108 : memref<1x32xi32, #tpu.memory_space<vmem>> -> memref<32xi32, #tpu.memory_space<vmem>>
    %dma_start3A_110 = arith.constant 0 : i32
    %dma_start3A_111 = arith.constant 0 : i32
    %dma_start3A_112 = tpu.memref_slice %arg5[%dma_start3A_110, %dma_start3A_111] : memref<10000x128xf32, #tpu.memory_space<hbm>> -> memref<10000x128xf32, #tpu.memory_space<hbm>>
    tpu.enqueue_indirect_dma source(%dma_start3A_112 : memref<10000x128xf32, #tpu.memory_space<hbm>>) target(%dma_start3A_106 : memref<32x128xf32, #tpu.memory_space<vmem>>) offsets(%dma_start3A_109 : memref<32xi32, #tpu.memory_space<vmem>>) semaphore(%arg16 : memref<!tpu.dma_semaphore, #tpu.memory_space<semaphore_mem>>)
    %dma_start3A_113 = arith.constant 0 : i32
    %dma_start3A_114 = arith.constant 64 : i32
    %dma_start3A_115 = arith.constant 0 : i32
    %dma_start3A_116 = tpu.memref_slice %arg14[%dma_start3A_114, %dma_start3A_115] : memref<128x128xf32, #tpu.memory_space<vmem>> -> memref<32x128xf32, #tpu.memory_space<vmem>>
    %dma_start3A_117 = arith.constant 64 : i32
    %dma_start3A_118 = tpu.memref_slice %arg10[%dma_start3A_113, %dma_start3A_117] : memref<1x128xi32, #tpu.memory_space<vmem>> -> memref<1x32xi32, #tpu.memory_space<vmem>>
    %dma_start3A_119 = tpu.memref_squeeze %dma_start3A_118 : memref<1x32xi32, #tpu.memory_space<vmem>> -> memref<32xi32, #tpu.memory_space<vmem>>
    %dma_start3A_120 = arith.constant 0 : i32
    %dma_start3A_121 = arith.constant 0 : i32
    %dma_start3A_122 = tpu.memref_slice %arg5[%dma_start3A_120, %dma_start3A_121] : memref<10000x128xf32, #tpu.memory_space<hbm>> -> memref<10000x128xf32, #tpu.memory_space<hbm>>
    tpu.enqueue_indirect_dma source(%dma_start3A_122 : memref<10000x128xf32, #tpu.memory_space<hbm>>) target(%dma_start3A_116 : memref<32x128xf32, #tpu.memory_space<vmem>>) offsets(%dma_start3A_119 : memref<32xi32, #tpu.memory_space<vmem>>) semaphore(%arg16 : memref<!tpu.dma_semaphore, #tpu.memory_space<semaphore_mem>>)
    %dma_start3A_123 = arith.constant 0 : i32
    %dma_start3A_124 = arith.constant 96 : i32
    %dma_start3A_125 = arith.constant 0 : i32
    %dma_start3A_126 = tpu.memref_slice %arg14[%dma_start3A_124, %dma_start3A_125] : memref<128x128xf32, #tpu.memory_space<vmem>> -> memref<32x128xf32, #tpu.memory_space<vmem>>
    %dma_start3A_127 = arith.constant 96 : i32
    %dma_start3A_128 = tpu.memref_slice %arg10[%dma_start3A_123, %dma_start3A_127] : memref<1x128xi32, #tpu.memory_space<vmem>> -> memref<1x32xi32, #tpu.memory_space<vmem>>
    %dma_start3A_129 = tpu.memref_squeeze %dma_start3A_128 : memref<1x32xi32, #tpu.memory_space<vmem>> -> memref<32xi32, #tpu.memory_space<vmem>>
    %dma_start3A_130 = arith.constant 0 : i32
    %dma_start3A_131 = arith.constant 0 : i32
    %dma_start3A_132 = tpu.memref_slice %arg5[%dma_start3A_130, %dma_start3A_131] : memref<10000x128xf32, #tpu.memory_space<hbm>> -> memref<10000x128xf32, #tpu.memory_space<hbm>>
    tpu.enqueue_indirect_dma source(%dma_start3A_132 : memref<10000x128xf32, #tpu.memory_space<hbm>>) target(%dma_start3A_126 : memref<32x128xf32, #tpu.memory_space<vmem>>) offsets(%dma_start3A_129 : memref<32xi32, #tpu.memory_space<vmem>>) semaphore(%arg16 : memref<!tpu.dma_semaphore, #tpu.memory_space<semaphore_mem>>)
    %scan3A = arith.constant 0 : i32
    %scan3A_133 = arith.constant 40 : i32
    %scan3A_134 = arith.addi %scan3A, %scan3A_133 : i32
    %scan3A_135 = arith.constant 1 : i32
    scf.for %scan3A_148 = %scan3A to %scan3A_134 step %scan3A_135  : i32 {
      %mul3A_149 = arith.constant 2 : i32
      %mul3A_150 = arith.muli %mul3A_149, %scan3A_148 : i32
      %add3A_151 = arith.constant 0 : i32
      %add3A_152 = arith.addi %mul3A_150, %add3A_151 : i32
      %dma_wait3A_153 = arith.constant 0 : i32
      %dma_wait3A_154 = arith.constant 0 : i32
      %dma_wait3A_155 = arith.constant 0 : i32
      %dma_wait3A_156 = tpu.memref_slice %arg14[%dma_wait3A_154, %dma_wait3A_155] : memref<128x128xf32, #tpu.memory_space<vmem>> -> memref<32x128xf32, #tpu.memory_space<vmem>>
      %dma_wait3A_157 = arith.constant 0 : i32
      %dma_wait3A_158 = tpu.memref_slice %arg10[%dma_wait3A_153, %dma_wait3A_157] : memref<1x128xi32, #tpu.memory_space<vmem>> -> memref<1x32xi32, #tpu.memory_space<vmem>>
      %dma_wait3A_159 = tpu.memref_squeeze %dma_wait3A_158 : memref<1x32xi32, #tpu.memory_space<vmem>> -> memref<32xi32, #tpu.memory_space<vmem>>
      %dma_wait3A_160 = arith.constant 0 : i32
      %dma_wait3A_161 = arith.constant 0 : i32
      %dma_wait3A_162 = tpu.memref_slice %arg5[%dma_wait3A_160, %dma_wait3A_161] : memref<10000x128xf32, #tpu.memory_space<hbm>> -> memref<10000x128xf32, #tpu.memory_space<hbm>>
      tpu.wait_indirect_dma semaphore(%arg16 : memref<!tpu.dma_semaphore, #tpu.memory_space<semaphore_mem>>) src(%dma_wait3A_162 : memref<10000x128xf32, #tpu.memory_space<hbm>>) dst(%dma_wait3A_156 : memref<32x128xf32, #tpu.memory_space<vmem>>)
      %dma_wait3A_163 = arith.constant 0 : i32
      %dma_wait3A_164 = arith.constant 32 : i32
      %dma_wait3A_165 = arith.constant 0 : i32
      %dma_wait3A_166 = tpu.memref_slice %arg14[%dma_wait3A_164, %dma_wait3A_165] : memref<128x128xf32, #tpu.memory_space<vmem>> -> memref<32x128xf32, #tpu.memory_space<vmem>>
      %dma_wait3A_167 = arith.constant 32 : i32
      %dma_wait3A_168 = tpu.memref_slice %arg10[%dma_wait3A_163, %dma_wait3A_167] : memref<1x128xi32, #tpu.memory_space<vmem>> -> memref<1x32xi32, #tpu.memory_space<vmem>>
      %dma_wait3A_169 = tpu.memref_squeeze %dma_wait3A_168 : memref<1x32xi32, #tpu.memory_space<vmem>> -> memref<32xi32, #tpu.memory_space<vmem>>
      %dma_wait3A_170 = arith.constant 0 : i32
      %dma_wait3A_171 = arith.constant 0 : i32
      %dma_wait3A_172 = tpu.memref_slice %arg5[%dma_wait3A_170, %dma_wait3A_171] : memref<10000x128xf32, #tpu.memory_space<hbm>> -> memref<10000x128xf32, #tpu.memory_space<hbm>>
      tpu.wait_indirect_dma semaphore(%arg16 : memref<!tpu.dma_semaphore, #tpu.memory_space<semaphore_mem>>) src(%dma_wait3A_172 : memref<10000x128xf32, #tpu.memory_space<hbm>>) dst(%dma_wait3A_166 : memref<32x128xf32, #tpu.memory_space<vmem>>)
      %dma_wait3A_173 = arith.constant 0 : i32
      %dma_wait3A_174 = arith.constant 64 : i32
      %dma_wait3A_175 = arith.constant 0 : i32
      %dma_wait3A_176 = tpu.memref_slice %arg14[%dma_wait3A_174, %dma_wait3A_175] : memref<128x128xf32, #tpu.memory_space<vmem>> -> memref<32x128xf32, #tpu.memory_space<vmem>>
      %dma_wait3A_177 = arith.constant 64 : i32
      %dma_wait3A_178 = tpu.memref_slice %arg10[%dma_wait3A_173, %dma_wait3A_177] : memref<1x128xi32, #tpu.memory_space<vmem>> -> memref<1x32xi32, #tpu.memory_space<vmem>>
      %dma_wait3A_179 = tpu.memref_squeeze %dma_wait3A_178 : memref<1x32xi32, #tpu.memory_space<vmem>> -> memref<32xi32, #tpu.memory_space<vmem>>
      %dma_wait3A_180 = arith.constant 0 : i32
      %dma_wait3A_181 = arith.constant 0 : i32
      %dma_wait3A_182 = tpu.memref_slice %arg5[%dma_wait3A_180, %dma_wait3A_181] : memref<10000x128xf32, #tpu.memory_space<hbm>> -> memref<10000x128xf32, #tpu.memory_space<hbm>>
      tpu.wait_indirect_dma semaphore(%arg16 : memref<!tpu.dma_semaphore, #tpu.memory_space<semaphore_mem>>) src(%dma_wait3A_182 : memref<10000x128xf32, #tpu.memory_space<hbm>>) dst(%dma_wait3A_176 : memref<32x128xf32, #tpu.memory_space<vmem>>)
      %dma_wait3A_183 = arith.constant 0 : i32
      %dma_wait3A_184 = arith.constant 96 : i32
      %dma_wait3A_185 = arith.constant 0 : i32
      %dma_wait3A_186 = tpu.memref_slice %arg14[%dma_wait3A_184, %dma_wait3A_185] : memref<128x128xf32, #tpu.memory_space<vmem>> -> memref<32x128xf32, #tpu.memory_space<vmem>>
      %dma_wait3A_187 = arith.constant 96 : i32
      %dma_wait3A_188 = tpu.memref_slice %arg10[%dma_wait3A_183, %dma_wait3A_187] : memref<1x128xi32, #tpu.memory_space<vmem>> -> memref<1x32xi32, #tpu.memory_space<vmem>>
      %dma_wait3A_189 = tpu.memref_squeeze %dma_wait3A_188 : memref<1x32xi32, #tpu.memory_space<vmem>> -> memref<32xi32, #tpu.memory_space<vmem>>
      %dma_wait3A_190 = arith.constant 0 : i32
      %dma_wait3A_191 = arith.constant 0 : i32
      %dma_wait3A_192 = tpu.memref_slice %arg5[%dma_wait3A_190, %dma_wait3A_191] : memref<10000x128xf32, #tpu.memory_space<hbm>> -> memref<10000x128xf32, #tpu.memory_space<hbm>>
      tpu.wait_indirect_dma semaphore(%arg16 : memref<!tpu.dma_semaphore, #tpu.memory_space<semaphore_mem>>) src(%dma_wait3A_192 : memref<10000x128xf32, #tpu.memory_space<hbm>>) dst(%dma_wait3A_186 : memref<32x128xf32, #tpu.memory_space<vmem>>)
      %lt3A = arith.constant 79 : i32
      %lt3A_193 = arith.cmpi slt, %add3A_152, %lt3A : i32
      %convert_element_type3A = arith.extui %lt3A_193 : i1 to i32
      %cond3A = arith.constant 0 : i32
      %cond3A_194 = arith.cmpi ne, %convert_element_type3A, %cond3A : i32
      scf.if %cond3A_194 {
        %add3A_273 = arith.constant 1 : i32
        %add3A_274 = arith.addi %add3A_152, %add3A_273 : i32
        %dma_wait3A_275 = arith.constant 0 : i32
        %dma_wait3A_276 = arith.constant 0 : i32
        %dma_wait3A_277 = tpu.memref_slice %arg2[%add3A, %add3A_274, %dma_wait3A_275, %dma_wait3A_276] : memref<32x80x1x128xi32, #tpu.memory_space<hbm>> -> memref<1x1x1x128xi32, #tpu.memory_space<hbm>>
        %dma_wait3A_278 = tpu.memref_squeeze %dma_wait3A_277 : memref<1x1x1x128xi32, #tpu.memory_space<hbm>> -> memref<1x128xi32, #tpu.memory_space<hbm>>
        %dma_wait3A_279 = arith.constant 0 : i32
        %dma_wait3A_280 = arith.constant 0 : i32
        %dma_wait3A_281 = tpu.memref_slice %arg2[%add3A, %add3A_274, %dma_wait3A_279, %dma_wait3A_280] : memref<32x80x1x128xi32, #tpu.memory_space<hbm>> -> memref<1x1x1x128xi32, #tpu.memory_space<hbm>>
        %dma_wait3A_282 = tpu.memref_squeeze %dma_wait3A_281 : memref<1x1x1x128xi32, #tpu.memory_space<hbm>> -> memref<1x128xi32, #tpu.memory_space<hbm>>
        tpu.wait_dma2 semaphore(%arg19 : memref<!tpu.dma_semaphore, #tpu.memory_space<semaphore_mem>>) src(%dma_wait3A_282 : memref<1x128xi32, #tpu.memory_space<hbm>>) dst(%arg11 : memref<1x128xi32, #tpu.memory_space<vmem>>)
        %dma_wait3A_283 = arith.constant 0 : i32
        %dma_wait3A_284 = arith.constant 0 : i32
        %dma_wait3A_285 = tpu.memref_slice %arg3[%add3A, %add3A_274, %dma_wait3A_283, %dma_wait3A_284] : memref<32x80x1x128xi32, #tpu.memory_space<hbm>> -> memref<1x1x1x128xi32, #tpu.memory_space<hbm>>
        %dma_wait3A_286 = tpu.memref_squeeze %dma_wait3A_285 : memref<1x1x1x128xi32, #tpu.memory_space<hbm>> -> memref<1x128xi32, #tpu.memory_space<hbm>>
        %dma_wait3A_287 = arith.constant 0 : i32
        %dma_wait3A_288 = arith.constant 0 : i32
        %dma_wait3A_289 = tpu.memref_slice %arg3[%add3A, %add3A_274, %dma_wait3A_287, %dma_wait3A_288] : memref<32x80x1x128xi32, #tpu.memory_space<hbm>> -> memref<1x1x1x128xi32, #tpu.memory_space<hbm>>
        %dma_wait3A_290 = tpu.memref_squeeze %dma_wait3A_289 : memref<1x1x1x128xi32, #tpu.memory_space<hbm>> -> memref<1x128xi32, #tpu.memory_space<hbm>>
        tpu.wait_dma2 semaphore(%arg19 : memref<!tpu.dma_semaphore, #tpu.memory_space<semaphore_mem>>) src(%dma_wait3A_290 : memref<1x128xi32, #tpu.memory_space<hbm>>) dst(%arg13 : memref<1x128xi32, #tpu.memory_space<vmem>>)
        %dma_start3A_291 = arith.constant 0 : i32
        %dma_start3A_292 = arith.constant 0 : i32
        %dma_start3A_293 = arith.constant 0 : i32
        %dma_start3A_294 = tpu.memref_slice %arg15[%dma_start3A_292, %dma_start3A_293] : memref<128x128xf32, #tpu.memory_space<vmem>> -> memref<32x128xf32, #tpu.memory_space<vmem>>
        %dma_start3A_295 = arith.constant 0 : i32
        %dma_start3A_296 = tpu.memref_slice %arg11[%dma_start3A_291, %dma_start3A_295] : memref<1x128xi32, #tpu.memory_space<vmem>> -> memref<1x32xi32, #tpu.memory_space<vmem>>
        %dma_start3A_297 = tpu.memref_squeeze %dma_start3A_296 : memref<1x32xi32, #tpu.memory_space<vmem>> -> memref<32xi32, #tpu.memory_space<vmem>>
        %dma_start3A_298 = arith.constant 0 : i32
        %dma_start3A_299 = arith.constant 0 : i32
        %dma_start3A_300 = tpu.memref_slice %arg5[%dma_start3A_298, %dma_start3A_299] : memref<10000x128xf32, #tpu.memory_space<hbm>> -> memref<10000x128xf32, #tpu.memory_space<hbm>>
        tpu.enqueue_indirect_dma source(%dma_start3A_300 : memref<10000x128xf32, #tpu.memory_space<hbm>>) target(%dma_start3A_294 : memref<32x128xf32, #tpu.memory_space<vmem>>) offsets(%dma_start3A_297 : memref<32xi32, #tpu.memory_space<vmem>>) semaphore(%arg17 : memref<!tpu.dma_semaphore, #tpu.memory_space<semaphore_mem>>)
        %dma_start3A_301 = arith.constant 0 : i32
        %dma_start3A_302 = arith.constant 32 : i32
        %dma_start3A_303 = arith.constant 0 : i32
        %dma_start3A_304 = tpu.memref_slice %arg15[%dma_start3A_302, %dma_start3A_303] : memref<128x128xf32, #tpu.memory_space<vmem>> -> memref<32x128xf32, #tpu.memory_space<vmem>>
        %dma_start3A_305 = arith.constant 32 : i32
        %dma_start3A_306 = tpu.memref_slice %arg11[%dma_start3A_301, %dma_start3A_305] : memref<1x128xi32, #tpu.memory_space<vmem>> -> memref<1x32xi32, #tpu.memory_space<vmem>>
        %dma_start3A_307 = tpu.memref_squeeze %dma_start3A_306 : memref<1x32xi32, #tpu.memory_space<vmem>> -> memref<32xi32, #tpu.memory_space<vmem>>
        %dma_start3A_308 = arith.constant 0 : i32
        %dma_start3A_309 = arith.constant 0 : i32
        %dma_start3A_310 = tpu.memref_slice %arg5[%dma_start3A_308, %dma_start3A_309] : memref<10000x128xf32, #tpu.memory_space<hbm>> -> memref<10000x128xf32, #tpu.memory_space<hbm>>
        tpu.enqueue_indirect_dma source(%dma_start3A_310 : memref<10000x128xf32, #tpu.memory_space<hbm>>) target(%dma_start3A_304 : memref<32x128xf32, #tpu.memory_space<vmem>>) offsets(%dma_start3A_307 : memref<32xi32, #tpu.memory_space<vmem>>) semaphore(%arg17 : memref<!tpu.dma_semaphore, #tpu.memory_space<semaphore_mem>>)
        %dma_start3A_311 = arith.constant 0 : i32
        %dma_start3A_312 = arith.constant 64 : i32
        %dma_start3A_313 = arith.constant 0 : i32
        %dma_start3A_314 = tpu.memref_slice %arg15[%dma_start3A_312, %dma_start3A_313] : memref<128x128xf32, #tpu.memory_space<vmem>> -> memref<32x128xf32, #tpu.memory_space<vmem>>
        %dma_start3A_315 = arith.constant 64 : i32
        %dma_start3A_316 = tpu.memref_slice %arg11[%dma_start3A_311, %dma_start3A_315] : memref<1x128xi32, #tpu.memory_space<vmem>> -> memref<1x32xi32, #tpu.memory_space<vmem>>
        %dma_start3A_317 = tpu.memref_squeeze %dma_start3A_316 : memref<1x32xi32, #tpu.memory_space<vmem>> -> memref<32xi32, #tpu.memory_space<vmem>>
        %dma_start3A_318 = arith.constant 0 : i32
        %dma_start3A_319 = arith.constant 0 : i32
        %dma_start3A_320 = tpu.memref_slice %arg5[%dma_start3A_318, %dma_start3A_319] : memref<10000x128xf32, #tpu.memory_space<hbm>> -> memref<10000x128xf32, #tpu.memory_space<hbm>>
        tpu.enqueue_indirect_dma source(%dma_start3A_320 : memref<10000x128xf32, #tpu.memory_space<hbm>>) target(%dma_start3A_314 : memref<32x128xf32, #tpu.memory_space<vmem>>) offsets(%dma_start3A_317 : memref<32xi32, #tpu.memory_space<vmem>>) semaphore(%arg17 : memref<!tpu.dma_semaphore, #tpu.memory_space<semaphore_mem>>)
        %dma_start3A_321 = arith.constant 0 : i32
        %dma_start3A_322 = arith.constant 96 : i32
        %dma_start3A_323 = arith.constant 0 : i32
        %dma_start3A_324 = tpu.memref_slice %arg15[%dma_start3A_322, %dma_start3A_323] : memref<128x128xf32, #tpu.memory_space<vmem>> -> memref<32x128xf32, #tpu.memory_space<vmem>>
        %dma_start3A_325 = arith.constant 96 : i32
        %dma_start3A_326 = tpu.memref_slice %arg11[%dma_start3A_321, %dma_start3A_325] : memref<1x128xi32, #tpu.memory_space<vmem>> -> memref<1x32xi32, #tpu.memory_space<vmem>>
        %dma_start3A_327 = tpu.memref_squeeze %dma_start3A_326 : memref<1x32xi32, #tpu.memory_space<vmem>> -> memref<32xi32, #tpu.memory_space<vmem>>
        %dma_start3A_328 = arith.constant 0 : i32
        %dma_start3A_329 = arith.constant 0 : i32
        %dma_start3A_330 = tpu.memref_slice %arg5[%dma_start3A_328, %dma_start3A_329] : memref<10000x128xf32, #tpu.memory_space<hbm>> -> memref<10000x128xf32, #tpu.memory_space<hbm>>
        tpu.enqueue_indirect_dma source(%dma_start3A_330 : memref<10000x128xf32, #tpu.memory_space<hbm>>) target(%dma_start3A_324 : memref<32x128xf32, #tpu.memory_space<vmem>>) offsets(%dma_start3A_327 : memref<32xi32, #tpu.memory_space<vmem>>) semaphore(%arg17 : memref<!tpu.dma_semaphore, #tpu.memory_space<semaphore_mem>>)
      } else {
      }
      %run_scoped3A = arith.constant 0 : i32
      "tpu.region"() ({
        %run_scoped3A_273 = tpu.sem_alloc : memref<!tpu.dma_semaphore, #tpu.memory_space<semaphore_mem>>
        %dma_start3A_274 = arith.constant 0 : i32
        %dma_start3A_275 = tpu.memref_slice %arg12[%run_scoped3A, %dma_start3A_274] : memref<1x128xi32, #tpu.memory_space<vmem>> -> memref<1x128xi32, #tpu.memory_space<vmem>>
        %dma_start3A_276 = tpu.memref_squeeze %dma_start3A_275 : memref<1x128xi32, #tpu.memory_space<vmem>> -> memref<128xi32, #tpu.memory_space<vmem>>
        %dma_start3A_277 = arith.constant 0 : i32
        %dma_start3A_278 = arith.constant 0 : i32
        %dma_start3A_279 = tpu.memref_slice %arg20[%dma_start3A_277, %dma_start3A_278] : memref<10240x128xf32, #tpu.memory_space<vmem_shared>> -> memref<10240x128xf32, #tpu.memory_space<vmem_shared>>
        tpu.enqueue_indirect_dma source(%arg14 : memref<128x128xf32, #tpu.memory_space<vmem>>) target(%dma_start3A_279 : memref<10240x128xf32, #tpu.memory_space<vmem_shared>>) offsets(%dma_start3A_276 : memref<128xi32, #tpu.memory_space<vmem>>) semaphore(%run_scoped3A_273 : memref<!tpu.dma_semaphore, #tpu.memory_space<semaphore_mem>>) {add = true}
        %dma_wait3A_280 = arith.constant 0 : i32
        %dma_wait3A_281 = tpu.memref_slice %arg12[%run_scoped3A, %dma_wait3A_280] : memref<1x128xi32, #tpu.memory_space<vmem>> -> memref<1x128xi32, #tpu.memory_space<vmem>>
        %dma_wait3A_282 = tpu.memref_squeeze %dma_wait3A_281 : memref<1x128xi32, #tpu.memory_space<vmem>> -> memref<128xi32, #tpu.memory_space<vmem>>
        %dma_wait3A_283 = arith.constant 0 : i32
        %dma_wait3A_284 = arith.constant 0 : i32
        %dma_wait3A_285 = tpu.memref_slice %arg20[%dma_wait3A_283, %dma_wait3A_284] : memref<10240x128xf32, #tpu.memory_space<vmem_shared>> -> memref<10240x128xf32, #tpu.memory_space<vmem_shared>>
        tpu.wait_indirect_dma semaphore(%run_scoped3A_273 : memref<!tpu.dma_semaphore, #tpu.memory_space<semaphore_mem>>) src(%arg14 : memref<128x128xf32, #tpu.memory_space<vmem>>) dst(%dma_wait3A_285 : memref<10240x128xf32, #tpu.memory_space<vmem_shared>>)
        tpu.yield
      }) : () -> ()
      %dma_wait3A_195 = arith.constant 0 : i32
      %dma_wait3A_196 = arith.constant 0 : i32
      %dma_wait3A_197 = tpu.memref_slice %arg4[%add3A, %add3A_152, %dma_wait3A_195, %dma_wait3A_196] : memref<32x80x128x16xf32, #tpu.memory_space<hbm>> -> memref<1x1x128x16xf32, #tpu.memory_space<hbm>>
      %dma_wait3A_198 = tpu.memref_squeeze %dma_wait3A_197 : memref<1x1x128x16xf32, #tpu.memory_space<hbm>> -> memref<128x16xf32, #tpu.memory_space<hbm>>
      %dma_wait3A_199 = arith.constant 0 : i32
      %dma_wait3A_200 = arith.constant 0 : i32
      %dma_wait3A_201 = tpu.memref_slice %arg4[%add3A, %add3A_152, %dma_wait3A_199, %dma_wait3A_200] : memref<32x80x128x16xf32, #tpu.memory_space<hbm>> -> memref<1x1x128x16xf32, #tpu.memory_space<hbm>>
      %dma_wait3A_202 = tpu.memref_squeeze %dma_wait3A_201 : memref<1x1x128x16xf32, #tpu.memory_space<hbm>> -> memref<128x16xf32, #tpu.memory_space<hbm>>
      tpu.wait_dma2 semaphore(%arg23 : memref<!tpu.dma_semaphore, #tpu.memory_space<semaphore_mem>>) src(%dma_wait3A_202 : memref<128x16xf32, #tpu.memory_space<hbm>>) dst(%arg21 : memref<128x16xf32, #tpu.memory_space<vmem>>)
      %run_scoped3A_203 = arith.constant 0 : i32
      "tpu.region"() ({
        %run_scoped3A_273 = tpu.sem_alloc : memref<!tpu.dma_semaphore, #tpu.memory_space<semaphore_mem>>
        %dma_start3A_274 = arith.constant 0 : i32
        %dma_start3A_275 = tpu.memref_slice %arg12[%run_scoped3A_203, %dma_start3A_274] : memref<1x128xi32, #tpu.memory_space<vmem>> -> memref<1x128xi32, #tpu.memory_space<vmem>>
        %dma_start3A_276 = tpu.memref_squeeze %dma_start3A_275 : memref<1x128xi32, #tpu.memory_space<vmem>> -> memref<128xi32, #tpu.memory_space<vmem>>
        %dma_start3A_277 = arith.constant 0 : i32
        %dma_start3A_278 = arith.constant 0 : i32
        %dma_start3A_279 = tpu.memref_slice %arg25[%dma_start3A_277, %dma_start3A_278] : memref<10240x16xf32, #tpu.memory_space<vmem_shared>> -> memref<10240x16xf32, #tpu.memory_space<vmem_shared>>
        tpu.enqueue_indirect_dma source(%arg21 : memref<128x16xf32, #tpu.memory_space<vmem>>) target(%dma_start3A_279 : memref<10240x16xf32, #tpu.memory_space<vmem_shared>>) offsets(%dma_start3A_276 : memref<128xi32, #tpu.memory_space<vmem>>) semaphore(%run_scoped3A_273 : memref<!tpu.dma_semaphore, #tpu.memory_space<semaphore_mem>>) {add = true}
        %dma_wait3A_280 = arith.constant 0 : i32
        %dma_wait3A_281 = tpu.memref_slice %arg12[%run_scoped3A_203, %dma_wait3A_280] : memref<1x128xi32, #tpu.memory_space<vmem>> -> memref<1x128xi32, #tpu.memory_space<vmem>>
        %dma_wait3A_282 = tpu.memref_squeeze %dma_wait3A_281 : memref<1x128xi32, #tpu.memory_space<vmem>> -> memref<128xi32, #tpu.memory_space<vmem>>
        %dma_wait3A_283 = arith.constant 0 : i32
        %dma_wait3A_284 = arith.constant 0 : i32
        %dma_wait3A_285 = tpu.memref_slice %arg25[%dma_wait3A_283, %dma_wait3A_284] : memref<10240x16xf32, #tpu.memory_space<vmem_shared>> -> memref<10240x16xf32, #tpu.memory_space<vmem_shared>>
        tpu.wait_indirect_dma semaphore(%run_scoped3A_273 : memref<!tpu.dma_semaphore, #tpu.memory_space<semaphore_mem>>) src(%arg21 : memref<128x16xf32, #tpu.memory_space<vmem>>) dst(%dma_wait3A_285 : memref<10240x16xf32, #tpu.memory_space<vmem_shared>>)
        tpu.yield
      }) : () -> ()
      %lt3A_204 = arith.constant 78 : i32
      %lt3A_205 = arith.cmpi slt, %add3A_152, %lt3A_204 : i32
      %convert_element_type3A_206 = arith.extui %lt3A_205 : i1 to i32
      %cond3A_207 = arith.constant 0 : i32
      %cond3A_208 = arith.cmpi ne, %convert_element_type3A_206, %cond3A_207 : i32
      scf.if %cond3A_208 {
        %add3A_273 = arith.constant 2 : i32
        %add3A_274 = arith.addi %add3A_152, %add3A_273 : i32
        %dma_start3A_275 = arith.constant 0 : i32
        %dma_start3A_276 = arith.constant 0 : i32
        %dma_start3A_277 = tpu.memref_slice %arg2[%add3A, %add3A_274, %dma_start3A_275, %dma_start3A_276] : memref<32x80x1x128xi32, #tpu.memory_space<hbm>> -> memref<1x1x1x128xi32, #tpu.memory_space<hbm>>
        %dma_start3A_278 = tpu.memref_squeeze %dma_start3A_277 : memref<1x1x1x128xi32, #tpu.memory_space<hbm>> -> memref<1x128xi32, #tpu.memory_space<hbm>>
        %dma_start3A_279 = arith.constant 0 : i32
        %dma_start3A_280 = arith.constant 0 : i32
        %dma_start3A_281 = tpu.memref_slice %arg2[%add3A, %add3A_274, %dma_start3A_279, %dma_start3A_280] : memref<32x80x1x128xi32, #tpu.memory_space<hbm>> -> memref<1x1x1x128xi32, #tpu.memory_space<hbm>>
        %dma_start3A_282 = tpu.memref_squeeze %dma_start3A_281 : memref<1x1x1x128xi32, #tpu.memory_space<hbm>> -> memref<1x128xi32, #tpu.memory_space<hbm>>
        tpu.enqueue_dma source(%dma_start3A_282 : memref<1x128xi32, #tpu.memory_space<hbm>>) target(%arg10 : memref<1x128xi32, #tpu.memory_space<vmem>>) target_semaphore(%arg18 : memref<!tpu.dma_semaphore, #tpu.memory_space<semaphore_mem>>)
        %dma_start3A_283 = arith.constant 0 : i32
        %dma_start3A_284 = arith.constant 0 : i32
        %dma_start3A_285 = tpu.memref_slice %arg3[%add3A, %add3A_274, %dma_start3A_283, %dma_start3A_284] : memref<32x80x1x128xi32, #tpu.memory_space<hbm>> -> memref<1x1x1x128xi32, #tpu.memory_space<hbm>>
        %dma_start3A_286 = tpu.memref_squeeze %dma_start3A_285 : memref<1x1x1x128xi32, #tpu.memory_space<hbm>> -> memref<1x128xi32, #tpu.memory_space<hbm>>
        %dma_start3A_287 = arith.constant 0 : i32
        %dma_start3A_288 = arith.constant 0 : i32
        %dma_start3A_289 = tpu.memref_slice %arg3[%add3A, %add3A_274, %dma_start3A_287, %dma_start3A_288] : memref<32x80x1x128xi32, #tpu.memory_space<hbm>> -> memref<1x1x1x128xi32, #tpu.memory_space<hbm>>
        %dma_start3A_290 = tpu.memref_squeeze %dma_start3A_289 : memref<1x1x1x128xi32, #tpu.memory_space<hbm>> -> memref<1x128xi32, #tpu.memory_space<hbm>>
        tpu.enqueue_dma source(%dma_start3A_290 : memref<1x128xi32, #tpu.memory_space<hbm>>) target(%arg12 : memref<1x128xi32, #tpu.memory_space<vmem>>) target_semaphore(%arg18 : memref<!tpu.dma_semaphore, #tpu.memory_space<semaphore_mem>>)
        %add3A_291 = arith.constant 2 : i32
        %add3A_292 = arith.addi %add3A_152, %add3A_291 : i32
        %dma_start3A_293 = arith.constant 0 : i32
        %dma_start3A_294 = arith.constant 0 : i32
        %dma_start3A_295 = tpu.memref_slice %arg4[%add3A, %add3A_292, %dma_start3A_293, %dma_start3A_294] : memref<32x80x128x16xf32, #tpu.memory_space<hbm>> -> memref<1x1x128x16xf32, #tpu.memory_space<hbm>>
        %dma_start3A_296 = tpu.memref_squeeze %dma_start3A_295 : memref<1x1x128x16xf32, #tpu.memory_space<hbm>> -> memref<128x16xf32, #tpu.memory_space<hbm>>
        %dma_start3A_297 = arith.constant 0 : i32
        %dma_start3A_298 = arith.constant 0 : i32
        %dma_start3A_299 = tpu.memref_slice %arg4[%add3A, %add3A_292, %dma_start3A_297, %dma_start3A_298] : memref<32x80x128x16xf32, #tpu.memory_space<hbm>> -> memref<1x1x128x16xf32, #tpu.memory_space<hbm>>
        %dma_start3A_300 = tpu.memref_squeeze %dma_start3A_299 : memref<1x1x128x16xf32, #tpu.memory_space<hbm>> -> memref<128x16xf32, #tpu.memory_space<hbm>>
        tpu.enqueue_dma source(%dma_start3A_300 : memref<128x16xf32, #tpu.memory_space<hbm>>) target(%arg21 : memref<128x16xf32, #tpu.memory_space<vmem>>) target_semaphore(%arg23 : memref<!tpu.dma_semaphore, #tpu.memory_space<semaphore_mem>>)
      } else {
      }
      %mul3A_209 = arith.constant 2 : i32
      %mul3A_210 = arith.muli %mul3A_209, %scan3A_148 : i32
      %add3A_211 = arith.constant 1 : i32
      %add3A_212 = arith.addi %mul3A_210, %add3A_211 : i32
      %dma_wait3A_213 = arith.constant 0 : i32
      %dma_wait3A_214 = arith.constant 0 : i32
      %dma_wait3A_215 = arith.constant 0 : i32
      %dma_wait3A_216 = tpu.memref_slice %arg15[%dma_wait3A_214, %dma_wait3A_215] : memref<128x128xf32, #tpu.memory_space<vmem>> -> memref<32x128xf32, #tpu.memory_space<vmem>>
      %dma_wait3A_217 = arith.constant 0 : i32
      %dma_wait3A_218 = tpu.memref_slice %arg11[%dma_wait3A_213, %dma_wait3A_217] : memref<1x128xi32, #tpu.memory_space<vmem>> -> memref<1x32xi32, #tpu.memory_space<vmem>>
      %dma_wait3A_219 = tpu.memref_squeeze %dma_wait3A_218 : memref<1x32xi32, #tpu.memory_space<vmem>> -> memref<32xi32, #tpu.memory_space<vmem>>
      %dma_wait3A_220 = arith.constant 0 : i32
      %dma_wait3A_221 = arith.constant 0 : i32
      %dma_wait3A_222 = tpu.memref_slice %arg5[%dma_wait3A_220, %dma_wait3A_221] : memref<10000x128xf32, #tpu.memory_space<hbm>> -> memref<10000x128xf32, #tpu.memory_space<hbm>>
      tpu.wait_indirect_dma semaphore(%arg17 : memref<!tpu.dma_semaphore, #tpu.memory_space<semaphore_mem>>) src(%dma_wait3A_222 : memref<10000x128xf32, #tpu.memory_space<hbm>>) dst(%dma_wait3A_216 : memref<32x128xf32, #tpu.memory_space<vmem>>)
      %dma_wait3A_223 = arith.constant 0 : i32
      %dma_wait3A_224 = arith.constant 32 : i32
      %dma_wait3A_225 = arith.constant 0 : i32
      %dma_wait3A_226 = tpu.memref_slice %arg15[%dma_wait3A_224, %dma_wait3A_225] : memref<128x128xf32, #tpu.memory_space<vmem>> -> memref<32x128xf32, #tpu.memory_space<vmem>>
      %dma_wait3A_227 = arith.constant 32 : i32
      %dma_wait3A_228 = tpu.memref_slice %arg11[%dma_wait3A_223, %dma_wait3A_227] : memref<1x128xi32, #tpu.memory_space<vmem>> -> memref<1x32xi32, #tpu.memory_space<vmem>>
      %dma_wait3A_229 = tpu.memref_squeeze %dma_wait3A_228 : memref<1x32xi32, #tpu.memory_space<vmem>> -> memref<32xi32, #tpu.memory_space<vmem>>
      %dma_wait3A_230 = arith.constant 0 : i32
      %dma_wait3A_231 = arith.constant 0 : i32
      %dma_wait3A_232 = tpu.memref_slice %arg5[%dma_wait3A_230, %dma_wait3A_231] : memref<10000x128xf32, #tpu.memory_space<hbm>> -> memref<10000x128xf32, #tpu.memory_space<hbm>>
      tpu.wait_indirect_dma semaphore(%arg17 : memref<!tpu.dma_semaphore, #tpu.memory_space<semaphore_mem>>) src(%dma_wait3A_232 : memref<10000x128xf32, #tpu.memory_space<hbm>>) dst(%dma_wait3A_226 : memref<32x128xf32, #tpu.memory_space<vmem>>)
      %dma_wait3A_233 = arith.constant 0 : i32
      %dma_wait3A_234 = arith.constant 64 : i32
      %dma_wait3A_235 = arith.constant 0 : i32
      %dma_wait3A_236 = tpu.memref_slice %arg15[%dma_wait3A_234, %dma_wait3A_235] : memref<128x128xf32, #tpu.memory_space<vmem>> -> memref<32x128xf32, #tpu.memory_space<vmem>>
      %dma_wait3A_237 = arith.constant 64 : i32
      %dma_wait3A_238 = tpu.memref_slice %arg11[%dma_wait3A_233, %dma_wait3A_237] : memref<1x128xi32, #tpu.memory_space<vmem>> -> memref<1x32xi32, #tpu.memory_space<vmem>>
      %dma_wait3A_239 = tpu.memref_squeeze %dma_wait3A_238 : memref<1x32xi32, #tpu.memory_space<vmem>> -> memref<32xi32, #tpu.memory_space<vmem>>
      %dma_wait3A_240 = arith.constant 0 : i32
      %dma_wait3A_241 = arith.constant 0 : i32
      %dma_wait3A_242 = tpu.memref_slice %arg5[%dma_wait3A_240, %dma_wait3A_241] : memref<10000x128xf32, #tpu.memory_space<hbm>> -> memref<10000x128xf32, #tpu.memory_space<hbm>>
      tpu.wait_indirect_dma semaphore(%arg17 : memref<!tpu.dma_semaphore, #tpu.memory_space<semaphore_mem>>) src(%dma_wait3A_242 : memref<10000x128xf32, #tpu.memory_space<hbm>>) dst(%dma_wait3A_236 : memref<32x128xf32, #tpu.memory_space<vmem>>)
      %dma_wait3A_243 = arith.constant 0 : i32
      %dma_wait3A_244 = arith.constant 96 : i32
      %dma_wait3A_245 = arith.constant 0 : i32
      %dma_wait3A_246 = tpu.memref_slice %arg15[%dma_wait3A_244, %dma_wait3A_245] : memref<128x128xf32, #tpu.memory_space<vmem>> -> memref<32x128xf32, #tpu.memory_space<vmem>>
      %dma_wait3A_247 = arith.constant 96 : i32
      %dma_wait3A_248 = tpu.memref_slice %arg11[%dma_wait3A_243, %dma_wait3A_247] : memref<1x128xi32, #tpu.memory_space<vmem>> -> memref<1x32xi32, #tpu.memory_space<vmem>>
      %dma_wait3A_249 = tpu.memref_squeeze %dma_wait3A_248 : memref<1x32xi32, #tpu.memory_space<vmem>> -> memref<32xi32, #tpu.memory_space<vmem>>
      %dma_wait3A_250 = arith.constant 0 : i32
      %dma_wait3A_251 = arith.constant 0 : i32
      %dma_wait3A_252 = tpu.memref_slice %arg5[%dma_wait3A_250, %dma_wait3A_251] : memref<10000x128xf32, #tpu.memory_space<hbm>> -> memref<10000x128xf32, #tpu.memory_space<hbm>>
      tpu.wait_indirect_dma semaphore(%arg17 : memref<!tpu.dma_semaphore, #tpu.memory_space<semaphore_mem>>) src(%dma_wait3A_252 : memref<10000x128xf32, #tpu.memory_space<hbm>>) dst(%dma_wait3A_246 : memref<32x128xf32, #tpu.memory_space<vmem>>)
      %lt3A_253 = arith.constant 79 : i32
      %lt3A_254 = arith.cmpi slt, %add3A_212, %lt3A_253 : i32
      %convert_element_type3A_255 = arith.extui %lt3A_254 : i1 to i32
      %cond3A_256 = arith.constant 0 : i32
      %cond3A_257 = arith.cmpi ne, %convert_element_type3A_255, %cond3A_256 : i32
      scf.if %cond3A_257 {
        %add3A_273 = arith.constant 1 : i32
        %add3A_274 = arith.addi %add3A_212, %add3A_273 : i32
        %dma_wait3A_275 = arith.constant 0 : i32
        %dma_wait3A_276 = arith.constant 0 : i32
        %dma_wait3A_277 = tpu.memref_slice %arg2[%add3A, %add3A_274, %dma_wait3A_275, %dma_wait3A_276] : memref<32x80x1x128xi32, #tpu.memory_space<hbm>> -> memref<1x1x1x128xi32, #tpu.memory_space<hbm>>
        %dma_wait3A_278 = tpu.memref_squeeze %dma_wait3A_277 : memref<1x1x1x128xi32, #tpu.memory_space<hbm>> -> memref<1x128xi32, #tpu.memory_space<hbm>>
        %dma_wait3A_279 = arith.constant 0 : i32
        %dma_wait3A_280 = arith.constant 0 : i32
        %dma_wait3A_281 = tpu.memref_slice %arg2[%add3A, %add3A_274, %dma_wait3A_279, %dma_wait3A_280] : memref<32x80x1x128xi32, #tpu.memory_space<hbm>> -> memref<1x1x1x128xi32, #tpu.memory_space<hbm>>
        %dma_wait3A_282 = tpu.memref_squeeze %dma_wait3A_281 : memref<1x1x1x128xi32, #tpu.memory_space<hbm>> -> memref<1x128xi32, #tpu.memory_space<hbm>>
        tpu.wait_dma2 semaphore(%arg18 : memref<!tpu.dma_semaphore, #tpu.memory_space<semaphore_mem>>) src(%dma_wait3A_282 : memref<1x128xi32, #tpu.memory_space<hbm>>) dst(%arg10 : memref<1x128xi32, #tpu.memory_space<vmem>>)
        %dma_wait3A_283 = arith.constant 0 : i32
        %dma_wait3A_284 = arith.constant 0 : i32
        %dma_wait3A_285 = tpu.memref_slice %arg3[%add3A, %add3A_274, %dma_wait3A_283, %dma_wait3A_284] : memref<32x80x1x128xi32, #tpu.memory_space<hbm>> -> memref<1x1x1x128xi32, #tpu.memory_space<hbm>>
        %dma_wait3A_286 = tpu.memref_squeeze %dma_wait3A_285 : memref<1x1x1x128xi32, #tpu.memory_space<hbm>> -> memref<1x128xi32, #tpu.memory_space<hbm>>
        %dma_wait3A_287 = arith.constant 0 : i32
        %dma_wait3A_288 = arith.constant 0 : i32
        %dma_wait3A_289 = tpu.memref_slice %arg3[%add3A, %add3A_274, %dma_wait3A_287, %dma_wait3A_288] : memref<32x80x1x128xi32, #tpu.memory_space<hbm>> -> memref<1x1x1x128xi32, #tpu.memory_space<hbm>>
        %dma_wait3A_290 = tpu.memref_squeeze %dma_wait3A_289 : memref<1x1x1x128xi32, #tpu.memory_space<hbm>> -> memref<1x128xi32, #tpu.memory_space<hbm>>
        tpu.wait_dma2 semaphore(%arg18 : memref<!tpu.dma_semaphore, #tpu.memory_space<semaphore_mem>>) src(%dma_wait3A_290 : memref<1x128xi32, #tpu.memory_space<hbm>>) dst(%arg12 : memref<1x128xi32, #tpu.memory_space<vmem>>)
        %dma_start3A_291 = arith.constant 0 : i32
        %dma_start3A_292 = arith.constant 0 : i32
        %dma_start3A_293 = arith.constant 0 : i32
        %dma_start3A_294 = tpu.memref_slice %arg14[%dma_start3A_292, %dma_start3A_293] : memref<128x128xf32, #tpu.memory_space<vmem>> -> memref<32x128xf32, #tpu.memory_space<vmem>>
        %dma_start3A_295 = arith.constant 0 : i32
        %dma_start3A_296 = tpu.memref_slice %arg10[%dma_start3A_291, %dma_start3A_295] : memref<1x128xi32, #tpu.memory_space<vmem>> -> memref<1x32xi32, #tpu.memory_space<vmem>>
        %dma_start3A_297 = tpu.memref_squeeze %dma_start3A_296 : memref<1x32xi32, #tpu.memory_space<vmem>> -> memref<32xi32, #tpu.memory_space<vmem>>
        %dma_start3A_298 = arith.constant 0 : i32
        %dma_start3A_299 = arith.constant 0 : i32
        %dma_start3A_300 = tpu.memref_slice %arg5[%dma_start3A_298, %dma_start3A_299] : memref<10000x128xf32, #tpu.memory_space<hbm>> -> memref<10000x128xf32, #tpu.memory_space<hbm>>
        tpu.enqueue_indirect_dma source(%dma_start3A_300 : memref<10000x128xf32, #tpu.memory_space<hbm>>) target(%dma_start3A_294 : memref<32x128xf32, #tpu.memory_space<vmem>>) offsets(%dma_start3A_297 : memref<32xi32, #tpu.memory_space<vmem>>) semaphore(%arg16 : memref<!tpu.dma_semaphore, #tpu.memory_space<semaphore_mem>>)
        %dma_start3A_301 = arith.constant 0 : i32
        %dma_start3A_302 = arith.constant 32 : i32
        %dma_start3A_303 = arith.constant 0 : i32
        %dma_start3A_304 = tpu.memref_slice %arg14[%dma_start3A_302, %dma_start3A_303] : memref<128x128xf32, #tpu.memory_space<vmem>> -> memref<32x128xf32, #tpu.memory_space<vmem>>
        %dma_start3A_305 = arith.constant 32 : i32
        %dma_start3A_306 = tpu.memref_slice %arg10[%dma_start3A_301, %dma_start3A_305] : memref<1x128xi32, #tpu.memory_space<vmem>> -> memref<1x32xi32, #tpu.memory_space<vmem>>
        %dma_start3A_307 = tpu.memref_squeeze %dma_start3A_306 : memref<1x32xi32, #tpu.memory_space<vmem>> -> memref<32xi32, #tpu.memory_space<vmem>>
        %dma_start3A_308 = arith.constant 0 : i32
        %dma_start3A_309 = arith.constant 0 : i32
        %dma_start3A_310 = tpu.memref_slice %arg5[%dma_start3A_308, %dma_start3A_309] : memref<10000x128xf32, #tpu.memory_space<hbm>> -> memref<10000x128xf32, #tpu.memory_space<hbm>>
        tpu.enqueue_indirect_dma source(%dma_start3A_310 : memref<10000x128xf32, #tpu.memory_space<hbm>>) target(%dma_start3A_304 : memref<32x128xf32, #tpu.memory_space<vmem>>) offsets(%dma_start3A_307 : memref<32xi32, #tpu.memory_space<vmem>>) semaphore(%arg16 : memref<!tpu.dma_semaphore, #tpu.memory_space<semaphore_mem>>)
        %dma_start3A_311 = arith.constant 0 : i32
        %dma_start3A_312 = arith.constant 64 : i32
        %dma_start3A_313 = arith.constant 0 : i32
        %dma_start3A_314 = tpu.memref_slice %arg14[%dma_start3A_312, %dma_start3A_313] : memref<128x128xf32, #tpu.memory_space<vmem>> -> memref<32x128xf32, #tpu.memory_space<vmem>>
        %dma_start3A_315 = arith.constant 64 : i32
        %dma_start3A_316 = tpu.memref_slice %arg10[%dma_start3A_311, %dma_start3A_315] : memref<1x128xi32, #tpu.memory_space<vmem>> -> memref<1x32xi32, #tpu.memory_space<vmem>>
        %dma_start3A_317 = tpu.memref_squeeze %dma_start3A_316 : memref<1x32xi32, #tpu.memory_space<vmem>> -> memref<32xi32, #tpu.memory_space<vmem>>
        %dma_start3A_318 = arith.constant 0 : i32
        %dma_start3A_319 = arith.constant 0 : i32
        %dma_start3A_320 = tpu.memref_slice %arg5[%dma_start3A_318, %dma_start3A_319] : memref<10000x128xf32, #tpu.memory_space<hbm>> -> memref<10000x128xf32, #tpu.memory_space<hbm>>
        tpu.enqueue_indirect_dma source(%dma_start3A_320 : memref<10000x128xf32, #tpu.memory_space<hbm>>) target(%dma_start3A_314 : memref<32x128xf32, #tpu.memory_space<vmem>>) offsets(%dma_start3A_317 : memref<32xi32, #tpu.memory_space<vmem>>) semaphore(%arg16 : memref<!tpu.dma_semaphore, #tpu.memory_space<semaphore_mem>>)
        %dma_start3A_321 = arith.constant 0 : i32
        %dma_start3A_322 = arith.constant 96 : i32
        %dma_start3A_323 = arith.constant 0 : i32
        %dma_start3A_324 = tpu.memref_slice %arg14[%dma_start3A_322, %dma_start3A_323] : memref<128x128xf32, #tpu.memory_space<vmem>> -> memref<32x128xf32, #tpu.memory_space<vmem>>
        %dma_start3A_325 = arith.constant 96 : i32
        %dma_start3A_326 = tpu.memref_slice %arg10[%dma_start3A_321, %dma_start3A_325] : memref<1x128xi32, #tpu.memory_space<vmem>> -> memref<1x32xi32, #tpu.memory_space<vmem>>
        %dma_start3A_327 = tpu.memref_squeeze %dma_start3A_326 : memref<1x32xi32, #tpu.memory_space<vmem>> -> memref<32xi32, #tpu.memory_space<vmem>>
        %dma_start3A_328 = arith.constant 0 : i32
        %dma_start3A_329 = arith.constant 0 : i32
        %dma_start3A_330 = tpu.memref_slice %arg5[%dma_start3A_328, %dma_start3A_329] : memref<10000x128xf32, #tpu.memory_space<hbm>> -> memref<10000x128xf32, #tpu.memory_space<hbm>>
        tpu.enqueue_indirect_dma source(%dma_start3A_330 : memref<10000x128xf32, #tpu.memory_space<hbm>>) target(%dma_start3A_324 : memref<32x128xf32, #tpu.memory_space<vmem>>) offsets(%dma_start3A_327 : memref<32xi32, #tpu.memory_space<vmem>>) semaphore(%arg16 : memref<!tpu.dma_semaphore, #tpu.memory_space<semaphore_mem>>)
      } else {
      }
      %run_scoped3A_258 = arith.constant 0 : i32
      "tpu.region"() ({
        %run_scoped3A_273 = tpu.sem_alloc : memref<!tpu.dma_semaphore, #tpu.memory_space<semaphore_mem>>
        %dma_start3A_274 = arith.constant 0 : i32
        %dma_start3A_275 = tpu.memref_slice %arg13[%run_scoped3A_258, %dma_start3A_274] : memref<1x128xi32, #tpu.memory_space<vmem>> -> memref<1x128xi32, #tpu.memory_space<vmem>>
        %dma_start3A_276 = tpu.memref_squeeze %dma_start3A_275 : memref<1x128xi32, #tpu.memory_space<vmem>> -> memref<128xi32, #tpu.memory_space<vmem>>
        %dma_start3A_277 = arith.constant 0 : i32
        %dma_start3A_278 = arith.constant 0 : i32
        %dma_start3A_279 = tpu.memref_slice %arg20[%dma_start3A_277, %dma_start3A_278] : memref<10240x128xf32, #tpu.memory_space<vmem_shared>> -> memref<10240x128xf32, #tpu.memory_space<vmem_shared>>
        tpu.enqueue_indirect_dma source(%arg15 : memref<128x128xf32, #tpu.memory_space<vmem>>) target(%dma_start3A_279 : memref<10240x128xf32, #tpu.memory_space<vmem_shared>>) offsets(%dma_start3A_276 : memref<128xi32, #tpu.memory_space<vmem>>) semaphore(%run_scoped3A_273 : memref<!tpu.dma_semaphore, #tpu.memory_space<semaphore_mem>>) {add = true}
        %dma_wait3A_280 = arith.constant 0 : i32
        %dma_wait3A_281 = tpu.memref_slice %arg13[%run_scoped3A_258, %dma_wait3A_280] : memref<1x128xi32, #tpu.memory_space<vmem>> -> memref<1x128xi32, #tpu.memory_space<vmem>>
        %dma_wait3A_282 = tpu.memref_squeeze %dma_wait3A_281 : memref<1x128xi32, #tpu.memory_space<vmem>> -> memref<128xi32, #tpu.memory_space<vmem>>
        %dma_wait3A_283 = arith.constant 0 : i32
        %dma_wait3A_284 = arith.constant 0 : i32
        %dma_wait3A_285 = tpu.memref_slice %arg20[%dma_wait3A_283, %dma_wait3A_284] : memref<10240x128xf32, #tpu.memory_space<vmem_shared>> -> memref<10240x128xf32, #tpu.memory_space<vmem_shared>>
        tpu.wait_indirect_dma semaphore(%run_scoped3A_273 : memref<!tpu.dma_semaphore, #tpu.memory_space<semaphore_mem>>) src(%arg15 : memref<128x128xf32, #tpu.memory_space<vmem>>) dst(%dma_wait3A_285 : memref<10240x128xf32, #tpu.memory_space<vmem_shared>>)
        tpu.yield
      }) : () -> ()
      %dma_wait3A_259 = arith.constant 0 : i32
      %dma_wait3A_260 = arith.constant 0 : i32
      %dma_wait3A_261 = tpu.memref_slice %arg4[%add3A, %add3A_212, %dma_wait3A_259, %dma_wait3A_260] : memref<32x80x128x16xf32, #tpu.memory_space<hbm>> -> memref<1x1x128x16xf32, #tpu.memory_space<hbm>>
      %dma_wait3A_262 = tpu.memref_squeeze %dma_wait3A_261 : memref<1x1x128x16xf32, #tpu.memory_space<hbm>> -> memref<128x16xf32, #tpu.memory_space<hbm>>
      %dma_wait3A_263 = arith.constant 0 : i32
      %dma_wait3A_264 = arith.constant 0 : i32
      %dma_wait3A_265 = tpu.memref_slice %arg4[%add3A, %add3A_212, %dma_wait3A_263, %dma_wait3A_264] : memref<32x80x128x16xf32, #tpu.memory_space<hbm>> -> memref<1x1x128x16xf32, #tpu.memory_space<hbm>>
      %dma_wait3A_266 = tpu.memref_squeeze %dma_wait3A_265 : memref<1x1x128x16xf32, #tpu.memory_space<hbm>> -> memref<128x16xf32, #tpu.memory_space<hbm>>
      tpu.wait_dma2 semaphore(%arg24 : memref<!tpu.dma_semaphore, #tpu.memory_space<semaphore_mem>>) src(%dma_wait3A_266 : memref<128x16xf32, #tpu.memory_space<hbm>>) dst(%arg22 : memref<128x16xf32, #tpu.memory_space<vmem>>)
      %run_scoped3A_267 = arith.constant 0 : i32
      "tpu.region"() ({
        %run_scoped3A_273 = tpu.sem_alloc : memref<!tpu.dma_semaphore, #tpu.memory_space<semaphore_mem>>
        %dma_start3A_274 = arith.constant 0 : i32
        %dma_start3A_275 = tpu.memref_slice %arg13[%run_scoped3A_267, %dma_start3A_274] : memref<1x128xi32, #tpu.memory_space<vmem>> -> memref<1x128xi32, #tpu.memory_space<vmem>>
        %dma_start3A_276 = tpu.memref_squeeze %dma_start3A_275 : memref<1x128xi32, #tpu.memory_space<vmem>> -> memref<128xi32, #tpu.memory_space<vmem>>
        %dma_start3A_277 = arith.constant 0 : i32
        %dma_start3A_278 = arith.constant 0 : i32
        %dma_start3A_279 = tpu.memref_slice %arg25[%dma_start3A_277, %dma_start3A_278] : memref<10240x16xf32, #tpu.memory_space<vmem_shared>> -> memref<10240x16xf32, #tpu.memory_space<vmem_shared>>
        tpu.enqueue_indirect_dma source(%arg22 : memref<128x16xf32, #tpu.memory_space<vmem>>) target(%dma_start3A_279 : memref<10240x16xf32, #tpu.memory_space<vmem_shared>>) offsets(%dma_start3A_276 : memref<128xi32, #tpu.memory_space<vmem>>) semaphore(%run_scoped3A_273 : memref<!tpu.dma_semaphore, #tpu.memory_space<semaphore_mem>>) {add = true}
        %dma_wait3A_280 = arith.constant 0 : i32
        %dma_wait3A_281 = tpu.memref_slice %arg13[%run_scoped3A_267, %dma_wait3A_280] : memref<1x128xi32, #tpu.memory_space<vmem>> -> memref<1x128xi32, #tpu.memory_space<vmem>>
        %dma_wait3A_282 = tpu.memref_squeeze %dma_wait3A_281 : memref<1x128xi32, #tpu.memory_space<vmem>> -> memref<128xi32, #tpu.memory_space<vmem>>
        %dma_wait3A_283 = arith.constant 0 : i32
        %dma_wait3A_284 = arith.constant 0 : i32
        %dma_wait3A_285 = tpu.memref_slice %arg25[%dma_wait3A_283, %dma_wait3A_284] : memref<10240x16xf32, #tpu.memory_space<vmem_shared>> -> memref<10240x16xf32, #tpu.memory_space<vmem_shared>>
        tpu.wait_indirect_dma semaphore(%run_scoped3A_273 : memref<!tpu.dma_semaphore, #tpu.memory_space<semaphore_mem>>) src(%arg22 : memref<128x16xf32, #tpu.memory_space<vmem>>) dst(%dma_wait3A_285 : memref<10240x16xf32, #tpu.memory_space<vmem_shared>>)
        tpu.yield
      }) : () -> ()
      %lt3A_268 = arith.constant 78 : i32
      %lt3A_269 = arith.cmpi slt, %add3A_212, %lt3A_268 : i32
      %convert_element_type3A_270 = arith.extui %lt3A_269 : i1 to i32
      %cond3A_271 = arith.constant 0 : i32
      %cond3A_272 = arith.cmpi ne, %convert_element_type3A_270, %cond3A_271 : i32
      scf.if %cond3A_272 {
        %add3A_273 = arith.constant 2 : i32
        %add3A_274 = arith.addi %add3A_212, %add3A_273 : i32
        %dma_start3A_275 = arith.constant 0 : i32
        %dma_start3A_276 = arith.constant 0 : i32
        %dma_start3A_277 = tpu.memref_slice %arg2[%add3A, %add3A_274, %dma_start3A_275, %dma_start3A_276] : memref<32x80x1x128xi32, #tpu.memory_space<hbm>> -> memref<1x1x1x128xi32, #tpu.memory_space<hbm>>
        %dma_start3A_278 = tpu.memref_squeeze %dma_start3A_277 : memref<1x1x1x128xi32, #tpu.memory_space<hbm>> -> memref<1x128xi32, #tpu.memory_space<hbm>>
        %dma_start3A_279 = arith.constant 0 : i32
        %dma_start3A_280 = arith.constant 0 : i32
        %dma_start3A_281 = tpu.memref_slice %arg2[%add3A, %add3A_274, %dma_start3A_279, %dma_start3A_280] : memref<32x80x1x128xi32, #tpu.memory_space<hbm>> -> memref<1x1x1x128xi32, #tpu.memory_space<hbm>>
        %dma_start3A_282 = tpu.memref_squeeze %dma_start3A_281 : memref<1x1x1x128xi32, #tpu.memory_space<hbm>> -> memref<1x128xi32, #tpu.memory_space<hbm>>
        tpu.enqueue_dma source(%dma_start3A_282 : memref<1x128xi32, #tpu.memory_space<hbm>>) target(%arg11 : memref<1x128xi32, #tpu.memory_space<vmem>>) target_semaphore(%arg19 : memref<!tpu.dma_semaphore, #tpu.memory_space<semaphore_mem>>)
        %dma_start3A_283 = arith.constant 0 : i32
        %dma_start3A_284 = arith.constant 0 : i32
        %dma_start3A_285 = tpu.memref_slice %arg3[%add3A, %add3A_274, %dma_start3A_283, %dma_start3A_284] : memref<32x80x1x128xi32, #tpu.memory_space<hbm>> -> memref<1x1x1x128xi32, #tpu.memory_space<hbm>>
        %dma_start3A_286 = tpu.memref_squeeze %dma_start3A_285 : memref<1x1x1x128xi32, #tpu.memory_space<hbm>> -> memref<1x128xi32, #tpu.memory_space<hbm>>
        %dma_start3A_287 = arith.constant 0 : i32
        %dma_start3A_288 = arith.constant 0 : i32
        %dma_start3A_289 = tpu.memref_slice %arg3[%add3A, %add3A_274, %dma_start3A_287, %dma_start3A_288] : memref<32x80x1x128xi32, #tpu.memory_space<hbm>> -> memref<1x1x1x128xi32, #tpu.memory_space<hbm>>
        %dma_start3A_290 = tpu.memref_squeeze %dma_start3A_289 : memref<1x1x1x128xi32, #tpu.memory_space<hbm>> -> memref<1x128xi32, #tpu.memory_space<hbm>>
        tpu.enqueue_dma source(%dma_start3A_290 : memref<1x128xi32, #tpu.memory_space<hbm>>) target(%arg13 : memref<1x128xi32, #tpu.memory_space<vmem>>) target_semaphore(%arg19 : memref<!tpu.dma_semaphore, #tpu.memory_space<semaphore_mem>>)
        %add3A_291 = arith.constant 2 : i32
        %add3A_292 = arith.addi %add3A_212, %add3A_291 : i32
        %dma_start3A_293 = arith.constant 0 : i32
        %dma_start3A_294 = arith.constant 0 : i32
        %dma_start3A_295 = tpu.memref_slice %arg4[%add3A, %add3A_292, %dma_start3A_293, %dma_start3A_294] : memref<32x80x128x16xf32, #tpu.memory_space<hbm>> -> memref<1x1x128x16xf32, #tpu.memory_space<hbm>>
        %dma_start3A_296 = tpu.memref_squeeze %dma_start3A_295 : memref<1x1x128x16xf32, #tpu.memory_space<hbm>> -> memref<128x16xf32, #tpu.memory_space<hbm>>
        %dma_start3A_297 = arith.constant 0 : i32
        %dma_start3A_298 = arith.constant 0 : i32
        %dma_start3A_299 = tpu.memref_slice %arg4[%add3A, %add3A_292, %dma_start3A_297, %dma_start3A_298] : memref<32x80x128x16xf32, #tpu.memory_space<hbm>> -> memref<1x1x128x16xf32, #tpu.memory_space<hbm>>
        %dma_start3A_300 = tpu.memref_squeeze %dma_start3A_299 : memref<1x1x128x16xf32, #tpu.memory_space<hbm>> -> memref<128x16xf32, #tpu.memory_space<hbm>>
        tpu.enqueue_dma source(%dma_start3A_300 : memref<128x16xf32, #tpu.memory_space<hbm>>) target(%arg22 : memref<128x16xf32, #tpu.memory_space<vmem>>) target_semaphore(%arg24 : memref<!tpu.dma_semaphore, #tpu.memory_space<semaphore_mem>>)
      } else {
      }
    }
    %scan3A_136 = arith.constant 40 : i32
    %barrier3A_137 = arith.constant 0 : index
    tpu.barrier barrier_id(%barrier3A_137)
    %add3A_138 = arith.constant 0 : i32
    %add3A_139 = arith.addi %mul3A_2, %add3A_138 : i32
    "tpu.region"() ({
      %run_scoped3A = tpu.sem_alloc : memref<!tpu.dma_semaphore, #tpu.memory_space<semaphore_mem>>
      %dma_start3A_148 = arith.constant 0 : i32
      %dma_start3A_149 = tpu.memref_slice %arg20[%add3A_139, %dma_start3A_148] : memref<10240x128xf32, #tpu.memory_space<vmem_shared>> -> memref<128x128xf32, #tpu.memory_space<vmem_shared>>
      %dma_start3A_150 = arith.constant 0 : i32
      %dma_start3A_151 = tpu.memref_slice %arg20[%add3A_139, %dma_start3A_150] : memref<10240x128xf32, #tpu.memory_space<vmem_shared>> -> memref<128x128xf32, #tpu.memory_space<vmem_shared>>
      tpu.enqueue_dma source(%dma_start3A_151 : memref<128x128xf32, #tpu.memory_space<vmem_shared>>) target(%arg14 : memref<128x128xf32, #tpu.memory_space<vmem>>) target_semaphore(%run_scoped3A : memref<!tpu.dma_semaphore, #tpu.memory_space<semaphore_mem>>)
      %dma_wait3A_152 = arith.constant 0 : i32
      %dma_wait3A_153 = tpu.memref_slice %arg20[%add3A_139, %dma_wait3A_152] : memref<10240x128xf32, #tpu.memory_space<vmem_shared>> -> memref<128x128xf32, #tpu.memory_space<vmem_shared>>
      %dma_wait3A_154 = arith.constant 0 : i32
      %dma_wait3A_155 = tpu.memref_slice %arg20[%add3A_139, %dma_wait3A_154] : memref<10240x128xf32, #tpu.memory_space<vmem_shared>> -> memref<128x128xf32, #tpu.memory_space<vmem_shared>>
      tpu.wait_dma2 semaphore(%run_scoped3A : memref<!tpu.dma_semaphore, #tpu.memory_space<semaphore_mem>>) src(%dma_wait3A_155 : memref<128x128xf32, #tpu.memory_space<vmem_shared>>) dst(%arg14 : memref<128x128xf32, #tpu.memory_space<vmem>>)
      tpu.yield
    }) : () -> ()
    "tpu.region"() ({
      %run_scoped3A = tpu.sem_alloc : memref<!tpu.dma_semaphore, #tpu.memory_space<semaphore_mem>>
      %dma_start3A_148 = arith.constant 0 : i32
      %dma_start3A_149 = tpu.memref_slice %arg8[%arg0, %add3A_139, %dma_start3A_148] : memref<2x10240x128xf32, #tpu.memory_space<hbm>> -> memref<1x128x128xf32, #tpu.memory_space<hbm>>
      %dma_start3A_150 = tpu.memref_squeeze %dma_start3A_149 : memref<1x128x128xf32, #tpu.memory_space<hbm>> -> memref<128x128xf32, #tpu.memory_space<hbm>>
      %dma_start3A_151 = arith.constant 0 : i32
      %dma_start3A_152 = tpu.memref_slice %arg8[%arg0, %add3A_139, %dma_start3A_151] : memref<2x10240x128xf32, #tpu.memory_space<hbm>> -> memref<1x128x128xf32, #tpu.memory_space<hbm>>
      %dma_start3A_153 = tpu.memref_squeeze %dma_start3A_152 : memref<1x128x128xf32, #tpu.memory_space<hbm>> -> memref<128x128xf32, #tpu.memory_space<hbm>>
      tpu.enqueue_dma source(%arg14 : memref<128x128xf32, #tpu.memory_space<vmem>>) target(%dma_start3A_153 : memref<128x128xf32, #tpu.memory_space<hbm>>) target_semaphore(%run_scoped3A : memref<!tpu.dma_semaphore, #tpu.memory_space<semaphore_mem>>)
      %dma_wait3A_154 = arith.constant 0 : i32
      %dma_wait3A_155 = tpu.memref_slice %arg8[%arg0, %add3A_139, %dma_wait3A_154] : memref<2x10240x128xf32, #tpu.memory_space<hbm>> -> memref<1x128x128xf32, #tpu.memory_space<hbm>>
      %dma_wait3A_156 = tpu.memref_squeeze %dma_wait3A_155 : memref<1x128x128xf32, #tpu.memory_space<hbm>> -> memref<128x128xf32, #tpu.memory_space<hbm>>
      %dma_wait3A_157 = arith.constant 0 : i32
      %dma_wait3A_158 = tpu.memref_slice %arg8[%arg0, %add3A_139, %dma_wait3A_157] : memref<2x10240x128xf32, #tpu.memory_space<hbm>> -> memref<1x128x128xf32, #tpu.memory_space<hbm>>
      %dma_wait3A_159 = tpu.memref_squeeze %dma_wait3A_158 : memref<1x128x128xf32, #tpu.memory_space<hbm>> -> memref<128x128xf32, #tpu.memory_space<hbm>>
      tpu.wait_dma2 semaphore(%run_scoped3A : memref<!tpu.dma_semaphore, #tpu.memory_space<semaphore_mem>>) src(%arg14 : memref<128x128xf32, #tpu.memory_space<vmem>>) dst(%dma_wait3A_159 : memref<128x128xf32, #tpu.memory_space<hbm>>)
      tpu.yield
    }) : () -> ()
    "tpu.region"() ({
      %run_scoped3A = tpu.sem_alloc : memref<!tpu.dma_semaphore, #tpu.memory_space<semaphore_mem>>
      %dma_start3A_148 = arith.constant 0 : i32
      %dma_start3A_149 = tpu.memref_slice %arg25[%add3A_139, %dma_start3A_148] : memref<10240x16xf32, #tpu.memory_space<vmem_shared>> -> memref<128x16xf32, #tpu.memory_space<vmem_shared>>
      %dma_start3A_150 = arith.constant 0 : i32
      %dma_start3A_151 = tpu.memref_slice %arg25[%add3A_139, %dma_start3A_150] : memref<10240x16xf32, #tpu.memory_space<vmem_shared>> -> memref<128x16xf32, #tpu.memory_space<vmem_shared>>
      tpu.enqueue_dma source(%dma_start3A_151 : memref<128x16xf32, #tpu.memory_space<vmem_shared>>) target(%arg21 : memref<128x16xf32, #tpu.memory_space<vmem>>) target_semaphore(%run_scoped3A : memref<!tpu.dma_semaphore, #tpu.memory_space<semaphore_mem>>)
      %dma_wait3A_152 = arith.constant 0 : i32
      %dma_wait3A_153 = tpu.memref_slice %arg25[%add3A_139, %dma_wait3A_152] : memref<10240x16xf32, #tpu.memory_space<vmem_shared>> -> memref<128x16xf32, #tpu.memory_space<vmem_shared>>
      %dma_wait3A_154 = arith.constant 0 : i32
      %dma_wait3A_155 = tpu.memref_slice %arg25[%add3A_139, %dma_wait3A_154] : memref<10240x16xf32, #tpu.memory_space<vmem_shared>> -> memref<128x16xf32, #tpu.memory_space<vmem_shared>>
      tpu.wait_dma2 semaphore(%run_scoped3A : memref<!tpu.dma_semaphore, #tpu.memory_space<semaphore_mem>>) src(%dma_wait3A_155 : memref<128x16xf32, #tpu.memory_space<vmem_shared>>) dst(%arg21 : memref<128x16xf32, #tpu.memory_space<vmem>>)
      tpu.yield
    }) : () -> ()
    "tpu.region"() ({
      %run_scoped3A = tpu.sem_alloc : memref<!tpu.dma_semaphore, #tpu.memory_space<semaphore_mem>>
      %dma_start3A_148 = arith.constant 0 : i32
      %dma_start3A_149 = tpu.memref_slice %arg9[%arg0, %add3A_139, %dma_start3A_148] : memref<2x10240x16xf32, #tpu.memory_space<hbm>> -> memref<1x128x16xf32, #tpu.memory_space<hbm>>
      %dma_start3A_150 = tpu.memref_squeeze %dma_start3A_149 : memref<1x128x16xf32, #tpu.memory_space<hbm>> -> memref<128x16xf32, #tpu.memory_space<hbm>>
      %dma_start3A_151 = arith.constant 0 : i32
      %dma_start3A_152 = tpu.memref_slice %arg9[%arg0, %add3A_139, %dma_start3A_151] : memref<2x10240x16xf32, #tpu.memory_space<hbm>> -> memref<1x128x16xf32, #tpu.memory_space<hbm>>
      %dma_start3A_153 = tpu.memref_squeeze %dma_start3A_152 : memref<1x128x16xf32, #tpu.memory_space<hbm>> -> memref<128x16xf32, #tpu.memory_space<hbm>>
      tpu.enqueue_dma source(%arg21 : memref<128x16xf32, #tpu.memory_space<vmem>>) target(%dma_start3A_153 : memref<128x16xf32, #tpu.memory_space<hbm>>) target_semaphore(%run_scoped3A : memref<!tpu.dma_semaphore, #tpu.memory_space<semaphore_mem>>)
      %dma_wait3A_154 = arith.constant 0 : i32
      %dma_wait3A_155 = tpu.memref_slice %arg9[%arg0, %add3A_139, %dma_wait3A_154] : memref<2x10240x16xf32, #tpu.memory_space<hbm>> -> memref<1x128x16xf32, #tpu.memory_space<hbm>>
      %dma_wait3A_156 = tpu.memref_squeeze %dma_wait3A_155 : memref<1x128x16xf32, #tpu.memory_space<hbm>> -> memref<128x16xf32, #tpu.memory_space<hbm>>
      %dma_wait3A_157 = arith.constant 0 : i32
      %dma_wait3A_158 = tpu.memref_slice %arg9[%arg0, %add3A_139, %dma_wait3A_157] : memref<2x10240x16xf32, #tpu.memory_space<hbm>> -> memref<1x128x16xf32, #tpu.memory_space<hbm>>
      %dma_wait3A_159 = tpu.memref_squeeze %dma_wait3A_158 : memref<1x128x16xf32, #tpu.memory_space<hbm>> -> memref<128x16xf32, #tpu.memory_space<hbm>>
      tpu.wait_dma2 semaphore(%run_scoped3A : memref<!tpu.dma_semaphore, #tpu.memory_space<semaphore_mem>>) src(%arg21 : memref<128x16xf32, #tpu.memory_space<vmem>>) dst(%dma_wait3A_159 : memref<128x16xf32, #tpu.memory_space<hbm>>)
      tpu.yield
    }) : () -> ()
    %add3A_140 = arith.constant 128 : i32
    %add3A_141 = arith.addi %mul3A_2, %add3A_140 : i32
    "tpu.region"() ({
      %run_scoped3A = tpu.sem_alloc : memref<!tpu.dma_semaphore, #tpu.memory_space<semaphore_mem>>
      %dma_start3A_148 = arith.constant 0 : i32
      %dma_start3A_149 = tpu.memref_slice %arg20[%add3A_141, %dma_start3A_148] : memref<10240x128xf32, #tpu.memory_space<vmem_shared>> -> memref<128x128xf32, #tpu.memory_space<vmem_shared>>
      %dma_start3A_150 = arith.constant 0 : i32
      %dma_start3A_151 = tpu.memref_slice %arg20[%add3A_141, %dma_start3A_150] : memref<10240x128xf32, #tpu.memory_space<vmem_shared>> -> memref<128x128xf32, #tpu.memory_space<vmem_shared>>
      tpu.enqueue_dma source(%dma_start3A_151 : memref<128x128xf32, #tpu.memory_space<vmem_shared>>) target(%arg14 : memref<128x128xf32, #tpu.memory_space<vmem>>) target_semaphore(%run_scoped3A : memref<!tpu.dma_semaphore, #tpu.memory_space<semaphore_mem>>)
      %dma_wait3A_152 = arith.constant 0 : i32
      %dma_wait3A_153 = tpu.memref_slice %arg20[%add3A_141, %dma_wait3A_152] : memref<10240x128xf32, #tpu.memory_space<vmem_shared>> -> memref<128x128xf32, #tpu.memory_space<vmem_shared>>
      %dma_wait3A_154 = arith.constant 0 : i32
      %dma_wait3A_155 = tpu.memref_slice %arg20[%add3A_141, %dma_wait3A_154] : memref<10240x128xf32, #tpu.memory_space<vmem_shared>> -> memref<128x128xf32, #tpu.memory_space<vmem_shared>>
      tpu.wait_dma2 semaphore(%run_scoped3A : memref<!tpu.dma_semaphore, #tpu.memory_space<semaphore_mem>>) src(%dma_wait3A_155 : memref<128x128xf32, #tpu.memory_space<vmem_shared>>) dst(%arg14 : memref<128x128xf32, #tpu.memory_space<vmem>>)
      tpu.yield
    }) : () -> ()
    "tpu.region"() ({
      %run_scoped3A = tpu.sem_alloc : memref<!tpu.dma_semaphore, #tpu.memory_space<semaphore_mem>>
      %dma_start3A_148 = arith.constant 0 : i32
      %dma_start3A_149 = tpu.memref_slice %arg8[%arg0, %add3A_141, %dma_start3A_148] : memref<2x10240x128xf32, #tpu.memory_space<hbm>> -> memref<1x128x128xf32, #tpu.memory_space<hbm>>
      %dma_start3A_150 = tpu.memref_squeeze %dma_start3A_149 : memref<1x128x128xf32, #tpu.memory_space<hbm>> -> memref<128x128xf32, #tpu.memory_space<hbm>>
      %dma_start3A_151 = arith.constant 0 : i32
      %dma_start3A_152 = tpu.memref_slice %arg8[%arg0, %add3A_141, %dma_start3A_151] : memref<2x10240x128xf32, #tpu.memory_space<hbm>> -> memref<1x128x128xf32, #tpu.memory_space<hbm>>
      %dma_start3A_153 = tpu.memref_squeeze %dma_start3A_152 : memref<1x128x128xf32, #tpu.memory_space<hbm>> -> memref<128x128xf32, #tpu.memory_space<hbm>>
      tpu.enqueue_dma source(%arg14 : memref<128x128xf32, #tpu.memory_space<vmem>>) target(%dma_start3A_153 : memref<128x128xf32, #tpu.memory_space<hbm>>) target_semaphore(%run_scoped3A : memref<!tpu.dma_semaphore, #tpu.memory_space<semaphore_mem>>)
      %dma_wait3A_154 = arith.constant 0 : i32
      %dma_wait3A_155 = tpu.memref_slice %arg8[%arg0, %add3A_141, %dma_wait3A_154] : memref<2x10240x128xf32, #tpu.memory_space<hbm>> -> memref<1x128x128xf32, #tpu.memory_space<hbm>>
      %dma_wait3A_156 = tpu.memref_squeeze %dma_wait3A_155 : memref<1x128x128xf32, #tpu.memory_space<hbm>> -> memref<128x128xf32, #tpu.memory_space<hbm>>
      %dma_wait3A_157 = arith.constant 0 : i32
      %dma_wait3A_158 = tpu.memref_slice %arg8[%arg0, %add3A_141, %dma_wait3A_157] : memref<2x10240x128xf32, #tpu.memory_space<hbm>> -> memref<1x128x128xf32, #tpu.memory_space<hbm>>
      %dma_wait3A_159 = tpu.memref_squeeze %dma_wait3A_158 : memref<1x128x128xf32, #tpu.memory_space<hbm>> -> memref<128x128xf32, #tpu.memory_space<hbm>>
      tpu.wait_dma2 semaphore(%run_scoped3A : memref<!tpu.dma_semaphore, #tpu.memory_space<semaphore_mem>>) src(%arg14 : memref<128x128xf32, #tpu.memory_space<vmem>>) dst(%dma_wait3A_159 : memref<128x128xf32, #tpu.memory_space<hbm>>)
      tpu.yield
    }) : () -> ()
    "tpu.region"() ({
      %run_scoped3A = tpu.sem_alloc : memref<!tpu.dma_semaphore, #tpu.memory_space<semaphore_mem>>
      %dma_start3A_148 = arith.constant 0 : i32
      %dma_start3A_149 = tpu.memref_slice %arg25[%add3A_141, %dma_start3A_148] : memref<10240x16xf32, #tpu.memory_space<vmem_shared>> -> memref<128x16xf32, #tpu.memory_space<vmem_shared>>
      %dma_start3A_150 = arith.constant 0 : i32
      %dma_start3A_151 = tpu.memref_slice %arg25[%add3A_141, %dma_start3A_150] : memref<10240x16xf32, #tpu.memory_space<vmem_shared>> -> memref<128x16xf32, #tpu.memory_space<vmem_shared>>
      tpu.enqueue_dma source(%dma_start3A_151 : memref<128x16xf32, #tpu.memory_space<vmem_shared>>) target(%arg21 : memref<128x16xf32, #tpu.memory_space<vmem>>) target_semaphore(%run_scoped3A : memref<!tpu.dma_semaphore, #tpu.memory_space<semaphore_mem>>)
      %dma_wait3A_152 = arith.constant 0 : i32
      %dma_wait3A_153 = tpu.memref_slice %arg25[%add3A_141, %dma_wait3A_152] : memref<10240x16xf32, #tpu.memory_space<vmem_shared>> -> memref<128x16xf32, #tpu.memory_space<vmem_shared>>
      %dma_wait3A_154 = arith.constant 0 : i32
      %dma_wait3A_155 = tpu.memref_slice %arg25[%add3A_141, %dma_wait3A_154] : memref<10240x16xf32, #tpu.memory_space<vmem_shared>> -> memref<128x16xf32, #tpu.memory_space<vmem_shared>>
      tpu.wait_dma2 semaphore(%run_scoped3A : memref<!tpu.dma_semaphore, #tpu.memory_space<semaphore_mem>>) src(%dma_wait3A_155 : memref<128x16xf32, #tpu.memory_space<vmem_shared>>) dst(%arg21 : memref<128x16xf32, #tpu.memory_space<vmem>>)
      tpu.yield
    }) : () -> ()
    "tpu.region"() ({
      %run_scoped3A = tpu.sem_alloc : memref<!tpu.dma_semaphore, #tpu.memory_space<semaphore_mem>>
      %dma_start3A_148 = arith.constant 0 : i32
      %dma_start3A_149 = tpu.memref_slice %arg9[%arg0, %add3A_141, %dma_start3A_148] : memref<2x10240x16xf32, #tpu.memory_space<hbm>> -> memref<1x128x16xf32, #tpu.memory_space<hbm>>
      %dma_start3A_150 = tpu.memref_squeeze %dma_start3A_149 : memref<1x128x16xf32, #tpu.memory_space<hbm>> -> memref<128x16xf32, #tpu.memory_space<hbm>>
      %dma_start3A_151 = arith.constant 0 : i32
      %dma_start3A_152 = tpu.memref_slice %arg9[%arg0, %add3A_141, %dma_start3A_151] : memref<2x10240x16xf32, #tpu.memory_space<hbm>> -> memref<1x128x16xf32, #tpu.memory_space<hbm>>
      %dma_start3A_153 = tpu.memref_squeeze %dma_start3A_152 : memref<1x128x16xf32, #tpu.memory_space<hbm>> -> memref<128x16xf32, #tpu.memory_space<hbm>>
      tpu.enqueue_dma source(%arg21 : memref<128x16xf32, #tpu.memory_space<vmem>>) target(%dma_start3A_153 : memref<128x16xf32, #tpu.memory_space<hbm>>) target_semaphore(%run_scoped3A : memref<!tpu.dma_semaphore, #tpu.memory_space<semaphore_mem>>)
      %dma_wait3A_154 = arith.constant 0 : i32
      %dma_wait3A_155 = tpu.memref_slice %arg9[%arg0, %add3A_141, %dma_wait3A_154] : memref<2x10240x16xf32, #tpu.memory_space<hbm>> -> memref<1x128x16xf32, #tpu.memory_space<hbm>>
      %dma_wait3A_156 = tpu.memref_squeeze %dma_wait3A_155 : memref<1x128x16xf32, #tpu.memory_space<hbm>> -> memref<128x16xf32, #tpu.memory_space<hbm>>
      %dma_wait3A_157 = arith.constant 0 : i32
      %dma_wait3A_158 = tpu.memref_slice %arg9[%arg0, %add3A_141, %dma_wait3A_157] : memref<2x10240x16xf32, #tpu.memory_space<hbm>> -> memref<1x128x16xf32, #tpu.memory_space<hbm>>
      %dma_wait3A_159 = tpu.memref_squeeze %dma_wait3A_158 : memref<1x128x16xf32, #tpu.memory_space<hbm>> -> memref<128x16xf32, #tpu.memory_space<hbm>>
      tpu.wait_dma2 semaphore(%run_scoped3A : memref<!tpu.dma_semaphore, #tpu.memory_space<semaphore_mem>>) src(%arg21 : memref<128x16xf32, #tpu.memory_space<vmem>>) dst(%dma_wait3A_159 : memref<128x16xf32, #tpu.memory_space<hbm>>)
      tpu.yield
    }) : () -> ()
    %add3A_142 = arith.constant 256 : i32
    %add3A_143 = arith.addi %mul3A_2, %add3A_142 : i32
    "tpu.region"() ({
      %run_scoped3A = tpu.sem_alloc : memref<!tpu.dma_semaphore, #tpu.memory_space<semaphore_mem>>
      %dma_start3A_148 = arith.constant 0 : i32
      %dma_start3A_149 = tpu.memref_slice %arg20[%add3A_143, %dma_start3A_148] : memref<10240x128xf32, #tpu.memory_space<vmem_shared>> -> memref<128x128xf32, #tpu.memory_space<vmem_shared>>
      %dma_start3A_150 = arith.constant 0 : i32
      %dma_start3A_151 = tpu.memref_slice %arg20[%add3A_143, %dma_start3A_150] : memref<10240x128xf32, #tpu.memory_space<vmem_shared>> -> memref<128x128xf32, #tpu.memory_space<vmem_shared>>
      tpu.enqueue_dma source(%dma_start3A_151 : memref<128x128xf32, #tpu.memory_space<vmem_shared>>) target(%arg14 : memref<128x128xf32, #tpu.memory_space<vmem>>) target_semaphore(%run_scoped3A : memref<!tpu.dma_semaphore, #tpu.memory_space<semaphore_mem>>)
      %dma_wait3A_152 = arith.constant 0 : i32
      %dma_wait3A_153 = tpu.memref_slice %arg20[%add3A_143, %dma_wait3A_152] : memref<10240x128xf32, #tpu.memory_space<vmem_shared>> -> memref<128x128xf32, #tpu.memory_space<vmem_shared>>
      %dma_wait3A_154 = arith.constant 0 : i32
      %dma_wait3A_155 = tpu.memref_slice %arg20[%add3A_143, %dma_wait3A_154] : memref<10240x128xf32, #tpu.memory_space<vmem_shared>> -> memref<128x128xf32, #tpu.memory_space<vmem_shared>>
      tpu.wait_dma2 semaphore(%run_scoped3A : memref<!tpu.dma_semaphore, #tpu.memory_space<semaphore_mem>>) src(%dma_wait3A_155 : memref<128x128xf32, #tpu.memory_space<vmem_shared>>) dst(%arg14 : memref<128x128xf32, #tpu.memory_space<vmem>>)
      tpu.yield
    }) : () -> ()
    "tpu.region"() ({
      %run_scoped3A = tpu.sem_alloc : memref<!tpu.dma_semaphore, #tpu.memory_space<semaphore_mem>>
      %dma_start3A_148 = arith.constant 0 : i32
      %dma_start3A_149 = tpu.memref_slice %arg8[%arg0, %add3A_143, %dma_start3A_148] : memref<2x10240x128xf32, #tpu.memory_space<hbm>> -> memref<1x128x128xf32, #tpu.memory_space<hbm>>
      %dma_start3A_150 = tpu.memref_squeeze %dma_start3A_149 : memref<1x128x128xf32, #tpu.memory_space<hbm>> -> memref<128x128xf32, #tpu.memory_space<hbm>>
      %dma_start3A_151 = arith.constant 0 : i32
      %dma_start3A_152 = tpu.memref_slice %arg8[%arg0, %add3A_143, %dma_start3A_151] : memref<2x10240x128xf32, #tpu.memory_space<hbm>> -> memref<1x128x128xf32, #tpu.memory_space<hbm>>
      %dma_start3A_153 = tpu.memref_squeeze %dma_start3A_152 : memref<1x128x128xf32, #tpu.memory_space<hbm>> -> memref<128x128xf32, #tpu.memory_space<hbm>>
      tpu.enqueue_dma source(%arg14 : memref<128x128xf32, #tpu.memory_space<vmem>>) target(%dma_start3A_153 : memref<128x128xf32, #tpu.memory_space<hbm>>) target_semaphore(%run_scoped3A : memref<!tpu.dma_semaphore, #tpu.memory_space<semaphore_mem>>)
      %dma_wait3A_154 = arith.constant 0 : i32
      %dma_wait3A_155 = tpu.memref_slice %arg8[%arg0, %add3A_143, %dma_wait3A_154] : memref<2x10240x128xf32, #tpu.memory_space<hbm>> -> memref<1x128x128xf32, #tpu.memory_space<hbm>>
      %dma_wait3A_156 = tpu.memref_squeeze %dma_wait3A_155 : memref<1x128x128xf32, #tpu.memory_space<hbm>> -> memref<128x128xf32, #tpu.memory_space<hbm>>
      %dma_wait3A_157 = arith.constant 0 : i32
      %dma_wait3A_158 = tpu.memref_slice %arg8[%arg0, %add3A_143, %dma_wait3A_157] : memref<2x10240x128xf32, #tpu.memory_space<hbm>> -> memref<1x128x128xf32, #tpu.memory_space<hbm>>
      %dma_wait3A_159 = tpu.memref_squeeze %dma_wait3A_158 : memref<1x128x128xf32, #tpu.memory_space<hbm>> -> memref<128x128xf32, #tpu.memory_space<hbm>>
      tpu.wait_dma2 semaphore(%run_scoped3A : memref<!tpu.dma_semaphore, #tpu.memory_space<semaphore_mem>>) src(%arg14 : memref<128x128xf32, #tpu.memory_space<vmem>>) dst(%dma_wait3A_159 : memref<128x128xf32, #tpu.memory_space<hbm>>)
      tpu.yield
    }) : () -> ()
    "tpu.region"() ({
      %run_scoped3A = tpu.sem_alloc : memref<!tpu.dma_semaphore, #tpu.memory_space<semaphore_mem>>
      %dma_start3A_148 = arith.constant 0 : i32
      %dma_start3A_149 = tpu.memref_slice %arg25[%add3A_143, %dma_start3A_148] : memref<10240x16xf32, #tpu.memory_space<vmem_shared>> -> memref<128x16xf32, #tpu.memory_space<vmem_shared>>
      %dma_start3A_150 = arith.constant 0 : i32
      %dma_start3A_151 = tpu.memref_slice %arg25[%add3A_143, %dma_start3A_150] : memref<10240x16xf32, #tpu.memory_space<vmem_shared>> -> memref<128x16xf32, #tpu.memory_space<vmem_shared>>
      tpu.enqueue_dma source(%dma_start3A_151 : memref<128x16xf32, #tpu.memory_space<vmem_shared>>) target(%arg21 : memref<128x16xf32, #tpu.memory_space<vmem>>) target_semaphore(%run_scoped3A : memref<!tpu.dma_semaphore, #tpu.memory_space<semaphore_mem>>)
      %dma_wait3A_152 = arith.constant 0 : i32
      %dma_wait3A_153 = tpu.memref_slice %arg25[%add3A_143, %dma_wait3A_152] : memref<10240x16xf32, #tpu.memory_space<vmem_shared>> -> memref<128x16xf32, #tpu.memory_space<vmem_shared>>
      %dma_wait3A_154 = arith.constant 0 : i32
      %dma_wait3A_155 = tpu.memref_slice %arg25[%add3A_143, %dma_wait3A_154] : memref<10240x16xf32, #tpu.memory_space<vmem_shared>> -> memref<128x16xf32, #tpu.memory_space<vmem_shared>>
      tpu.wait_dma2 semaphore(%run_scoped3A : memref<!tpu.dma_semaphore, #tpu.memory_space<semaphore_mem>>) src(%dma_wait3A_155 : memref<128x16xf32, #tpu.memory_space<vmem_shared>>) dst(%arg21 : memref<128x16xf32, #tpu.memory_space<vmem>>)
      tpu.yield
    }) : () -> ()
    "tpu.region"() ({
      %run_scoped3A = tpu.sem_alloc : memref<!tpu.dma_semaphore, #tpu.memory_space<semaphore_mem>>
      %dma_start3A_148 = arith.constant 0 : i32
      %dma_start3A_149 = tpu.memref_slice %arg9[%arg0, %add3A_143, %dma_start3A_148] : memref<2x10240x16xf32, #tpu.memory_space<hbm>> -> memref<1x128x16xf32, #tpu.memory_space<hbm>>
      %dma_start3A_150 = tpu.memref_squeeze %dma_start3A_149 : memref<1x128x16xf32, #tpu.memory_space<hbm>> -> memref<128x16xf32, #tpu.memory_space<hbm>>
      %dma_start3A_151 = arith.constant 0 : i32
      %dma_start3A_152 = tpu.memref_slice %arg9[%arg0, %add3A_143, %dma_start3A_151] : memref<2x10240x16xf32, #tpu.memory_space<hbm>> -> memref<1x128x16xf32, #tpu.memory_space<hbm>>
      %dma_start3A_153 = tpu.memref_squeeze %dma_start3A_152 : memref<1x128x16xf32, #tpu.memory_space<hbm>> -> memref<128x16xf32, #tpu.memory_space<hbm>>
      tpu.enqueue_dma source(%arg21 : memref<128x16xf32, #tpu.memory_space<vmem>>) target(%dma_start3A_153 : memref<128x16xf32, #tpu.memory_space<hbm>>) target_semaphore(%run_scoped3A : memref<!tpu.dma_semaphore, #tpu.memory_space<semaphore_mem>>)
      %dma_wait3A_154 = arith.constant 0 : i32
      %dma_wait3A_155 = tpu.memref_slice %arg9[%arg0, %add3A_143, %dma_wait3A_154] : memref<2x10240x16xf32, #tpu.memory_space<hbm>> -> memref<1x128x16xf32, #tpu.memory_space<hbm>>
      %dma_wait3A_156 = tpu.memref_squeeze %dma_wait3A_155 : memref<1x128x16xf32, #tpu.memory_space<hbm>> -> memref<128x16xf32, #tpu.memory_space<hbm>>
      %dma_wait3A_157 = arith.constant 0 : i32
      %dma_wait3A_158 = tpu.memref_slice %arg9[%arg0, %add3A_143, %dma_wait3A_157] : memref<2x10240x16xf32, #tpu.memory_space<hbm>> -> memref<1x128x16xf32, #tpu.memory_space<hbm>>
      %dma_wait3A_159 = tpu.memref_squeeze %dma_wait3A_158 : memref<1x128x16xf32, #tpu.memory_space<hbm>> -> memref<128x16xf32, #tpu.memory_space<hbm>>
      tpu.wait_dma2 semaphore(%run_scoped3A : memref<!tpu.dma_semaphore, #tpu.memory_space<semaphore_mem>>) src(%arg21 : memref<128x16xf32, #tpu.memory_space<vmem>>) dst(%dma_wait3A_159 : memref<128x16xf32, #tpu.memory_space<hbm>>)
      tpu.yield
    }) : () -> ()
    %add3A_144 = arith.constant 384 : i32
    %add3A_145 = arith.addi %mul3A_2, %add3A_144 : i32
    "tpu.region"() ({
      %run_scoped3A = tpu.sem_alloc : memref<!tpu.dma_semaphore, #tpu.memory_space<semaphore_mem>>
      %dma_start3A_148 = arith.constant 0 : i32
      %dma_start3A_149 = tpu.memref_slice %arg20[%add3A_145, %dma_start3A_148] : memref<10240x128xf32, #tpu.memory_space<vmem_shared>> -> memref<128x128xf32, #tpu.memory_space<vmem_shared>>
      %dma_start3A_150 = arith.constant 0 : i32
      %dma_start3A_151 = tpu.memref_slice %arg20[%add3A_145, %dma_start3A_150] : memref<10240x128xf32, #tpu.memory_space<vmem_shared>> -> memref<128x128xf32, #tpu.memory_space<vmem_shared>>
      tpu.enqueue_dma source(%dma_start3A_151 : memref<128x128xf32, #tpu.memory_space<vmem_shared>>) target(%arg14 : memref<128x128xf32, #tpu.memory_space<vmem>>) target_semaphore(%run_scoped3A : memref<!tpu.dma_semaphore, #tpu.memory_space<semaphore_mem>>)
      %dma_wait3A_152 = arith.constant 0 : i32
      %dma_wait3A_153 = tpu.memref_slice %arg20[%add3A_145, %dma_wait3A_152] : memref<10240x128xf32, #tpu.memory_space<vmem_shared>> -> memref<128x128xf32, #tpu.memory_space<vmem_shared>>
      %dma_wait3A_154 = arith.constant 0 : i32
      %dma_wait3A_155 = tpu.memref_slice %arg20[%add3A_145, %dma_wait3A_154] : memref<10240x128xf32, #tpu.memory_space<vmem_shared>> -> memref<128x128xf32, #tpu.memory_space<vmem_shared>>
      tpu.wait_dma2 semaphore(%run_scoped3A : memref<!tpu.dma_semaphore, #tpu.memory_space<semaphore_mem>>) src(%dma_wait3A_155 : memref<128x128xf32, #tpu.memory_space<vmem_shared>>) dst(%arg14 : memref<128x128xf32, #tpu.memory_space<vmem>>)
      tpu.yield
    }) : () -> ()
    "tpu.region"() ({
      %run_scoped3A = tpu.sem_alloc : memref<!tpu.dma_semaphore, #tpu.memory_space<semaphore_mem>>
      %dma_start3A_148 = arith.constant 0 : i32
      %dma_start3A_149 = tpu.memref_slice %arg8[%arg0, %add3A_145, %dma_start3A_148] : memref<2x10240x128xf32, #tpu.memory_space<hbm>> -> memref<1x128x128xf32, #tpu.memory_space<hbm>>
      %dma_start3A_150 = tpu.memref_squeeze %dma_start3A_149 : memref<1x128x128xf32, #tpu.memory_space<hbm>> -> memref<128x128xf32, #tpu.memory_space<hbm>>
      %dma_start3A_151 = arith.constant 0 : i32
      %dma_start3A_152 = tpu.memref_slice %arg8[%arg0, %add3A_145, %dma_start3A_151] : memref<2x10240x128xf32, #tpu.memory_space<hbm>> -> memref<1x128x128xf32, #tpu.memory_space<hbm>>
      %dma_start3A_153 = tpu.memref_squeeze %dma_start3A_152 : memref<1x128x128xf32, #tpu.memory_space<hbm>> -> memref<128x128xf32, #tpu.memory_space<hbm>>
      tpu.enqueue_dma source(%arg14 : memref<128x128xf32, #tpu.memory_space<vmem>>) target(%dma_start3A_153 : memref<128x128xf32, #tpu.memory_space<hbm>>) target_semaphore(%run_scoped3A : memref<!tpu.dma_semaphore, #tpu.memory_space<semaphore_mem>>)
      %dma_wait3A_154 = arith.constant 0 : i32
      %dma_wait3A_155 = tpu.memref_slice %arg8[%arg0, %add3A_145, %dma_wait3A_154] : memref<2x10240x128xf32, #tpu.memory_space<hbm>> -> memref<1x128x128xf32, #tpu.memory_space<hbm>>
      %dma_wait3A_156 = tpu.memref_squeeze %dma_wait3A_155 : memref<1x128x128xf32, #tpu.memory_space<hbm>> -> memref<128x128xf32, #tpu.memory_space<hbm>>
      %dma_wait3A_157 = arith.constant 0 : i32
      %dma_wait3A_158 = tpu.memref_slice %arg8[%arg0, %add3A_145, %dma_wait3A_157] : memref<2x10240x128xf32, #tpu.memory_space<hbm>> -> memref<1x128x128xf32, #tpu.memory_space<hbm>>
      %dma_wait3A_159 = tpu.memref_squeeze %dma_wait3A_158 : memref<1x128x128xf32, #tpu.memory_space<hbm>> -> memref<128x128xf32, #tpu.memory_space<hbm>>
      tpu.wait_dma2 semaphore(%run_scoped3A : memref<!tpu.dma_semaphore, #tpu.memory_space<semaphore_mem>>) src(%arg14 : memref<128x128xf32, #tpu.memory_space<vmem>>) dst(%dma_wait3A_159 : memref<128x128xf32, #tpu.memory_space<hbm>>)
      tpu.yield
    }) : () -> ()
    "tpu.region"() ({
      %run_scoped3A = tpu.sem_alloc : memref<!tpu.dma_semaphore, #tpu.memory_space<semaphore_mem>>
      %dma_start3A_148 = arith.constant 0 : i32
      %dma_start3A_149 = tpu.memref_slice %arg25[%add3A_145, %dma_start3A_148] : memref<10240x16xf32, #tpu.memory_space<vmem_shared>> -> memref<128x16xf32, #tpu.memory_space<vmem_shared>>
      %dma_start3A_150 = arith.constant 0 : i32
      %dma_start3A_151 = tpu.memref_slice %arg25[%add3A_145, %dma_start3A_150] : memref<10240x16xf32, #tpu.memory_space<vmem_shared>> -> memref<128x16xf32, #tpu.memory_space<vmem_shared>>
      tpu.enqueue_dma source(%dma_start3A_151 : memref<128x16xf32, #tpu.memory_space<vmem_shared>>) target(%arg21 : memref<128x16xf32, #tpu.memory_space<vmem>>) target_semaphore(%run_scoped3A : memref<!tpu.dma_semaphore, #tpu.memory_space<semaphore_mem>>)
      %dma_wait3A_152 = arith.constant 0 : i32
      %dma_wait3A_153 = tpu.memref_slice %arg25[%add3A_145, %dma_wait3A_152] : memref<10240x16xf32, #tpu.memory_space<vmem_shared>> -> memref<128x16xf32, #tpu.memory_space<vmem_shared>>
      %dma_wait3A_154 = arith.constant 0 : i32
      %dma_wait3A_155 = tpu.memref_slice %arg25[%add3A_145, %dma_wait3A_154] : memref<10240x16xf32, #tpu.memory_space<vmem_shared>> -> memref<128x16xf32, #tpu.memory_space<vmem_shared>>
      tpu.wait_dma2 semaphore(%run_scoped3A : memref<!tpu.dma_semaphore, #tpu.memory_space<semaphore_mem>>) src(%dma_wait3A_155 : memref<128x16xf32, #tpu.memory_space<vmem_shared>>) dst(%arg21 : memref<128x16xf32, #tpu.memory_space<vmem>>)
      tpu.yield
    }) : () -> ()
    "tpu.region"() ({
      %run_scoped3A = tpu.sem_alloc : memref<!tpu.dma_semaphore, #tpu.memory_space<semaphore_mem>>
      %dma_start3A_148 = arith.constant 0 : i32
      %dma_start3A_149 = tpu.memref_slice %arg9[%arg0, %add3A_145, %dma_start3A_148] : memref<2x10240x16xf32, #tpu.memory_space<hbm>> -> memref<1x128x16xf32, #tpu.memory_space<hbm>>
      %dma_start3A_150 = tpu.memref_squeeze %dma_start3A_149 : memref<1x128x16xf32, #tpu.memory_space<hbm>> -> memref<128x16xf32, #tpu.memory_space<hbm>>
      %dma_start3A_151 = arith.constant 0 : i32
      %dma_start3A_152 = tpu.memref_slice %arg9[%arg0, %add3A_145, %dma_start3A_151] : memref<2x10240x16xf32, #tpu.memory_space<hbm>> -> memref<1x128x16xf32, #tpu.memory_space<hbm>>
      %dma_start3A_153 = tpu.memref_squeeze %dma_start3A_152 : memref<1x128x16xf32, #tpu.memory_space<hbm>> -> memref<128x16xf32, #tpu.memory_space<hbm>>
      tpu.enqueue_dma source(%arg21 : memref<128x16xf32, #tpu.memory_space<vmem>>) target(%dma_start3A_153 : memref<128x16xf32, #tpu.memory_space<hbm>>) target_semaphore(%run_scoped3A : memref<!tpu.dma_semaphore, #tpu.memory_space<semaphore_mem>>)
      %dma_wait3A_154 = arith.constant 0 : i32
      %dma_wait3A_155 = tpu.memref_slice %arg9[%arg0, %add3A_145, %dma_wait3A_154] : memref<2x10240x16xf32, #tpu.memory_space<hbm>> -> memref<1x128x16xf32, #tpu.memory_space<hbm>>
      %dma_wait3A_156 = tpu.memref_squeeze %dma_wait3A_155 : memref<1x128x16xf32, #tpu.memory_space<hbm>> -> memref<128x16xf32, #tpu.memory_space<hbm>>
      %dma_wait3A_157 = arith.constant 0 : i32
      %dma_wait3A_158 = tpu.memref_slice %arg9[%arg0, %add3A_145, %dma_wait3A_157] : memref<2x10240x16xf32, #tpu.memory_space<hbm>> -> memref<1x128x16xf32, #tpu.memory_space<hbm>>
      %dma_wait3A_159 = tpu.memref_squeeze %dma_wait3A_158 : memref<1x128x16xf32, #tpu.memory_space<hbm>> -> memref<128x16xf32, #tpu.memory_space<hbm>>
      tpu.wait_dma2 semaphore(%run_scoped3A : memref<!tpu.dma_semaphore, #tpu.memory_space<semaphore_mem>>) src(%arg21 : memref<128x16xf32, #tpu.memory_space<vmem>>) dst(%dma_wait3A_159 : memref<128x16xf32, #tpu.memory_space<hbm>>)
      tpu.yield
    }) : () -> ()
    %add3A_146 = arith.constant 512 : i32
    %add3A_147 = arith.addi %mul3A_2, %add3A_146 : i32
    "tpu.region"() ({
      %run_scoped3A = tpu.sem_alloc : memref<!tpu.dma_semaphore, #tpu.memory_space<semaphore_mem>>
      %dma_start3A_148 = arith.constant 0 : i32
      %dma_start3A_149 = tpu.memref_slice %arg20[%add3A_147, %dma_start3A_148] : memref<10240x128xf32, #tpu.memory_space<vmem_shared>> -> memref<128x128xf32, #tpu.memory_space<vmem_shared>>
      %dma_start3A_150 = arith.constant 0 : i32
      %dma_start3A_151 = tpu.memref_slice %arg20[%add3A_147, %dma_start3A_150] : memref<10240x128xf32, #tpu.memory_space<vmem_shared>> -> memref<128x128xf32, #tpu.memory_space<vmem_shared>>
      tpu.enqueue_dma source(%dma_start3A_151 : memref<128x128xf32, #tpu.memory_space<vmem_shared>>) target(%arg14 : memref<128x128xf32, #tpu.memory_space<vmem>>) target_semaphore(%run_scoped3A : memref<!tpu.dma_semaphore, #tpu.memory_space<semaphore_mem>>)
      %dma_wait3A_152 = arith.constant 0 : i32
      %dma_wait3A_153 = tpu.memref_slice %arg20[%add3A_147, %dma_wait3A_152] : memref<10240x128xf32, #tpu.memory_space<vmem_shared>> -> memref<128x128xf32, #tpu.memory_space<vmem_shared>>
      %dma_wait3A_154 = arith.constant 0 : i32
      %dma_wait3A_155 = tpu.memref_slice %arg20[%add3A_147, %dma_wait3A_154] : memref<10240x128xf32, #tpu.memory_space<vmem_shared>> -> memref<128x128xf32, #tpu.memory_space<vmem_shared>>
      tpu.wait_dma2 semaphore(%run_scoped3A : memref<!tpu.dma_semaphore, #tpu.memory_space<semaphore_mem>>) src(%dma_wait3A_155 : memref<128x128xf32, #tpu.memory_space<vmem_shared>>) dst(%arg14 : memref<128x128xf32, #tpu.memory_space<vmem>>)
      tpu.yield
    }) : () -> ()
    "tpu.region"() ({
      %run_scoped3A = tpu.sem_alloc : memref<!tpu.dma_semaphore, #tpu.memory_space<semaphore_mem>>
      %dma_start3A_148 = arith.constant 0 : i32
      %dma_start3A_149 = tpu.memref_slice %arg8[%arg0, %add3A_147, %dma_start3A_148] : memref<2x10240x128xf32, #tpu.memory_space<hbm>> -> memref<1x128x128xf32, #tpu.memory_space<hbm>>
      %dma_start3A_150 = tpu.memref_squeeze %dma_start3A_149 : memref<1x128x128xf32, #tpu.memory_space<hbm>> -> memref<128x128xf32, #tpu.memory_space<hbm>>
      %dma_start3A_151 = arith.constant 0 : i32
      %dma_start3A_152 = tpu.memref_slice %arg8[%arg0, %add3A_147, %dma_start3A_151] : memref<2x10240x128xf32, #tpu.memory_space<hbm>> -> memref<1x128x128xf32, #tpu.memory_space<hbm>>
      %dma_start3A_153 = tpu.memref_squeeze %dma_start3A_152 : memref<1x128x128xf32, #tpu.memory_space<hbm>> -> memref<128x128xf32, #tpu.memory_space<hbm>>
      tpu.enqueue_dma source(%arg14 : memref<128x128xf32, #tpu.memory_space<vmem>>) target(%dma_start3A_153 : memref<128x128xf32, #tpu.memory_space<hbm>>) target_semaphore(%run_scoped3A : memref<!tpu.dma_semaphore, #tpu.memory_space<semaphore_mem>>)
      %dma_wait3A_154 = arith.constant 0 : i32
      %dma_wait3A_155 = tpu.memref_slice %arg8[%arg0, %add3A_147, %dma_wait3A_154] : memref<2x10240x128xf32, #tpu.memory_space<hbm>> -> memref<1x128x128xf32, #tpu.memory_space<hbm>>
      %dma_wait3A_156 = tpu.memref_squeeze %dma_wait3A_155 : memref<1x128x128xf32, #tpu.memory_space<hbm>> -> memref<128x128xf32, #tpu.memory_space<hbm>>
      %dma_wait3A_157 = arith.constant 0 : i32
      %dma_wait3A_158 = tpu.memref_slice %arg8[%arg0, %add3A_147, %dma_wait3A_157] : memref<2x10240x128xf32, #tpu.memory_space<hbm>> -> memref<1x128x128xf32, #tpu.memory_space<hbm>>
      %dma_wait3A_159 = tpu.memref_squeeze %dma_wait3A_158 : memref<1x128x128xf32, #tpu.memory_space<hbm>> -> memref<128x128xf32, #tpu.memory_space<hbm>>
      tpu.wait_dma2 semaphore(%run_scoped3A : memref<!tpu.dma_semaphore, #tpu.memory_space<semaphore_mem>>) src(%arg14 : memref<128x128xf32, #tpu.memory_space<vmem>>) dst(%dma_wait3A_159 : memref<128x128xf32, #tpu.memory_space<hbm>>)
      tpu.yield
    }) : () -> ()
    "tpu.region"() ({
      %run_scoped3A = tpu.sem_alloc : memref<!tpu.dma_semaphore, #tpu.memory_space<semaphore_mem>>
      %dma_start3A_148 = arith.constant 0 : i32
      %dma_start3A_149 = tpu.memref_slice %arg25[%add3A_147, %dma_start3A_148] : memref<10240x16xf32, #tpu.memory_space<vmem_shared>> -> memref<128x16xf32, #tpu.memory_space<vmem_shared>>
      %dma_start3A_150 = arith.constant 0 : i32
      %dma_start3A_151 = tpu.memref_slice %arg25[%add3A_147, %dma_start3A_150] : memref<10240x16xf32, #tpu.memory_space<vmem_shared>> -> memref<128x16xf32, #tpu.memory_space<vmem_shared>>
      tpu.enqueue_dma source(%dma_start3A_151 : memref<128x16xf32, #tpu.memory_space<vmem_shared>>) target(%arg21 : memref<128x16xf32, #tpu.memory_space<vmem>>) target_semaphore(%run_scoped3A : memref<!tpu.dma_semaphore, #tpu.memory_space<semaphore_mem>>)
      %dma_wait3A_152 = arith.constant 0 : i32
      %dma_wait3A_153 = tpu.memref_slice %arg25[%add3A_147, %dma_wait3A_152] : memref<10240x16xf32, #tpu.memory_space<vmem_shared>> -> memref<128x16xf32, #tpu.memory_space<vmem_shared>>
      %dma_wait3A_154 = arith.constant 0 : i32
      %dma_wait3A_155 = tpu.memref_slice %arg25[%add3A_147, %dma_wait3A_154] : memref<10240x16xf32, #tpu.memory_space<vmem_shared>> -> memref<128x16xf32, #tpu.memory_space<vmem_shared>>
      tpu.wait_dma2 semaphore(%run_scoped3A : memref<!tpu.dma_semaphore, #tpu.memory_space<semaphore_mem>>) src(%dma_wait3A_155 : memref<128x16xf32, #tpu.memory_space<vmem_shared>>) dst(%arg21 : memref<128x16xf32, #tpu.memory_space<vmem>>)
      tpu.yield
    }) : () -> ()
    "tpu.region"() ({
      %run_scoped3A = tpu.sem_alloc : memref<!tpu.dma_semaphore, #tpu.memory_space<semaphore_mem>>
      %dma_start3A_148 = arith.constant 0 : i32
      %dma_start3A_149 = tpu.memref_slice %arg9[%arg0, %add3A_147, %dma_start3A_148] : memref<2x10240x16xf32, #tpu.memory_space<hbm>> -> memref<1x128x16xf32, #tpu.memory_space<hbm>>
      %dma_start3A_150 = tpu.memref_squeeze %dma_start3A_149 : memref<1x128x16xf32, #tpu.memory_space<hbm>> -> memref<128x16xf32, #tpu.memory_space<hbm>>
      %dma_start3A_151 = arith.constant 0 : i32
      %dma_start3A_152 = tpu.memref_slice %arg9[%arg0, %add3A_147, %dma_start3A_151] : memref<2x10240x16xf32, #tpu.memory_space<hbm>> -> memref<1x128x16xf32, #tpu.memory_space<hbm>>
      %dma_start3A_153 = tpu.memref_squeeze %dma_start3A_152 : memref<1x128x16xf32, #tpu.memory_space<hbm>> -> memref<128x16xf32, #tpu.memory_space<hbm>>
      tpu.enqueue_dma source(%arg21 : memref<128x16xf32, #tpu.memory_space<vmem>>) target(%dma_start3A_153 : memref<128x16xf32, #tpu.memory_space<hbm>>) target_semaphore(%run_scoped3A : memref<!tpu.dma_semaphore, #tpu.memory_space<semaphore_mem>>)
      %dma_wait3A_154 = arith.constant 0 : i32
      %dma_wait3A_155 = tpu.memref_slice %arg9[%arg0, %add3A_147, %dma_wait3A_154] : memref<2x10240x16xf32, #tpu.memory_space<hbm>> -> memref<1x128x16xf32, #tpu.memory_space<hbm>>
      %dma_wait3A_156 = tpu.memref_squeeze %dma_wait3A_155 : memref<1x128x16xf32, #tpu.memory_space<hbm>> -> memref<128x16xf32, #tpu.memory_space<hbm>>
      %dma_wait3A_157 = arith.constant 0 : i32
      %dma_wait3A_158 = tpu.memref_slice %arg9[%arg0, %add3A_147, %dma_wait3A_157] : memref<2x10240x16xf32, #tpu.memory_space<hbm>> -> memref<1x128x16xf32, #tpu.memory_space<hbm>>
      %dma_wait3A_159 = tpu.memref_squeeze %dma_wait3A_158 : memref<1x128x16xf32, #tpu.memory_space<hbm>> -> memref<128x16xf32, #tpu.memory_space<hbm>>
      tpu.wait_dma2 semaphore(%run_scoped3A : memref<!tpu.dma_semaphore, #tpu.memory_space<semaphore_mem>>) src(%arg21 : memref<128x16xf32, #tpu.memory_space<vmem>>) dst(%dma_wait3A_159 : memref<128x16xf32, #tpu.memory_space<hbm>>)
      tpu.yield
    }) : () -> ()
    return
  }
}

#map = affine_map<(d0, d1) -> (0, 0, 0, 0)>
#map1 = affine_map<(d0, d1) -> (0, 0)>
#map2 = affine_map<(d0, d1) -> (0, 0, 0)>
module attributes {stable_mosaic.version = 14 : i64} {
  func.func @k(%arg0: i32, %arg1: i32, %arg2: memref<32x80x1x128xi32, #tpu.memory_space<hbm>>, %arg3: memref<32x80x1x128xi32, #tpu.memory_space<hbm>>, %arg4: memref<10000x128xf32, #tpu.memory_space<hbm>>, %arg5: memref<128x128xf32, #tpu.memory_space<hbm>>, %arg6: memref<2x10240x128xf32, #tpu.memory_space<hbm>>, %arg7: memref<1x128xi32, #tpu.memory_space<vmem>>, %arg8: memref<1x128xi32, #tpu.memory_space<vmem>>, %arg9: memref<1x128xi32, #tpu.memory_space<vmem>>, %arg10: memref<1x128xi32, #tpu.memory_space<vmem>>, %arg11: memref<128x128xf32, #tpu.memory_space<vmem>>, %arg12: memref<128x128xf32, #tpu.memory_space<vmem>>, %arg13: memref<!tpu.dma_semaphore, #tpu.memory_space<semaphore_mem>>, %arg14: memref<!tpu.dma_semaphore, #tpu.memory_space<semaphore_mem>>, %arg15: memref<!tpu.dma_semaphore, #tpu.memory_space<semaphore_mem>>, %arg16: memref<!tpu.dma_semaphore, #tpu.memory_space<semaphore_mem>>, %arg17: memref<10240x128xf32, #tpu.memory_space<vmem_shared>>) attributes {dimension_semantics = [#tpu.dimension_semantics<core_parallel>, #tpu.dimension_semantics<subcore_parallel>], iteration_bounds = array<i64: 2, 16>, scalar_prefetch = 0 : i64, scratch_operands = 11 : i64, tpu.core_type = #tpu.core_type<sc_vector_subcore>, window_params = [{transform_indices = #map}, {transform_indices = #map}, {transform_indices = #map1}, {transform_indices = #map1}, {transform_indices = #map2}]} {
    %mul3A = arith.constant 16 : i32
    %mul3A_0 = arith.muli %arg0, %mul3A : i32
    %add3A = arith.addi %mul3A_0, %arg1 : i32
    %mul3A_1 = arith.constant 640 : i32
    %mul3A_2 = arith.muli %arg1, %mul3A_1 : i32
    "tpu.region"() ({
      %run_scoped3A = tpu.sem_alloc : memref<!tpu.dma_semaphore, #tpu.memory_space<semaphore_mem>>
      tpu.enqueue_dma source(%arg5 : memref<128x128xf32, #tpu.memory_space<hbm>>) target(%arg11 : memref<128x128xf32, #tpu.memory_space<vmem>>) target_semaphore(%run_scoped3A : memref<!tpu.dma_semaphore, #tpu.memory_space<semaphore_mem>>)
      tpu.wait_dma2 semaphore(%run_scoped3A : memref<!tpu.dma_semaphore, #tpu.memory_space<semaphore_mem>>) src(%arg5 : memref<128x128xf32, #tpu.memory_space<hbm>>) dst(%arg11 : memref<128x128xf32, #tpu.memory_space<vmem>>)
      tpu.yield
    }) : () -> ()
    %add3A_3 = arith.constant 0 : i32
    %add3A_4 = arith.addi %mul3A_2, %add3A_3 : i32
    "tpu.region"() ({
      %run_scoped3A = tpu.sem_alloc : memref<!tpu.dma_semaphore, #tpu.memory_space<semaphore_mem>>
      %dma_start3A_120 = arith.constant 0 : i32
      %dma_start3A_121 = tpu.memref_slice %arg17[%add3A_4, %dma_start3A_120] : memref<10240x128xf32, #tpu.memory_space<vmem_shared>> -> memref<128x128xf32, #tpu.memory_space<vmem_shared>>
      %dma_start3A_122 = arith.constant 0 : i32
      %dma_start3A_123 = tpu.memref_slice %arg17[%add3A_4, %dma_start3A_122] : memref<10240x128xf32, #tpu.memory_space<vmem_shared>> -> memref<128x128xf32, #tpu.memory_space<vmem_shared>>
      tpu.enqueue_dma source(%arg11 : memref<128x128xf32, #tpu.memory_space<vmem>>) target(%dma_start3A_123 : memref<128x128xf32, #tpu.memory_space<vmem_shared>>) target_semaphore(%run_scoped3A : memref<!tpu.dma_semaphore, #tpu.memory_space<semaphore_mem>>)
      %dma_wait3A_124 = arith.constant 0 : i32
      %dma_wait3A_125 = tpu.memref_slice %arg17[%add3A_4, %dma_wait3A_124] : memref<10240x128xf32, #tpu.memory_space<vmem_shared>> -> memref<128x128xf32, #tpu.memory_space<vmem_shared>>
      %dma_wait3A_126 = arith.constant 0 : i32
      %dma_wait3A_127 = tpu.memref_slice %arg17[%add3A_4, %dma_wait3A_126] : memref<10240x128xf32, #tpu.memory_space<vmem_shared>> -> memref<128x128xf32, #tpu.memory_space<vmem_shared>>
      tpu.wait_dma2 semaphore(%run_scoped3A : memref<!tpu.dma_semaphore, #tpu.memory_space<semaphore_mem>>) src(%arg11 : memref<128x128xf32, #tpu.memory_space<vmem>>) dst(%dma_wait3A_127 : memref<128x128xf32, #tpu.memory_space<vmem_shared>>)
      tpu.yield
    }) : () -> ()
    %add3A_5 = arith.constant 128 : i32
    %add3A_6 = arith.addi %mul3A_2, %add3A_5 : i32
    "tpu.region"() ({
      %run_scoped3A = tpu.sem_alloc : memref<!tpu.dma_semaphore, #tpu.memory_space<semaphore_mem>>
      %dma_start3A_120 = arith.constant 0 : i32
      %dma_start3A_121 = tpu.memref_slice %arg17[%add3A_6, %dma_start3A_120] : memref<10240x128xf32, #tpu.memory_space<vmem_shared>> -> memref<128x128xf32, #tpu.memory_space<vmem_shared>>
      %dma_start3A_122 = arith.constant 0 : i32
      %dma_start3A_123 = tpu.memref_slice %arg17[%add3A_6, %dma_start3A_122] : memref<10240x128xf32, #tpu.memory_space<vmem_shared>> -> memref<128x128xf32, #tpu.memory_space<vmem_shared>>
      tpu.enqueue_dma source(%arg11 : memref<128x128xf32, #tpu.memory_space<vmem>>) target(%dma_start3A_123 : memref<128x128xf32, #tpu.memory_space<vmem_shared>>) target_semaphore(%run_scoped3A : memref<!tpu.dma_semaphore, #tpu.memory_space<semaphore_mem>>)
      %dma_wait3A_124 = arith.constant 0 : i32
      %dma_wait3A_125 = tpu.memref_slice %arg17[%add3A_6, %dma_wait3A_124] : memref<10240x128xf32, #tpu.memory_space<vmem_shared>> -> memref<128x128xf32, #tpu.memory_space<vmem_shared>>
      %dma_wait3A_126 = arith.constant 0 : i32
      %dma_wait3A_127 = tpu.memref_slice %arg17[%add3A_6, %dma_wait3A_126] : memref<10240x128xf32, #tpu.memory_space<vmem_shared>> -> memref<128x128xf32, #tpu.memory_space<vmem_shared>>
      tpu.wait_dma2 semaphore(%run_scoped3A : memref<!tpu.dma_semaphore, #tpu.memory_space<semaphore_mem>>) src(%arg11 : memref<128x128xf32, #tpu.memory_space<vmem>>) dst(%dma_wait3A_127 : memref<128x128xf32, #tpu.memory_space<vmem_shared>>)
      tpu.yield
    }) : () -> ()
    %add3A_7 = arith.constant 256 : i32
    %add3A_8 = arith.addi %mul3A_2, %add3A_7 : i32
    "tpu.region"() ({
      %run_scoped3A = tpu.sem_alloc : memref<!tpu.dma_semaphore, #tpu.memory_space<semaphore_mem>>
      %dma_start3A_120 = arith.constant 0 : i32
      %dma_start3A_121 = tpu.memref_slice %arg17[%add3A_8, %dma_start3A_120] : memref<10240x128xf32, #tpu.memory_space<vmem_shared>> -> memref<128x128xf32, #tpu.memory_space<vmem_shared>>
      %dma_start3A_122 = arith.constant 0 : i32
      %dma_start3A_123 = tpu.memref_slice %arg17[%add3A_8, %dma_start3A_122] : memref<10240x128xf32, #tpu.memory_space<vmem_shared>> -> memref<128x128xf32, #tpu.memory_space<vmem_shared>>
      tpu.enqueue_dma source(%arg11 : memref<128x128xf32, #tpu.memory_space<vmem>>) target(%dma_start3A_123 : memref<128x128xf32, #tpu.memory_space<vmem_shared>>) target_semaphore(%run_scoped3A : memref<!tpu.dma_semaphore, #tpu.memory_space<semaphore_mem>>)
      %dma_wait3A_124 = arith.constant 0 : i32
      %dma_wait3A_125 = tpu.memref_slice %arg17[%add3A_8, %dma_wait3A_124] : memref<10240x128xf32, #tpu.memory_space<vmem_shared>> -> memref<128x128xf32, #tpu.memory_space<vmem_shared>>
      %dma_wait3A_126 = arith.constant 0 : i32
      %dma_wait3A_127 = tpu.memref_slice %arg17[%add3A_8, %dma_wait3A_126] : memref<10240x128xf32, #tpu.memory_space<vmem_shared>> -> memref<128x128xf32, #tpu.memory_space<vmem_shared>>
      tpu.wait_dma2 semaphore(%run_scoped3A : memref<!tpu.dma_semaphore, #tpu.memory_space<semaphore_mem>>) src(%arg11 : memref<128x128xf32, #tpu.memory_space<vmem>>) dst(%dma_wait3A_127 : memref<128x128xf32, #tpu.memory_space<vmem_shared>>)
      tpu.yield
    }) : () -> ()
    %add3A_9 = arith.constant 384 : i32
    %add3A_10 = arith.addi %mul3A_2, %add3A_9 : i32
    "tpu.region"() ({
      %run_scoped3A = tpu.sem_alloc : memref<!tpu.dma_semaphore, #tpu.memory_space<semaphore_mem>>
      %dma_start3A_120 = arith.constant 0 : i32
      %dma_start3A_121 = tpu.memref_slice %arg17[%add3A_10, %dma_start3A_120] : memref<10240x128xf32, #tpu.memory_space<vmem_shared>> -> memref<128x128xf32, #tpu.memory_space<vmem_shared>>
      %dma_start3A_122 = arith.constant 0 : i32
      %dma_start3A_123 = tpu.memref_slice %arg17[%add3A_10, %dma_start3A_122] : memref<10240x128xf32, #tpu.memory_space<vmem_shared>> -> memref<128x128xf32, #tpu.memory_space<vmem_shared>>
      tpu.enqueue_dma source(%arg11 : memref<128x128xf32, #tpu.memory_space<vmem>>) target(%dma_start3A_123 : memref<128x128xf32, #tpu.memory_space<vmem_shared>>) target_semaphore(%run_scoped3A : memref<!tpu.dma_semaphore, #tpu.memory_space<semaphore_mem>>)
      %dma_wait3A_124 = arith.constant 0 : i32
      %dma_wait3A_125 = tpu.memref_slice %arg17[%add3A_10, %dma_wait3A_124] : memref<10240x128xf32, #tpu.memory_space<vmem_shared>> -> memref<128x128xf32, #tpu.memory_space<vmem_shared>>
      %dma_wait3A_126 = arith.constant 0 : i32
      %dma_wait3A_127 = tpu.memref_slice %arg17[%add3A_10, %dma_wait3A_126] : memref<10240x128xf32, #tpu.memory_space<vmem_shared>> -> memref<128x128xf32, #tpu.memory_space<vmem_shared>>
      tpu.wait_dma2 semaphore(%run_scoped3A : memref<!tpu.dma_semaphore, #tpu.memory_space<semaphore_mem>>) src(%arg11 : memref<128x128xf32, #tpu.memory_space<vmem>>) dst(%dma_wait3A_127 : memref<128x128xf32, #tpu.memory_space<vmem_shared>>)
      tpu.yield
    }) : () -> ()
    %add3A_11 = arith.constant 512 : i32
    %add3A_12 = arith.addi %mul3A_2, %add3A_11 : i32
    "tpu.region"() ({
      %run_scoped3A = tpu.sem_alloc : memref<!tpu.dma_semaphore, #tpu.memory_space<semaphore_mem>>
      %dma_start3A_120 = arith.constant 0 : i32
      %dma_start3A_121 = tpu.memref_slice %arg17[%add3A_12, %dma_start3A_120] : memref<10240x128xf32, #tpu.memory_space<vmem_shared>> -> memref<128x128xf32, #tpu.memory_space<vmem_shared>>
      %dma_start3A_122 = arith.constant 0 : i32
      %dma_start3A_123 = tpu.memref_slice %arg17[%add3A_12, %dma_start3A_122] : memref<10240x128xf32, #tpu.memory_space<vmem_shared>> -> memref<128x128xf32, #tpu.memory_space<vmem_shared>>
      tpu.enqueue_dma source(%arg11 : memref<128x128xf32, #tpu.memory_space<vmem>>) target(%dma_start3A_123 : memref<128x128xf32, #tpu.memory_space<vmem_shared>>) target_semaphore(%run_scoped3A : memref<!tpu.dma_semaphore, #tpu.memory_space<semaphore_mem>>)
      %dma_wait3A_124 = arith.constant 0 : i32
      %dma_wait3A_125 = tpu.memref_slice %arg17[%add3A_12, %dma_wait3A_124] : memref<10240x128xf32, #tpu.memory_space<vmem_shared>> -> memref<128x128xf32, #tpu.memory_space<vmem_shared>>
      %dma_wait3A_126 = arith.constant 0 : i32
      %dma_wait3A_127 = tpu.memref_slice %arg17[%add3A_12, %dma_wait3A_126] : memref<10240x128xf32, #tpu.memory_space<vmem_shared>> -> memref<128x128xf32, #tpu.memory_space<vmem_shared>>
      tpu.wait_dma2 semaphore(%run_scoped3A : memref<!tpu.dma_semaphore, #tpu.memory_space<semaphore_mem>>) src(%arg11 : memref<128x128xf32, #tpu.memory_space<vmem>>) dst(%dma_wait3A_127 : memref<128x128xf32, #tpu.memory_space<vmem_shared>>)
      tpu.yield
    }) : () -> ()
    %barrier3A = arith.constant 0 : index
    tpu.barrier barrier_id(%barrier3A)
    %dma_start3A = arith.constant 0 : i32
    %dma_start3A_13 = arith.constant 0 : i32
    %dma_start3A_14 = arith.constant 0 : i32
    %dma_start3A_15 = tpu.memref_slice %arg2[%add3A, %dma_start3A, %dma_start3A_13, %dma_start3A_14] : memref<32x80x1x128xi32, #tpu.memory_space<hbm>> -> memref<1x1x1x128xi32, #tpu.memory_space<hbm>>
    %dma_start3A_16 = tpu.memref_squeeze %dma_start3A_15 : memref<1x1x1x128xi32, #tpu.memory_space<hbm>> -> memref<1x128xi32, #tpu.memory_space<hbm>>
    %dma_start3A_17 = arith.constant 0 : i32
    %dma_start3A_18 = arith.constant 0 : i32
    %dma_start3A_19 = tpu.memref_slice %arg2[%add3A, %dma_start3A, %dma_start3A_17, %dma_start3A_18] : memref<32x80x1x128xi32, #tpu.memory_space<hbm>> -> memref<1x1x1x128xi32, #tpu.memory_space<hbm>>
    %dma_start3A_20 = tpu.memref_squeeze %dma_start3A_19 : memref<1x1x1x128xi32, #tpu.memory_space<hbm>> -> memref<1x128xi32, #tpu.memory_space<hbm>>
    tpu.enqueue_dma source(%dma_start3A_20 : memref<1x128xi32, #tpu.memory_space<hbm>>) target(%arg7 : memref<1x128xi32, #tpu.memory_space<vmem>>) target_semaphore(%arg15 : memref<!tpu.dma_semaphore, #tpu.memory_space<semaphore_mem>>)
    %dma_start3A_21 = arith.constant 0 : i32
    %dma_start3A_22 = arith.constant 0 : i32
    %dma_start3A_23 = arith.constant 0 : i32
    %dma_start3A_24 = tpu.memref_slice %arg3[%add3A, %dma_start3A_21, %dma_start3A_22, %dma_start3A_23] : memref<32x80x1x128xi32, #tpu.memory_space<hbm>> -> memref<1x1x1x128xi32, #tpu.memory_space<hbm>>
    %dma_start3A_25 = tpu.memref_squeeze %dma_start3A_24 : memref<1x1x1x128xi32, #tpu.memory_space<hbm>> -> memref<1x128xi32, #tpu.memory_space<hbm>>
    %dma_start3A_26 = arith.constant 0 : i32
    %dma_start3A_27 = arith.constant 0 : i32
    %dma_start3A_28 = tpu.memref_slice %arg3[%add3A, %dma_start3A_21, %dma_start3A_26, %dma_start3A_27] : memref<32x80x1x128xi32, #tpu.memory_space<hbm>> -> memref<1x1x1x128xi32, #tpu.memory_space<hbm>>
    %dma_start3A_29 = tpu.memref_squeeze %dma_start3A_28 : memref<1x1x1x128xi32, #tpu.memory_space<hbm>> -> memref<1x128xi32, #tpu.memory_space<hbm>>
    tpu.enqueue_dma source(%dma_start3A_29 : memref<1x128xi32, #tpu.memory_space<hbm>>) target(%arg9 : memref<1x128xi32, #tpu.memory_space<vmem>>) target_semaphore(%arg15 : memref<!tpu.dma_semaphore, #tpu.memory_space<semaphore_mem>>)
    %dma_start3A_30 = arith.constant 1 : i32
    %dma_start3A_31 = arith.constant 0 : i32
    %dma_start3A_32 = arith.constant 0 : i32
    %dma_start3A_33 = tpu.memref_slice %arg2[%add3A, %dma_start3A_30, %dma_start3A_31, %dma_start3A_32] : memref<32x80x1x128xi32, #tpu.memory_space<hbm>> -> memref<1x1x1x128xi32, #tpu.memory_space<hbm>>
    %dma_start3A_34 = tpu.memref_squeeze %dma_start3A_33 : memref<1x1x1x128xi32, #tpu.memory_space<hbm>> -> memref<1x128xi32, #tpu.memory_space<hbm>>
    %dma_start3A_35 = arith.constant 0 : i32
    %dma_start3A_36 = arith.constant 0 : i32
    %dma_start3A_37 = tpu.memref_slice %arg2[%add3A, %dma_start3A_30, %dma_start3A_35, %dma_start3A_36] : memref<32x80x1x128xi32, #tpu.memory_space<hbm>> -> memref<1x1x1x128xi32, #tpu.memory_space<hbm>>
    %dma_start3A_38 = tpu.memref_squeeze %dma_start3A_37 : memref<1x1x1x128xi32, #tpu.memory_space<hbm>> -> memref<1x128xi32, #tpu.memory_space<hbm>>
    tpu.enqueue_dma source(%dma_start3A_38 : memref<1x128xi32, #tpu.memory_space<hbm>>) target(%arg8 : memref<1x128xi32, #tpu.memory_space<vmem>>) target_semaphore(%arg16 : memref<!tpu.dma_semaphore, #tpu.memory_space<semaphore_mem>>)
    %dma_start3A_39 = arith.constant 1 : i32
    %dma_start3A_40 = arith.constant 0 : i32
    %dma_start3A_41 = arith.constant 0 : i32
    %dma_start3A_42 = tpu.memref_slice %arg3[%add3A, %dma_start3A_39, %dma_start3A_40, %dma_start3A_41] : memref<32x80x1x128xi32, #tpu.memory_space<hbm>> -> memref<1x1x1x128xi32, #tpu.memory_space<hbm>>
    %dma_start3A_43 = tpu.memref_squeeze %dma_start3A_42 : memref<1x1x1x128xi32, #tpu.memory_space<hbm>> -> memref<1x128xi32, #tpu.memory_space<hbm>>
    %dma_start3A_44 = arith.constant 0 : i32
    %dma_start3A_45 = arith.constant 0 : i32
    %dma_start3A_46 = tpu.memref_slice %arg3[%add3A, %dma_start3A_39, %dma_start3A_44, %dma_start3A_45] : memref<32x80x1x128xi32, #tpu.memory_space<hbm>> -> memref<1x1x1x128xi32, #tpu.memory_space<hbm>>
    %dma_start3A_47 = tpu.memref_squeeze %dma_start3A_46 : memref<1x1x1x128xi32, #tpu.memory_space<hbm>> -> memref<1x128xi32, #tpu.memory_space<hbm>>
    tpu.enqueue_dma source(%dma_start3A_47 : memref<1x128xi32, #tpu.memory_space<hbm>>) target(%arg10 : memref<1x128xi32, #tpu.memory_space<vmem>>) target_semaphore(%arg16 : memref<!tpu.dma_semaphore, #tpu.memory_space<semaphore_mem>>)
    %dma_wait3A = arith.constant 0 : i32
    %dma_wait3A_48 = arith.constant 0 : i32
    %dma_wait3A_49 = arith.constant 0 : i32
    %dma_wait3A_50 = tpu.memref_slice %arg2[%add3A, %dma_wait3A, %dma_wait3A_48, %dma_wait3A_49] : memref<32x80x1x128xi32, #tpu.memory_space<hbm>> -> memref<1x1x1x128xi32, #tpu.memory_space<hbm>>
    %dma_wait3A_51 = tpu.memref_squeeze %dma_wait3A_50 : memref<1x1x1x128xi32, #tpu.memory_space<hbm>> -> memref<1x128xi32, #tpu.memory_space<hbm>>
    %dma_wait3A_52 = arith.constant 0 : i32
    %dma_wait3A_53 = arith.constant 0 : i32
    %dma_wait3A_54 = tpu.memref_slice %arg2[%add3A, %dma_wait3A, %dma_wait3A_52, %dma_wait3A_53] : memref<32x80x1x128xi32, #tpu.memory_space<hbm>> -> memref<1x1x1x128xi32, #tpu.memory_space<hbm>>
    %dma_wait3A_55 = tpu.memref_squeeze %dma_wait3A_54 : memref<1x1x1x128xi32, #tpu.memory_space<hbm>> -> memref<1x128xi32, #tpu.memory_space<hbm>>
    tpu.wait_dma2 semaphore(%arg15 : memref<!tpu.dma_semaphore, #tpu.memory_space<semaphore_mem>>) src(%dma_wait3A_55 : memref<1x128xi32, #tpu.memory_space<hbm>>) dst(%arg7 : memref<1x128xi32, #tpu.memory_space<vmem>>)
    %dma_wait3A_56 = arith.constant 0 : i32
    %dma_wait3A_57 = arith.constant 0 : i32
    %dma_wait3A_58 = arith.constant 0 : i32
    %dma_wait3A_59 = tpu.memref_slice %arg3[%add3A, %dma_wait3A_56, %dma_wait3A_57, %dma_wait3A_58] : memref<32x80x1x128xi32, #tpu.memory_space<hbm>> -> memref<1x1x1x128xi32, #tpu.memory_space<hbm>>
    %dma_wait3A_60 = tpu.memref_squeeze %dma_wait3A_59 : memref<1x1x1x128xi32, #tpu.memory_space<hbm>> -> memref<1x128xi32, #tpu.memory_space<hbm>>
    %dma_wait3A_61 = arith.constant 0 : i32
    %dma_wait3A_62 = arith.constant 0 : i32
    %dma_wait3A_63 = tpu.memref_slice %arg3[%add3A, %dma_wait3A_56, %dma_wait3A_61, %dma_wait3A_62] : memref<32x80x1x128xi32, #tpu.memory_space<hbm>> -> memref<1x1x1x128xi32, #tpu.memory_space<hbm>>
    %dma_wait3A_64 = tpu.memref_squeeze %dma_wait3A_63 : memref<1x1x1x128xi32, #tpu.memory_space<hbm>> -> memref<1x128xi32, #tpu.memory_space<hbm>>
    tpu.wait_dma2 semaphore(%arg15 : memref<!tpu.dma_semaphore, #tpu.memory_space<semaphore_mem>>) src(%dma_wait3A_64 : memref<1x128xi32, #tpu.memory_space<hbm>>) dst(%arg9 : memref<1x128xi32, #tpu.memory_space<vmem>>)
    %dma_start3A_65 = arith.constant 0 : i32
    %dma_start3A_66 = arith.constant 0 : i32
    %dma_start3A_67 = arith.constant 0 : i32
    %dma_start3A_68 = tpu.memref_slice %arg11[%dma_start3A_66, %dma_start3A_67] : memref<128x128xf32, #tpu.memory_space<vmem>> -> memref<32x128xf32, #tpu.memory_space<vmem>>
    %dma_start3A_69 = arith.constant 0 : i32
    %dma_start3A_70 = tpu.memref_slice %arg7[%dma_start3A_65, %dma_start3A_69] : memref<1x128xi32, #tpu.memory_space<vmem>> -> memref<1x32xi32, #tpu.memory_space<vmem>>
    %dma_start3A_71 = tpu.memref_squeeze %dma_start3A_70 : memref<1x32xi32, #tpu.memory_space<vmem>> -> memref<32xi32, #tpu.memory_space<vmem>>
    %dma_start3A_72 = arith.constant 0 : i32
    %dma_start3A_73 = arith.constant 0 : i32
    %dma_start3A_74 = tpu.memref_slice %arg4[%dma_start3A_72, %dma_start3A_73] : memref<10000x128xf32, #tpu.memory_space<hbm>> -> memref<10000x128xf32, #tpu.memory_space<hbm>>
    tpu.enqueue_indirect_dma source(%dma_start3A_74 : memref<10000x128xf32, #tpu.memory_space<hbm>>) target(%dma_start3A_68 : memref<32x128xf32, #tpu.memory_space<vmem>>) offsets(%dma_start3A_71 : memref<32xi32, #tpu.memory_space<vmem>>) semaphore(%arg13 : memref<!tpu.dma_semaphore, #tpu.memory_space<semaphore_mem>>)
    %dma_start3A_75 = arith.constant 0 : i32
    %dma_start3A_76 = arith.constant 32 : i32
    %dma_start3A_77 = arith.constant 0 : i32
    %dma_start3A_78 = tpu.memref_slice %arg11[%dma_start3A_76, %dma_start3A_77] : memref<128x128xf32, #tpu.memory_space<vmem>> -> memref<32x128xf32, #tpu.memory_space<vmem>>
    %dma_start3A_79 = arith.constant 32 : i32
    %dma_start3A_80 = tpu.memref_slice %arg7[%dma_start3A_75, %dma_start3A_79] : memref<1x128xi32, #tpu.memory_space<vmem>> -> memref<1x32xi32, #tpu.memory_space<vmem>>
    %dma_start3A_81 = tpu.memref_squeeze %dma_start3A_80 : memref<1x32xi32, #tpu.memory_space<vmem>> -> memref<32xi32, #tpu.memory_space<vmem>>
    %dma_start3A_82 = arith.constant 0 : i32
    %dma_start3A_83 = arith.constant 0 : i32
    %dma_start3A_84 = tpu.memref_slice %arg4[%dma_start3A_82, %dma_start3A_83] : memref<10000x128xf32, #tpu.memory_space<hbm>> -> memref<10000x128xf32, #tpu.memory_space<hbm>>
    tpu.enqueue_indirect_dma source(%dma_start3A_84 : memref<10000x128xf32, #tpu.memory_space<hbm>>) target(%dma_start3A_78 : memref<32x128xf32, #tpu.memory_space<vmem>>) offsets(%dma_start3A_81 : memref<32xi32, #tpu.memory_space<vmem>>) semaphore(%arg13 : memref<!tpu.dma_semaphore, #tpu.memory_space<semaphore_mem>>)
    %dma_start3A_85 = arith.constant 0 : i32
    %dma_start3A_86 = arith.constant 64 : i32
    %dma_start3A_87 = arith.constant 0 : i32
    %dma_start3A_88 = tpu.memref_slice %arg11[%dma_start3A_86, %dma_start3A_87] : memref<128x128xf32, #tpu.memory_space<vmem>> -> memref<32x128xf32, #tpu.memory_space<vmem>>
    %dma_start3A_89 = arith.constant 64 : i32
    %dma_start3A_90 = tpu.memref_slice %arg7[%dma_start3A_85, %dma_start3A_89] : memref<1x128xi32, #tpu.memory_space<vmem>> -> memref<1x32xi32, #tpu.memory_space<vmem>>
    %dma_start3A_91 = tpu.memref_squeeze %dma_start3A_90 : memref<1x32xi32, #tpu.memory_space<vmem>> -> memref<32xi32, #tpu.memory_space<vmem>>
    %dma_start3A_92 = arith.constant 0 : i32
    %dma_start3A_93 = arith.constant 0 : i32
    %dma_start3A_94 = tpu.memref_slice %arg4[%dma_start3A_92, %dma_start3A_93] : memref<10000x128xf32, #tpu.memory_space<hbm>> -> memref<10000x128xf32, #tpu.memory_space<hbm>>
    tpu.enqueue_indirect_dma source(%dma_start3A_94 : memref<10000x128xf32, #tpu.memory_space<hbm>>) target(%dma_start3A_88 : memref<32x128xf32, #tpu.memory_space<vmem>>) offsets(%dma_start3A_91 : memref<32xi32, #tpu.memory_space<vmem>>) semaphore(%arg13 : memref<!tpu.dma_semaphore, #tpu.memory_space<semaphore_mem>>)
    %dma_start3A_95 = arith.constant 0 : i32
    %dma_start3A_96 = arith.constant 96 : i32
    %dma_start3A_97 = arith.constant 0 : i32
    %dma_start3A_98 = tpu.memref_slice %arg11[%dma_start3A_96, %dma_start3A_97] : memref<128x128xf32, #tpu.memory_space<vmem>> -> memref<32x128xf32, #tpu.memory_space<vmem>>
    %dma_start3A_99 = arith.constant 96 : i32
    %dma_start3A_100 = tpu.memref_slice %arg7[%dma_start3A_95, %dma_start3A_99] : memref<1x128xi32, #tpu.memory_space<vmem>> -> memref<1x32xi32, #tpu.memory_space<vmem>>
    %dma_start3A_101 = tpu.memref_squeeze %dma_start3A_100 : memref<1x32xi32, #tpu.memory_space<vmem>> -> memref<32xi32, #tpu.memory_space<vmem>>
    %dma_start3A_102 = arith.constant 0 : i32
    %dma_start3A_103 = arith.constant 0 : i32
    %dma_start3A_104 = tpu.memref_slice %arg4[%dma_start3A_102, %dma_start3A_103] : memref<10000x128xf32, #tpu.memory_space<hbm>> -> memref<10000x128xf32, #tpu.memory_space<hbm>>
    tpu.enqueue_indirect_dma source(%dma_start3A_104 : memref<10000x128xf32, #tpu.memory_space<hbm>>) target(%dma_start3A_98 : memref<32x128xf32, #tpu.memory_space<vmem>>) offsets(%dma_start3A_101 : memref<32xi32, #tpu.memory_space<vmem>>) semaphore(%arg13 : memref<!tpu.dma_semaphore, #tpu.memory_space<semaphore_mem>>)
    %scan3A = arith.constant 0 : i32
    %scan3A_105 = arith.constant 40 : i32
    %scan3A_106 = arith.addi %scan3A, %scan3A_105 : i32
    %scan3A_107 = arith.constant 1 : i32
    scf.for %scan3A_120 = %scan3A to %scan3A_106 step %scan3A_107  : i32 {
      %mul3A_121 = arith.constant 2 : i32
      %mul3A_122 = arith.muli %mul3A_121, %scan3A_120 : i32
      %add3A_123 = arith.constant 0 : i32
      %add3A_124 = arith.addi %mul3A_122, %add3A_123 : i32
      %dma_wait3A_125 = arith.constant 0 : i32
      %dma_wait3A_126 = arith.constant 0 : i32
      %dma_wait3A_127 = arith.constant 0 : i32
      %dma_wait3A_128 = tpu.memref_slice %arg11[%dma_wait3A_126, %dma_wait3A_127] : memref<128x128xf32, #tpu.memory_space<vmem>> -> memref<32x128xf32, #tpu.memory_space<vmem>>
      %dma_wait3A_129 = arith.constant 0 : i32
      %dma_wait3A_130 = tpu.memref_slice %arg7[%dma_wait3A_125, %dma_wait3A_129] : memref<1x128xi32, #tpu.memory_space<vmem>> -> memref<1x32xi32, #tpu.memory_space<vmem>>
      %dma_wait3A_131 = tpu.memref_squeeze %dma_wait3A_130 : memref<1x32xi32, #tpu.memory_space<vmem>> -> memref<32xi32, #tpu.memory_space<vmem>>
      %dma_wait3A_132 = arith.constant 0 : i32
      %dma_wait3A_133 = arith.constant 0 : i32
      %dma_wait3A_134 = tpu.memref_slice %arg4[%dma_wait3A_132, %dma_wait3A_133] : memref<10000x128xf32, #tpu.memory_space<hbm>> -> memref<10000x128xf32, #tpu.memory_space<hbm>>
      tpu.wait_indirect_dma semaphore(%arg13 : memref<!tpu.dma_semaphore, #tpu.memory_space<semaphore_mem>>) src(%dma_wait3A_134 : memref<10000x128xf32, #tpu.memory_space<hbm>>) dst(%dma_wait3A_128 : memref<32x128xf32, #tpu.memory_space<vmem>>)
      %dma_wait3A_135 = arith.constant 0 : i32
      %dma_wait3A_136 = arith.constant 32 : i32
      %dma_wait3A_137 = arith.constant 0 : i32
      %dma_wait3A_138 = tpu.memref_slice %arg11[%dma_wait3A_136, %dma_wait3A_137] : memref<128x128xf32, #tpu.memory_space<vmem>> -> memref<32x128xf32, #tpu.memory_space<vmem>>
      %dma_wait3A_139 = arith.constant 32 : i32
      %dma_wait3A_140 = tpu.memref_slice %arg7[%dma_wait3A_135, %dma_wait3A_139] : memref<1x128xi32, #tpu.memory_space<vmem>> -> memref<1x32xi32, #tpu.memory_space<vmem>>
      %dma_wait3A_141 = tpu.memref_squeeze %dma_wait3A_140 : memref<1x32xi32, #tpu.memory_space<vmem>> -> memref<32xi32, #tpu.memory_space<vmem>>
      %dma_wait3A_142 = arith.constant 0 : i32
      %dma_wait3A_143 = arith.constant 0 : i32
      %dma_wait3A_144 = tpu.memref_slice %arg4[%dma_wait3A_142, %dma_wait3A_143] : memref<10000x128xf32, #tpu.memory_space<hbm>> -> memref<10000x128xf32, #tpu.memory_space<hbm>>
      tpu.wait_indirect_dma semaphore(%arg13 : memref<!tpu.dma_semaphore, #tpu.memory_space<semaphore_mem>>) src(%dma_wait3A_144 : memref<10000x128xf32, #tpu.memory_space<hbm>>) dst(%dma_wait3A_138 : memref<32x128xf32, #tpu.memory_space<vmem>>)
      %dma_wait3A_145 = arith.constant 0 : i32
      %dma_wait3A_146 = arith.constant 64 : i32
      %dma_wait3A_147 = arith.constant 0 : i32
      %dma_wait3A_148 = tpu.memref_slice %arg11[%dma_wait3A_146, %dma_wait3A_147] : memref<128x128xf32, #tpu.memory_space<vmem>> -> memref<32x128xf32, #tpu.memory_space<vmem>>
      %dma_wait3A_149 = arith.constant 64 : i32
      %dma_wait3A_150 = tpu.memref_slice %arg7[%dma_wait3A_145, %dma_wait3A_149] : memref<1x128xi32, #tpu.memory_space<vmem>> -> memref<1x32xi32, #tpu.memory_space<vmem>>
      %dma_wait3A_151 = tpu.memref_squeeze %dma_wait3A_150 : memref<1x32xi32, #tpu.memory_space<vmem>> -> memref<32xi32, #tpu.memory_space<vmem>>
      %dma_wait3A_152 = arith.constant 0 : i32
      %dma_wait3A_153 = arith.constant 0 : i32
      %dma_wait3A_154 = tpu.memref_slice %arg4[%dma_wait3A_152, %dma_wait3A_153] : memref<10000x128xf32, #tpu.memory_space<hbm>> -> memref<10000x128xf32, #tpu.memory_space<hbm>>
      tpu.wait_indirect_dma semaphore(%arg13 : memref<!tpu.dma_semaphore, #tpu.memory_space<semaphore_mem>>) src(%dma_wait3A_154 : memref<10000x128xf32, #tpu.memory_space<hbm>>) dst(%dma_wait3A_148 : memref<32x128xf32, #tpu.memory_space<vmem>>)
      %dma_wait3A_155 = arith.constant 0 : i32
      %dma_wait3A_156 = arith.constant 96 : i32
      %dma_wait3A_157 = arith.constant 0 : i32
      %dma_wait3A_158 = tpu.memref_slice %arg11[%dma_wait3A_156, %dma_wait3A_157] : memref<128x128xf32, #tpu.memory_space<vmem>> -> memref<32x128xf32, #tpu.memory_space<vmem>>
      %dma_wait3A_159 = arith.constant 96 : i32
      %dma_wait3A_160 = tpu.memref_slice %arg7[%dma_wait3A_155, %dma_wait3A_159] : memref<1x128xi32, #tpu.memory_space<vmem>> -> memref<1x32xi32, #tpu.memory_space<vmem>>
      %dma_wait3A_161 = tpu.memref_squeeze %dma_wait3A_160 : memref<1x32xi32, #tpu.memory_space<vmem>> -> memref<32xi32, #tpu.memory_space<vmem>>
      %dma_wait3A_162 = arith.constant 0 : i32
      %dma_wait3A_163 = arith.constant 0 : i32
      %dma_wait3A_164 = tpu.memref_slice %arg4[%dma_wait3A_162, %dma_wait3A_163] : memref<10000x128xf32, #tpu.memory_space<hbm>> -> memref<10000x128xf32, #tpu.memory_space<hbm>>
      tpu.wait_indirect_dma semaphore(%arg13 : memref<!tpu.dma_semaphore, #tpu.memory_space<semaphore_mem>>) src(%dma_wait3A_164 : memref<10000x128xf32, #tpu.memory_space<hbm>>) dst(%dma_wait3A_158 : memref<32x128xf32, #tpu.memory_space<vmem>>)
      %lt3A = arith.constant 79 : i32
      %lt3A_165 = arith.cmpi slt, %add3A_124, %lt3A : i32
      %convert_element_type3A = arith.extui %lt3A_165 : i1 to i32
      %cond3A = arith.constant 0 : i32
      %cond3A_166 = arith.cmpi ne, %convert_element_type3A, %cond3A : i32
      scf.if %cond3A_166 {
        %add3A_227 = arith.constant 1 : i32
        %add3A_228 = arith.addi %add3A_124, %add3A_227 : i32
        %dma_wait3A_229 = arith.constant 0 : i32
        %dma_wait3A_230 = arith.constant 0 : i32
        %dma_wait3A_231 = tpu.memref_slice %arg2[%add3A, %add3A_228, %dma_wait3A_229, %dma_wait3A_230] : memref<32x80x1x128xi32, #tpu.memory_space<hbm>> -> memref<1x1x1x128xi32, #tpu.memory_space<hbm>>
        %dma_wait3A_232 = tpu.memref_squeeze %dma_wait3A_231 : memref<1x1x1x128xi32, #tpu.memory_space<hbm>> -> memref<1x128xi32, #tpu.memory_space<hbm>>
        %dma_wait3A_233 = arith.constant 0 : i32
        %dma_wait3A_234 = arith.constant 0 : i32
        %dma_wait3A_235 = tpu.memref_slice %arg2[%add3A, %add3A_228, %dma_wait3A_233, %dma_wait3A_234] : memref<32x80x1x128xi32, #tpu.memory_space<hbm>> -> memref<1x1x1x128xi32, #tpu.memory_space<hbm>>
        %dma_wait3A_236 = tpu.memref_squeeze %dma_wait3A_235 : memref<1x1x1x128xi32, #tpu.memory_space<hbm>> -> memref<1x128xi32, #tpu.memory_space<hbm>>
        tpu.wait_dma2 semaphore(%arg16 : memref<!tpu.dma_semaphore, #tpu.memory_space<semaphore_mem>>) src(%dma_wait3A_236 : memref<1x128xi32, #tpu.memory_space<hbm>>) dst(%arg8 : memref<1x128xi32, #tpu.memory_space<vmem>>)
        %dma_wait3A_237 = arith.constant 0 : i32
        %dma_wait3A_238 = arith.constant 0 : i32
        %dma_wait3A_239 = tpu.memref_slice %arg3[%add3A, %add3A_228, %dma_wait3A_237, %dma_wait3A_238] : memref<32x80x1x128xi32, #tpu.memory_space<hbm>> -> memref<1x1x1x128xi32, #tpu.memory_space<hbm>>
        %dma_wait3A_240 = tpu.memref_squeeze %dma_wait3A_239 : memref<1x1x1x128xi32, #tpu.memory_space<hbm>> -> memref<1x128xi32, #tpu.memory_space<hbm>>
        %dma_wait3A_241 = arith.constant 0 : i32
        %dma_wait3A_242 = arith.constant 0 : i32
        %dma_wait3A_243 = tpu.memref_slice %arg3[%add3A, %add3A_228, %dma_wait3A_241, %dma_wait3A_242] : memref<32x80x1x128xi32, #tpu.memory_space<hbm>> -> memref<1x1x1x128xi32, #tpu.memory_space<hbm>>
        %dma_wait3A_244 = tpu.memref_squeeze %dma_wait3A_243 : memref<1x1x1x128xi32, #tpu.memory_space<hbm>> -> memref<1x128xi32, #tpu.memory_space<hbm>>
        tpu.wait_dma2 semaphore(%arg16 : memref<!tpu.dma_semaphore, #tpu.memory_space<semaphore_mem>>) src(%dma_wait3A_244 : memref<1x128xi32, #tpu.memory_space<hbm>>) dst(%arg10 : memref<1x128xi32, #tpu.memory_space<vmem>>)
        %dma_start3A_245 = arith.constant 0 : i32
        %dma_start3A_246 = arith.constant 0 : i32
        %dma_start3A_247 = arith.constant 0 : i32
        %dma_start3A_248 = tpu.memref_slice %arg12[%dma_start3A_246, %dma_start3A_247] : memref<128x128xf32, #tpu.memory_space<vmem>> -> memref<32x128xf32, #tpu.memory_space<vmem>>
        %dma_start3A_249 = arith.constant 0 : i32
        %dma_start3A_250 = tpu.memref_slice %arg8[%dma_start3A_245, %dma_start3A_249] : memref<1x128xi32, #tpu.memory_space<vmem>> -> memref<1x32xi32, #tpu.memory_space<vmem>>
        %dma_start3A_251 = tpu.memref_squeeze %dma_start3A_250 : memref<1x32xi32, #tpu.memory_space<vmem>> -> memref<32xi32, #tpu.memory_space<vmem>>
        %dma_start3A_252 = arith.constant 0 : i32
        %dma_start3A_253 = arith.constant 0 : i32
        %dma_start3A_254 = tpu.memref_slice %arg4[%dma_start3A_252, %dma_start3A_253] : memref<10000x128xf32, #tpu.memory_space<hbm>> -> memref<10000x128xf32, #tpu.memory_space<hbm>>
        tpu.enqueue_indirect_dma source(%dma_start3A_254 : memref<10000x128xf32, #tpu.memory_space<hbm>>) target(%dma_start3A_248 : memref<32x128xf32, #tpu.memory_space<vmem>>) offsets(%dma_start3A_251 : memref<32xi32, #tpu.memory_space<vmem>>) semaphore(%arg14 : memref<!tpu.dma_semaphore, #tpu.memory_space<semaphore_mem>>)
        %dma_start3A_255 = arith.constant 0 : i32
        %dma_start3A_256 = arith.constant 32 : i32
        %dma_start3A_257 = arith.constant 0 : i32
        %dma_start3A_258 = tpu.memref_slice %arg12[%dma_start3A_256, %dma_start3A_257] : memref<128x128xf32, #tpu.memory_space<vmem>> -> memref<32x128xf32, #tpu.memory_space<vmem>>
        %dma_start3A_259 = arith.constant 32 : i32
        %dma_start3A_260 = tpu.memref_slice %arg8[%dma_start3A_255, %dma_start3A_259] : memref<1x128xi32, #tpu.memory_space<vmem>> -> memref<1x32xi32, #tpu.memory_space<vmem>>
        %dma_start3A_261 = tpu.memref_squeeze %dma_start3A_260 : memref<1x32xi32, #tpu.memory_space<vmem>> -> memref<32xi32, #tpu.memory_space<vmem>>
        %dma_start3A_262 = arith.constant 0 : i32
        %dma_start3A_263 = arith.constant 0 : i32
        %dma_start3A_264 = tpu.memref_slice %arg4[%dma_start3A_262, %dma_start3A_263] : memref<10000x128xf32, #tpu.memory_space<hbm>> -> memref<10000x128xf32, #tpu.memory_space<hbm>>
        tpu.enqueue_indirect_dma source(%dma_start3A_264 : memref<10000x128xf32, #tpu.memory_space<hbm>>) target(%dma_start3A_258 : memref<32x128xf32, #tpu.memory_space<vmem>>) offsets(%dma_start3A_261 : memref<32xi32, #tpu.memory_space<vmem>>) semaphore(%arg14 : memref<!tpu.dma_semaphore, #tpu.memory_space<semaphore_mem>>)
        %dma_start3A_265 = arith.constant 0 : i32
        %dma_start3A_266 = arith.constant 64 : i32
        %dma_start3A_267 = arith.constant 0 : i32
        %dma_start3A_268 = tpu.memref_slice %arg12[%dma_start3A_266, %dma_start3A_267] : memref<128x128xf32, #tpu.memory_space<vmem>> -> memref<32x128xf32, #tpu.memory_space<vmem>>
        %dma_start3A_269 = arith.constant 64 : i32
        %dma_start3A_270 = tpu.memref_slice %arg8[%dma_start3A_265, %dma_start3A_269] : memref<1x128xi32, #tpu.memory_space<vmem>> -> memref<1x32xi32, #tpu.memory_space<vmem>>
        %dma_start3A_271 = tpu.memref_squeeze %dma_start3A_270 : memref<1x32xi32, #tpu.memory_space<vmem>> -> memref<32xi32, #tpu.memory_space<vmem>>
        %dma_start3A_272 = arith.constant 0 : i32
        %dma_start3A_273 = arith.constant 0 : i32
        %dma_start3A_274 = tpu.memref_slice %arg4[%dma_start3A_272, %dma_start3A_273] : memref<10000x128xf32, #tpu.memory_space<hbm>> -> memref<10000x128xf32, #tpu.memory_space<hbm>>
        tpu.enqueue_indirect_dma source(%dma_start3A_274 : memref<10000x128xf32, #tpu.memory_space<hbm>>) target(%dma_start3A_268 : memref<32x128xf32, #tpu.memory_space<vmem>>) offsets(%dma_start3A_271 : memref<32xi32, #tpu.memory_space<vmem>>) semaphore(%arg14 : memref<!tpu.dma_semaphore, #tpu.memory_space<semaphore_mem>>)
        %dma_start3A_275 = arith.constant 0 : i32
        %dma_start3A_276 = arith.constant 96 : i32
        %dma_start3A_277 = arith.constant 0 : i32
        %dma_start3A_278 = tpu.memref_slice %arg12[%dma_start3A_276, %dma_start3A_277] : memref<128x128xf32, #tpu.memory_space<vmem>> -> memref<32x128xf32, #tpu.memory_space<vmem>>
        %dma_start3A_279 = arith.constant 96 : i32
        %dma_start3A_280 = tpu.memref_slice %arg8[%dma_start3A_275, %dma_start3A_279] : memref<1x128xi32, #tpu.memory_space<vmem>> -> memref<1x32xi32, #tpu.memory_space<vmem>>
        %dma_start3A_281 = tpu.memref_squeeze %dma_start3A_280 : memref<1x32xi32, #tpu.memory_space<vmem>> -> memref<32xi32, #tpu.memory_space<vmem>>
        %dma_start3A_282 = arith.constant 0 : i32
        %dma_start3A_283 = arith.constant 0 : i32
        %dma_start3A_284 = tpu.memref_slice %arg4[%dma_start3A_282, %dma_start3A_283] : memref<10000x128xf32, #tpu.memory_space<hbm>> -> memref<10000x128xf32, #tpu.memory_space<hbm>>
        tpu.enqueue_indirect_dma source(%dma_start3A_284 : memref<10000x128xf32, #tpu.memory_space<hbm>>) target(%dma_start3A_278 : memref<32x128xf32, #tpu.memory_space<vmem>>) offsets(%dma_start3A_281 : memref<32xi32, #tpu.memory_space<vmem>>) semaphore(%arg14 : memref<!tpu.dma_semaphore, #tpu.memory_space<semaphore_mem>>)
      } else {
      }
      %run_scoped3A = arith.constant 0 : i32
      "tpu.region"() ({
        %run_scoped3A_227 = tpu.sem_alloc : memref<!tpu.dma_semaphore, #tpu.memory_space<semaphore_mem>>
        %dma_start3A_228 = arith.constant 0 : i32
        %dma_start3A_229 = tpu.memref_slice %arg9[%run_scoped3A, %dma_start3A_228] : memref<1x128xi32, #tpu.memory_space<vmem>> -> memref<1x128xi32, #tpu.memory_space<vmem>>
        %dma_start3A_230 = tpu.memref_squeeze %dma_start3A_229 : memref<1x128xi32, #tpu.memory_space<vmem>> -> memref<128xi32, #tpu.memory_space<vmem>>
        %dma_start3A_231 = arith.constant 0 : i32
        %dma_start3A_232 = arith.constant 0 : i32
        %dma_start3A_233 = tpu.memref_slice %arg17[%dma_start3A_231, %dma_start3A_232] : memref<10240x128xf32, #tpu.memory_space<vmem_shared>> -> memref<10240x128xf32, #tpu.memory_space<vmem_shared>>
        tpu.enqueue_indirect_dma source(%arg11 : memref<128x128xf32, #tpu.memory_space<vmem>>) target(%dma_start3A_233 : memref<10240x128xf32, #tpu.memory_space<vmem_shared>>) offsets(%dma_start3A_230 : memref<128xi32, #tpu.memory_space<vmem>>) semaphore(%run_scoped3A_227 : memref<!tpu.dma_semaphore, #tpu.memory_space<semaphore_mem>>) {add = true}
        %dma_wait3A_234 = arith.constant 0 : i32
        %dma_wait3A_235 = tpu.memref_slice %arg9[%run_scoped3A, %dma_wait3A_234] : memref<1x128xi32, #tpu.memory_space<vmem>> -> memref<1x128xi32, #tpu.memory_space<vmem>>
        %dma_wait3A_236 = tpu.memref_squeeze %dma_wait3A_235 : memref<1x128xi32, #tpu.memory_space<vmem>> -> memref<128xi32, #tpu.memory_space<vmem>>
        %dma_wait3A_237 = arith.constant 0 : i32
        %dma_wait3A_238 = arith.constant 0 : i32
        %dma_wait3A_239 = tpu.memref_slice %arg17[%dma_wait3A_237, %dma_wait3A_238] : memref<10240x128xf32, #tpu.memory_space<vmem_shared>> -> memref<10240x128xf32, #tpu.memory_space<vmem_shared>>
        tpu.wait_indirect_dma semaphore(%run_scoped3A_227 : memref<!tpu.dma_semaphore, #tpu.memory_space<semaphore_mem>>) src(%arg11 : memref<128x128xf32, #tpu.memory_space<vmem>>) dst(%dma_wait3A_239 : memref<10240x128xf32, #tpu.memory_space<vmem_shared>>)
        tpu.yield
      }) : () -> ()
      %lt3A_167 = arith.constant 78 : i32
      %lt3A_168 = arith.cmpi slt, %add3A_124, %lt3A_167 : i32
      %convert_element_type3A_169 = arith.extui %lt3A_168 : i1 to i32
      %cond3A_170 = arith.constant 0 : i32
      %cond3A_171 = arith.cmpi ne, %convert_element_type3A_169, %cond3A_170 : i32
      scf.if %cond3A_171 {
        %add3A_227 = arith.constant 2 : i32
        %add3A_228 = arith.addi %add3A_124, %add3A_227 : i32
        %dma_start3A_229 = arith.constant 0 : i32
        %dma_start3A_230 = arith.constant 0 : i32
        %dma_start3A_231 = tpu.memref_slice %arg2[%add3A, %add3A_228, %dma_start3A_229, %dma_start3A_230] : memref<32x80x1x128xi32, #tpu.memory_space<hbm>> -> memref<1x1x1x128xi32, #tpu.memory_space<hbm>>
        %dma_start3A_232 = tpu.memref_squeeze %dma_start3A_231 : memref<1x1x1x128xi32, #tpu.memory_space<hbm>> -> memref<1x128xi32, #tpu.memory_space<hbm>>
        %dma_start3A_233 = arith.constant 0 : i32
        %dma_start3A_234 = arith.constant 0 : i32
        %dma_start3A_235 = tpu.memref_slice %arg2[%add3A, %add3A_228, %dma_start3A_233, %dma_start3A_234] : memref<32x80x1x128xi32, #tpu.memory_space<hbm>> -> memref<1x1x1x128xi32, #tpu.memory_space<hbm>>
        %dma_start3A_236 = tpu.memref_squeeze %dma_start3A_235 : memref<1x1x1x128xi32, #tpu.memory_space<hbm>> -> memref<1x128xi32, #tpu.memory_space<hbm>>
        tpu.enqueue_dma source(%dma_start3A_236 : memref<1x128xi32, #tpu.memory_space<hbm>>) target(%arg7 : memref<1x128xi32, #tpu.memory_space<vmem>>) target_semaphore(%arg15 : memref<!tpu.dma_semaphore, #tpu.memory_space<semaphore_mem>>)
        %dma_start3A_237 = arith.constant 0 : i32
        %dma_start3A_238 = arith.constant 0 : i32
        %dma_start3A_239 = tpu.memref_slice %arg3[%add3A, %add3A_228, %dma_start3A_237, %dma_start3A_238] : memref<32x80x1x128xi32, #tpu.memory_space<hbm>> -> memref<1x1x1x128xi32, #tpu.memory_space<hbm>>
        %dma_start3A_240 = tpu.memref_squeeze %dma_start3A_239 : memref<1x1x1x128xi32, #tpu.memory_space<hbm>> -> memref<1x128xi32, #tpu.memory_space<hbm>>
        %dma_start3A_241 = arith.constant 0 : i32
        %dma_start3A_242 = arith.constant 0 : i32
        %dma_start3A_243 = tpu.memref_slice %arg3[%add3A, %add3A_228, %dma_start3A_241, %dma_start3A_242] : memref<32x80x1x128xi32, #tpu.memory_space<hbm>> -> memref<1x1x1x128xi32, #tpu.memory_space<hbm>>
        %dma_start3A_244 = tpu.memref_squeeze %dma_start3A_243 : memref<1x1x1x128xi32, #tpu.memory_space<hbm>> -> memref<1x128xi32, #tpu.memory_space<hbm>>
        tpu.enqueue_dma source(%dma_start3A_244 : memref<1x128xi32, #tpu.memory_space<hbm>>) target(%arg9 : memref<1x128xi32, #tpu.memory_space<vmem>>) target_semaphore(%arg15 : memref<!tpu.dma_semaphore, #tpu.memory_space<semaphore_mem>>)
      } else {
      }
      %mul3A_172 = arith.constant 2 : i32
      %mul3A_173 = arith.muli %mul3A_172, %scan3A_120 : i32
      %add3A_174 = arith.constant 1 : i32
      %add3A_175 = arith.addi %mul3A_173, %add3A_174 : i32
      %dma_wait3A_176 = arith.constant 0 : i32
      %dma_wait3A_177 = arith.constant 0 : i32
      %dma_wait3A_178 = arith.constant 0 : i32
      %dma_wait3A_179 = tpu.memref_slice %arg12[%dma_wait3A_177, %dma_wait3A_178] : memref<128x128xf32, #tpu.memory_space<vmem>> -> memref<32x128xf32, #tpu.memory_space<vmem>>
      %dma_wait3A_180 = arith.constant 0 : i32
      %dma_wait3A_181 = tpu.memref_slice %arg8[%dma_wait3A_176, %dma_wait3A_180] : memref<1x128xi32, #tpu.memory_space<vmem>> -> memref<1x32xi32, #tpu.memory_space<vmem>>
      %dma_wait3A_182 = tpu.memref_squeeze %dma_wait3A_181 : memref<1x32xi32, #tpu.memory_space<vmem>> -> memref<32xi32, #tpu.memory_space<vmem>>
      %dma_wait3A_183 = arith.constant 0 : i32
      %dma_wait3A_184 = arith.constant 0 : i32
      %dma_wait3A_185 = tpu.memref_slice %arg4[%dma_wait3A_183, %dma_wait3A_184] : memref<10000x128xf32, #tpu.memory_space<hbm>> -> memref<10000x128xf32, #tpu.memory_space<hbm>>
      tpu.wait_indirect_dma semaphore(%arg14 : memref<!tpu.dma_semaphore, #tpu.memory_space<semaphore_mem>>) src(%dma_wait3A_185 : memref<10000x128xf32, #tpu.memory_space<hbm>>) dst(%dma_wait3A_179 : memref<32x128xf32, #tpu.memory_space<vmem>>)
      %dma_wait3A_186 = arith.constant 0 : i32
      %dma_wait3A_187 = arith.constant 32 : i32
      %dma_wait3A_188 = arith.constant 0 : i32
      %dma_wait3A_189 = tpu.memref_slice %arg12[%dma_wait3A_187, %dma_wait3A_188] : memref<128x128xf32, #tpu.memory_space<vmem>> -> memref<32x128xf32, #tpu.memory_space<vmem>>
      %dma_wait3A_190 = arith.constant 32 : i32
      %dma_wait3A_191 = tpu.memref_slice %arg8[%dma_wait3A_186, %dma_wait3A_190] : memref<1x128xi32, #tpu.memory_space<vmem>> -> memref<1x32xi32, #tpu.memory_space<vmem>>
      %dma_wait3A_192 = tpu.memref_squeeze %dma_wait3A_191 : memref<1x32xi32, #tpu.memory_space<vmem>> -> memref<32xi32, #tpu.memory_space<vmem>>
      %dma_wait3A_193 = arith.constant 0 : i32
      %dma_wait3A_194 = arith.constant 0 : i32
      %dma_wait3A_195 = tpu.memref_slice %arg4[%dma_wait3A_193, %dma_wait3A_194] : memref<10000x128xf32, #tpu.memory_space<hbm>> -> memref<10000x128xf32, #tpu.memory_space<hbm>>
      tpu.wait_indirect_dma semaphore(%arg14 : memref<!tpu.dma_semaphore, #tpu.memory_space<semaphore_mem>>) src(%dma_wait3A_195 : memref<10000x128xf32, #tpu.memory_space<hbm>>) dst(%dma_wait3A_189 : memref<32x128xf32, #tpu.memory_space<vmem>>)
      %dma_wait3A_196 = arith.constant 0 : i32
      %dma_wait3A_197 = arith.constant 64 : i32
      %dma_wait3A_198 = arith.constant 0 : i32
      %dma_wait3A_199 = tpu.memref_slice %arg12[%dma_wait3A_197, %dma_wait3A_198] : memref<128x128xf32, #tpu.memory_space<vmem>> -> memref<32x128xf32, #tpu.memory_space<vmem>>
      %dma_wait3A_200 = arith.constant 64 : i32
      %dma_wait3A_201 = tpu.memref_slice %arg8[%dma_wait3A_196, %dma_wait3A_200] : memref<1x128xi32, #tpu.memory_space<vmem>> -> memref<1x32xi32, #tpu.memory_space<vmem>>
      %dma_wait3A_202 = tpu.memref_squeeze %dma_wait3A_201 : memref<1x32xi32, #tpu.memory_space<vmem>> -> memref<32xi32, #tpu.memory_space<vmem>>
      %dma_wait3A_203 = arith.constant 0 : i32
      %dma_wait3A_204 = arith.constant 0 : i32
      %dma_wait3A_205 = tpu.memref_slice %arg4[%dma_wait3A_203, %dma_wait3A_204] : memref<10000x128xf32, #tpu.memory_space<hbm>> -> memref<10000x128xf32, #tpu.memory_space<hbm>>
      tpu.wait_indirect_dma semaphore(%arg14 : memref<!tpu.dma_semaphore, #tpu.memory_space<semaphore_mem>>) src(%dma_wait3A_205 : memref<10000x128xf32, #tpu.memory_space<hbm>>) dst(%dma_wait3A_199 : memref<32x128xf32, #tpu.memory_space<vmem>>)
      %dma_wait3A_206 = arith.constant 0 : i32
      %dma_wait3A_207 = arith.constant 96 : i32
      %dma_wait3A_208 = arith.constant 0 : i32
      %dma_wait3A_209 = tpu.memref_slice %arg12[%dma_wait3A_207, %dma_wait3A_208] : memref<128x128xf32, #tpu.memory_space<vmem>> -> memref<32x128xf32, #tpu.memory_space<vmem>>
      %dma_wait3A_210 = arith.constant 96 : i32
      %dma_wait3A_211 = tpu.memref_slice %arg8[%dma_wait3A_206, %dma_wait3A_210] : memref<1x128xi32, #tpu.memory_space<vmem>> -> memref<1x32xi32, #tpu.memory_space<vmem>>
      %dma_wait3A_212 = tpu.memref_squeeze %dma_wait3A_211 : memref<1x32xi32, #tpu.memory_space<vmem>> -> memref<32xi32, #tpu.memory_space<vmem>>
      %dma_wait3A_213 = arith.constant 0 : i32
      %dma_wait3A_214 = arith.constant 0 : i32
      %dma_wait3A_215 = tpu.memref_slice %arg4[%dma_wait3A_213, %dma_wait3A_214] : memref<10000x128xf32, #tpu.memory_space<hbm>> -> memref<10000x128xf32, #tpu.memory_space<hbm>>
      tpu.wait_indirect_dma semaphore(%arg14 : memref<!tpu.dma_semaphore, #tpu.memory_space<semaphore_mem>>) src(%dma_wait3A_215 : memref<10000x128xf32, #tpu.memory_space<hbm>>) dst(%dma_wait3A_209 : memref<32x128xf32, #tpu.memory_space<vmem>>)
      %lt3A_216 = arith.constant 79 : i32
      %lt3A_217 = arith.cmpi slt, %add3A_175, %lt3A_216 : i32
      %convert_element_type3A_218 = arith.extui %lt3A_217 : i1 to i32
      %cond3A_219 = arith.constant 0 : i32
      %cond3A_220 = arith.cmpi ne, %convert_element_type3A_218, %cond3A_219 : i32
      scf.if %cond3A_220 {
        %add3A_227 = arith.constant 1 : i32
        %add3A_228 = arith.addi %add3A_175, %add3A_227 : i32
        %dma_wait3A_229 = arith.constant 0 : i32
        %dma_wait3A_230 = arith.constant 0 : i32
        %dma_wait3A_231 = tpu.memref_slice %arg2[%add3A, %add3A_228, %dma_wait3A_229, %dma_wait3A_230] : memref<32x80x1x128xi32, #tpu.memory_space<hbm>> -> memref<1x1x1x128xi32, #tpu.memory_space<hbm>>
        %dma_wait3A_232 = tpu.memref_squeeze %dma_wait3A_231 : memref<1x1x1x128xi32, #tpu.memory_space<hbm>> -> memref<1x128xi32, #tpu.memory_space<hbm>>
        %dma_wait3A_233 = arith.constant 0 : i32
        %dma_wait3A_234 = arith.constant 0 : i32
        %dma_wait3A_235 = tpu.memref_slice %arg2[%add3A, %add3A_228, %dma_wait3A_233, %dma_wait3A_234] : memref<32x80x1x128xi32, #tpu.memory_space<hbm>> -> memref<1x1x1x128xi32, #tpu.memory_space<hbm>>
        %dma_wait3A_236 = tpu.memref_squeeze %dma_wait3A_235 : memref<1x1x1x128xi32, #tpu.memory_space<hbm>> -> memref<1x128xi32, #tpu.memory_space<hbm>>
        tpu.wait_dma2 semaphore(%arg15 : memref<!tpu.dma_semaphore, #tpu.memory_space<semaphore_mem>>) src(%dma_wait3A_236 : memref<1x128xi32, #tpu.memory_space<hbm>>) dst(%arg7 : memref<1x128xi32, #tpu.memory_space<vmem>>)
        %dma_wait3A_237 = arith.constant 0 : i32
        %dma_wait3A_238 = arith.constant 0 : i32
        %dma_wait3A_239 = tpu.memref_slice %arg3[%add3A, %add3A_228, %dma_wait3A_237, %dma_wait3A_238] : memref<32x80x1x128xi32, #tpu.memory_space<hbm>> -> memref<1x1x1x128xi32, #tpu.memory_space<hbm>>
        %dma_wait3A_240 = tpu.memref_squeeze %dma_wait3A_239 : memref<1x1x1x128xi32, #tpu.memory_space<hbm>> -> memref<1x128xi32, #tpu.memory_space<hbm>>
        %dma_wait3A_241 = arith.constant 0 : i32
        %dma_wait3A_242 = arith.constant 0 : i32
        %dma_wait3A_243 = tpu.memref_slice %arg3[%add3A, %add3A_228, %dma_wait3A_241, %dma_wait3A_242] : memref<32x80x1x128xi32, #tpu.memory_space<hbm>> -> memref<1x1x1x128xi32, #tpu.memory_space<hbm>>
        %dma_wait3A_244 = tpu.memref_squeeze %dma_wait3A_243 : memref<1x1x1x128xi32, #tpu.memory_space<hbm>> -> memref<1x128xi32, #tpu.memory_space<hbm>>
        tpu.wait_dma2 semaphore(%arg15 : memref<!tpu.dma_semaphore, #tpu.memory_space<semaphore_mem>>) src(%dma_wait3A_244 : memref<1x128xi32, #tpu.memory_space<hbm>>) dst(%arg9 : memref<1x128xi32, #tpu.memory_space<vmem>>)
        %dma_start3A_245 = arith.constant 0 : i32
        %dma_start3A_246 = arith.constant 0 : i32
        %dma_start3A_247 = arith.constant 0 : i32
        %dma_start3A_248 = tpu.memref_slice %arg11[%dma_start3A_246, %dma_start3A_247] : memref<128x128xf32, #tpu.memory_space<vmem>> -> memref<32x128xf32, #tpu.memory_space<vmem>>
        %dma_start3A_249 = arith.constant 0 : i32
        %dma_start3A_250 = tpu.memref_slice %arg7[%dma_start3A_245, %dma_start3A_249] : memref<1x128xi32, #tpu.memory_space<vmem>> -> memref<1x32xi32, #tpu.memory_space<vmem>>
        %dma_start3A_251 = tpu.memref_squeeze %dma_start3A_250 : memref<1x32xi32, #tpu.memory_space<vmem>> -> memref<32xi32, #tpu.memory_space<vmem>>
        %dma_start3A_252 = arith.constant 0 : i32
        %dma_start3A_253 = arith.constant 0 : i32
        %dma_start3A_254 = tpu.memref_slice %arg4[%dma_start3A_252, %dma_start3A_253] : memref<10000x128xf32, #tpu.memory_space<hbm>> -> memref<10000x128xf32, #tpu.memory_space<hbm>>
        tpu.enqueue_indirect_dma source(%dma_start3A_254 : memref<10000x128xf32, #tpu.memory_space<hbm>>) target(%dma_start3A_248 : memref<32x128xf32, #tpu.memory_space<vmem>>) offsets(%dma_start3A_251 : memref<32xi32, #tpu.memory_space<vmem>>) semaphore(%arg13 : memref<!tpu.dma_semaphore, #tpu.memory_space<semaphore_mem>>)
        %dma_start3A_255 = arith.constant 0 : i32
        %dma_start3A_256 = arith.constant 32 : i32
        %dma_start3A_257 = arith.constant 0 : i32
        %dma_start3A_258 = tpu.memref_slice %arg11[%dma_start3A_256, %dma_start3A_257] : memref<128x128xf32, #tpu.memory_space<vmem>> -> memref<32x128xf32, #tpu.memory_space<vmem>>
        %dma_start3A_259 = arith.constant 32 : i32
        %dma_start3A_260 = tpu.memref_slice %arg7[%dma_start3A_255, %dma_start3A_259] : memref<1x128xi32, #tpu.memory_space<vmem>> -> memref<1x32xi32, #tpu.memory_space<vmem>>
        %dma_start3A_261 = tpu.memref_squeeze %dma_start3A_260 : memref<1x32xi32, #tpu.memory_space<vmem>> -> memref<32xi32, #tpu.memory_space<vmem>>
        %dma_start3A_262 = arith.constant 0 : i32
        %dma_start3A_263 = arith.constant 0 : i32
        %dma_start3A_264 = tpu.memref_slice %arg4[%dma_start3A_262, %dma_start3A_263] : memref<10000x128xf32, #tpu.memory_space<hbm>> -> memref<10000x128xf32, #tpu.memory_space<hbm>>
        tpu.enqueue_indirect_dma source(%dma_start3A_264 : memref<10000x128xf32, #tpu.memory_space<hbm>>) target(%dma_start3A_258 : memref<32x128xf32, #tpu.memory_space<vmem>>) offsets(%dma_start3A_261 : memref<32xi32, #tpu.memory_space<vmem>>) semaphore(%arg13 : memref<!tpu.dma_semaphore, #tpu.memory_space<semaphore_mem>>)
        %dma_start3A_265 = arith.constant 0 : i32
        %dma_start3A_266 = arith.constant 64 : i32
        %dma_start3A_267 = arith.constant 0 : i32
        %dma_start3A_268 = tpu.memref_slice %arg11[%dma_start3A_266, %dma_start3A_267] : memref<128x128xf32, #tpu.memory_space<vmem>> -> memref<32x128xf32, #tpu.memory_space<vmem>>
        %dma_start3A_269 = arith.constant 64 : i32
        %dma_start3A_270 = tpu.memref_slice %arg7[%dma_start3A_265, %dma_start3A_269] : memref<1x128xi32, #tpu.memory_space<vmem>> -> memref<1x32xi32, #tpu.memory_space<vmem>>
        %dma_start3A_271 = tpu.memref_squeeze %dma_start3A_270 : memref<1x32xi32, #tpu.memory_space<vmem>> -> memref<32xi32, #tpu.memory_space<vmem>>
        %dma_start3A_272 = arith.constant 0 : i32
        %dma_start3A_273 = arith.constant 0 : i32
        %dma_start3A_274 = tpu.memref_slice %arg4[%dma_start3A_272, %dma_start3A_273] : memref<10000x128xf32, #tpu.memory_space<hbm>> -> memref<10000x128xf32, #tpu.memory_space<hbm>>
        tpu.enqueue_indirect_dma source(%dma_start3A_274 : memref<10000x128xf32, #tpu.memory_space<hbm>>) target(%dma_start3A_268 : memref<32x128xf32, #tpu.memory_space<vmem>>) offsets(%dma_start3A_271 : memref<32xi32, #tpu.memory_space<vmem>>) semaphore(%arg13 : memref<!tpu.dma_semaphore, #tpu.memory_space<semaphore_mem>>)
        %dma_start3A_275 = arith.constant 0 : i32
        %dma_start3A_276 = arith.constant 96 : i32
        %dma_start3A_277 = arith.constant 0 : i32
        %dma_start3A_278 = tpu.memref_slice %arg11[%dma_start3A_276, %dma_start3A_277] : memref<128x128xf32, #tpu.memory_space<vmem>> -> memref<32x128xf32, #tpu.memory_space<vmem>>
        %dma_start3A_279 = arith.constant 96 : i32
        %dma_start3A_280 = tpu.memref_slice %arg7[%dma_start3A_275, %dma_start3A_279] : memref<1x128xi32, #tpu.memory_space<vmem>> -> memref<1x32xi32, #tpu.memory_space<vmem>>
        %dma_start3A_281 = tpu.memref_squeeze %dma_start3A_280 : memref<1x32xi32, #tpu.memory_space<vmem>> -> memref<32xi32, #tpu.memory_space<vmem>>
        %dma_start3A_282 = arith.constant 0 : i32
        %dma_start3A_283 = arith.constant 0 : i32
        %dma_start3A_284 = tpu.memref_slice %arg4[%dma_start3A_282, %dma_start3A_283] : memref<10000x128xf32, #tpu.memory_space<hbm>> -> memref<10000x128xf32, #tpu.memory_space<hbm>>
        tpu.enqueue_indirect_dma source(%dma_start3A_284 : memref<10000x128xf32, #tpu.memory_space<hbm>>) target(%dma_start3A_278 : memref<32x128xf32, #tpu.memory_space<vmem>>) offsets(%dma_start3A_281 : memref<32xi32, #tpu.memory_space<vmem>>) semaphore(%arg13 : memref<!tpu.dma_semaphore, #tpu.memory_space<semaphore_mem>>)
      } else {
      }
      %run_scoped3A_221 = arith.constant 0 : i32
      "tpu.region"() ({
        %run_scoped3A_227 = tpu.sem_alloc : memref<!tpu.dma_semaphore, #tpu.memory_space<semaphore_mem>>
        %dma_start3A_228 = arith.constant 0 : i32
        %dma_start3A_229 = tpu.memref_slice %arg10[%run_scoped3A_221, %dma_start3A_228] : memref<1x128xi32, #tpu.memory_space<vmem>> -> memref<1x128xi32, #tpu.memory_space<vmem>>
        %dma_start3A_230 = tpu.memref_squeeze %dma_start3A_229 : memref<1x128xi32, #tpu.memory_space<vmem>> -> memref<128xi32, #tpu.memory_space<vmem>>
        %dma_start3A_231 = arith.constant 0 : i32
        %dma_start3A_232 = arith.constant 0 : i32
        %dma_start3A_233 = tpu.memref_slice %arg17[%dma_start3A_231, %dma_start3A_232] : memref<10240x128xf32, #tpu.memory_space<vmem_shared>> -> memref<10240x128xf32, #tpu.memory_space<vmem_shared>>
        tpu.enqueue_indirect_dma source(%arg12 : memref<128x128xf32, #tpu.memory_space<vmem>>) target(%dma_start3A_233 : memref<10240x128xf32, #tpu.memory_space<vmem_shared>>) offsets(%dma_start3A_230 : memref<128xi32, #tpu.memory_space<vmem>>) semaphore(%run_scoped3A_227 : memref<!tpu.dma_semaphore, #tpu.memory_space<semaphore_mem>>) {add = true}
        %dma_wait3A_234 = arith.constant 0 : i32
        %dma_wait3A_235 = tpu.memref_slice %arg10[%run_scoped3A_221, %dma_wait3A_234] : memref<1x128xi32, #tpu.memory_space<vmem>> -> memref<1x128xi32, #tpu.memory_space<vmem>>
        %dma_wait3A_236 = tpu.memref_squeeze %dma_wait3A_235 : memref<1x128xi32, #tpu.memory_space<vmem>> -> memref<128xi32, #tpu.memory_space<vmem>>
        %dma_wait3A_237 = arith.constant 0 : i32
        %dma_wait3A_238 = arith.constant 0 : i32
        %dma_wait3A_239 = tpu.memref_slice %arg17[%dma_wait3A_237, %dma_wait3A_238] : memref<10240x128xf32, #tpu.memory_space<vmem_shared>> -> memref<10240x128xf32, #tpu.memory_space<vmem_shared>>
        tpu.wait_indirect_dma semaphore(%run_scoped3A_227 : memref<!tpu.dma_semaphore, #tpu.memory_space<semaphore_mem>>) src(%arg12 : memref<128x128xf32, #tpu.memory_space<vmem>>) dst(%dma_wait3A_239 : memref<10240x128xf32, #tpu.memory_space<vmem_shared>>)
        tpu.yield
      }) : () -> ()
      %lt3A_222 = arith.constant 78 : i32
      %lt3A_223 = arith.cmpi slt, %add3A_175, %lt3A_222 : i32
      %convert_element_type3A_224 = arith.extui %lt3A_223 : i1 to i32
      %cond3A_225 = arith.constant 0 : i32
      %cond3A_226 = arith.cmpi ne, %convert_element_type3A_224, %cond3A_225 : i32
      scf.if %cond3A_226 {
        %add3A_227 = arith.constant 2 : i32
        %add3A_228 = arith.addi %add3A_175, %add3A_227 : i32
        %dma_start3A_229 = arith.constant 0 : i32
        %dma_start3A_230 = arith.constant 0 : i32
        %dma_start3A_231 = tpu.memref_slice %arg2[%add3A, %add3A_228, %dma_start3A_229, %dma_start3A_230] : memref<32x80x1x128xi32, #tpu.memory_space<hbm>> -> memref<1x1x1x128xi32, #tpu.memory_space<hbm>>
        %dma_start3A_232 = tpu.memref_squeeze %dma_start3A_231 : memref<1x1x1x128xi32, #tpu.memory_space<hbm>> -> memref<1x128xi32, #tpu.memory_space<hbm>>
        %dma_start3A_233 = arith.constant 0 : i32
        %dma_start3A_234 = arith.constant 0 : i32
        %dma_start3A_235 = tpu.memref_slice %arg2[%add3A, %add3A_228, %dma_start3A_233, %dma_start3A_234] : memref<32x80x1x128xi32, #tpu.memory_space<hbm>> -> memref<1x1x1x128xi32, #tpu.memory_space<hbm>>
        %dma_start3A_236 = tpu.memref_squeeze %dma_start3A_235 : memref<1x1x1x128xi32, #tpu.memory_space<hbm>> -> memref<1x128xi32, #tpu.memory_space<hbm>>
        tpu.enqueue_dma source(%dma_start3A_236 : memref<1x128xi32, #tpu.memory_space<hbm>>) target(%arg8 : memref<1x128xi32, #tpu.memory_space<vmem>>) target_semaphore(%arg16 : memref<!tpu.dma_semaphore, #tpu.memory_space<semaphore_mem>>)
        %dma_start3A_237 = arith.constant 0 : i32
        %dma_start3A_238 = arith.constant 0 : i32
        %dma_start3A_239 = tpu.memref_slice %arg3[%add3A, %add3A_228, %dma_start3A_237, %dma_start3A_238] : memref<32x80x1x128xi32, #tpu.memory_space<hbm>> -> memref<1x1x1x128xi32, #tpu.memory_space<hbm>>
        %dma_start3A_240 = tpu.memref_squeeze %dma_start3A_239 : memref<1x1x1x128xi32, #tpu.memory_space<hbm>> -> memref<1x128xi32, #tpu.memory_space<hbm>>
        %dma_start3A_241 = arith.constant 0 : i32
        %dma_start3A_242 = arith.constant 0 : i32
        %dma_start3A_243 = tpu.memref_slice %arg3[%add3A, %add3A_228, %dma_start3A_241, %dma_start3A_242] : memref<32x80x1x128xi32, #tpu.memory_space<hbm>> -> memref<1x1x1x128xi32, #tpu.memory_space<hbm>>
        %dma_start3A_244 = tpu.memref_squeeze %dma_start3A_243 : memref<1x1x1x128xi32, #tpu.memory_space<hbm>> -> memref<1x128xi32, #tpu.memory_space<hbm>>
        tpu.enqueue_dma source(%dma_start3A_244 : memref<1x128xi32, #tpu.memory_space<hbm>>) target(%arg10 : memref<1x128xi32, #tpu.memory_space<vmem>>) target_semaphore(%arg16 : memref<!tpu.dma_semaphore, #tpu.memory_space<semaphore_mem>>)
      } else {
      }
    }
    %scan3A_108 = arith.constant 40 : i32
    %barrier3A_109 = arith.constant 0 : index
    tpu.barrier barrier_id(%barrier3A_109)
    %add3A_110 = arith.constant 0 : i32
    %add3A_111 = arith.addi %mul3A_2, %add3A_110 : i32
    "tpu.region"() ({
      %run_scoped3A = tpu.sem_alloc : memref<!tpu.dma_semaphore, #tpu.memory_space<semaphore_mem>>
      %dma_start3A_120 = arith.constant 0 : i32
      %dma_start3A_121 = tpu.memref_slice %arg17[%add3A_111, %dma_start3A_120] : memref<10240x128xf32, #tpu.memory_space<vmem_shared>> -> memref<128x128xf32, #tpu.memory_space<vmem_shared>>
      %dma_start3A_122 = arith.constant 0 : i32
      %dma_start3A_123 = tpu.memref_slice %arg17[%add3A_111, %dma_start3A_122] : memref<10240x128xf32, #tpu.memory_space<vmem_shared>> -> memref<128x128xf32, #tpu.memory_space<vmem_shared>>
      tpu.enqueue_dma source(%dma_start3A_123 : memref<128x128xf32, #tpu.memory_space<vmem_shared>>) target(%arg11 : memref<128x128xf32, #tpu.memory_space<vmem>>) target_semaphore(%run_scoped3A : memref<!tpu.dma_semaphore, #tpu.memory_space<semaphore_mem>>)
      %dma_wait3A_124 = arith.constant 0 : i32
      %dma_wait3A_125 = tpu.memref_slice %arg17[%add3A_111, %dma_wait3A_124] : memref<10240x128xf32, #tpu.memory_space<vmem_shared>> -> memref<128x128xf32, #tpu.memory_space<vmem_shared>>
      %dma_wait3A_126 = arith.constant 0 : i32
      %dma_wait3A_127 = tpu.memref_slice %arg17[%add3A_111, %dma_wait3A_126] : memref<10240x128xf32, #tpu.memory_space<vmem_shared>> -> memref<128x128xf32, #tpu.memory_space<vmem_shared>>
      tpu.wait_dma2 semaphore(%run_scoped3A : memref<!tpu.dma_semaphore, #tpu.memory_space<semaphore_mem>>) src(%dma_wait3A_127 : memref<128x128xf32, #tpu.memory_space<vmem_shared>>) dst(%arg11 : memref<128x128xf32, #tpu.memory_space<vmem>>)
      tpu.yield
    }) : () -> ()
    "tpu.region"() ({
      %run_scoped3A = tpu.sem_alloc : memref<!tpu.dma_semaphore, #tpu.memory_space<semaphore_mem>>
      %dma_start3A_120 = arith.constant 0 : i32
      %dma_start3A_121 = tpu.memref_slice %arg6[%arg0, %add3A_111, %dma_start3A_120] : memref<2x10240x128xf32, #tpu.memory_space<hbm>> -> memref<1x128x128xf32, #tpu.memory_space<hbm>>
      %dma_start3A_122 = tpu.memref_squeeze %dma_start3A_121 : memref<1x128x128xf32, #tpu.memory_space<hbm>> -> memref<128x128xf32, #tpu.memory_space<hbm>>
      %dma_start3A_123 = arith.constant 0 : i32
      %dma_start3A_124 = tpu.memref_slice %arg6[%arg0, %add3A_111, %dma_start3A_123] : memref<2x10240x128xf32, #tpu.memory_space<hbm>> -> memref<1x128x128xf32, #tpu.memory_space<hbm>>
      %dma_start3A_125 = tpu.memref_squeeze %dma_start3A_124 : memref<1x128x128xf32, #tpu.memory_space<hbm>> -> memref<128x128xf32, #tpu.memory_space<hbm>>
      tpu.enqueue_dma source(%arg11 : memref<128x128xf32, #tpu.memory_space<vmem>>) target(%dma_start3A_125 : memref<128x128xf32, #tpu.memory_space<hbm>>) target_semaphore(%run_scoped3A : memref<!tpu.dma_semaphore, #tpu.memory_space<semaphore_mem>>)
      %dma_wait3A_126 = arith.constant 0 : i32
      %dma_wait3A_127 = tpu.memref_slice %arg6[%arg0, %add3A_111, %dma_wait3A_126] : memref<2x10240x128xf32, #tpu.memory_space<hbm>> -> memref<1x128x128xf32, #tpu.memory_space<hbm>>
      %dma_wait3A_128 = tpu.memref_squeeze %dma_wait3A_127 : memref<1x128x128xf32, #tpu.memory_space<hbm>> -> memref<128x128xf32, #tpu.memory_space<hbm>>
      %dma_wait3A_129 = arith.constant 0 : i32
      %dma_wait3A_130 = tpu.memref_slice %arg6[%arg0, %add3A_111, %dma_wait3A_129] : memref<2x10240x128xf32, #tpu.memory_space<hbm>> -> memref<1x128x128xf32, #tpu.memory_space<hbm>>
      %dma_wait3A_131 = tpu.memref_squeeze %dma_wait3A_130 : memref<1x128x128xf32, #tpu.memory_space<hbm>> -> memref<128x128xf32, #tpu.memory_space<hbm>>
      tpu.wait_dma2 semaphore(%run_scoped3A : memref<!tpu.dma_semaphore, #tpu.memory_space<semaphore_mem>>) src(%arg11 : memref<128x128xf32, #tpu.memory_space<vmem>>) dst(%dma_wait3A_131 : memref<128x128xf32, #tpu.memory_space<hbm>>)
      tpu.yield
    }) : () -> ()
    %add3A_112 = arith.constant 128 : i32
    %add3A_113 = arith.addi %mul3A_2, %add3A_112 : i32
    "tpu.region"() ({
      %run_scoped3A = tpu.sem_alloc : memref<!tpu.dma_semaphore, #tpu.memory_space<semaphore_mem>>
      %dma_start3A_120 = arith.constant 0 : i32
      %dma_start3A_121 = tpu.memref_slice %arg17[%add3A_113, %dma_start3A_120] : memref<10240x128xf32, #tpu.memory_space<vmem_shared>> -> memref<128x128xf32, #tpu.memory_space<vmem_shared>>
      %dma_start3A_122 = arith.constant 0 : i32
      %dma_start3A_123 = tpu.memref_slice %arg17[%add3A_113, %dma_start3A_122] : memref<10240x128xf32, #tpu.memory_space<vmem_shared>> -> memref<128x128xf32, #tpu.memory_space<vmem_shared>>
      tpu.enqueue_dma source(%dma_start3A_123 : memref<128x128xf32, #tpu.memory_space<vmem_shared>>) target(%arg11 : memref<128x128xf32, #tpu.memory_space<vmem>>) target_semaphore(%run_scoped3A : memref<!tpu.dma_semaphore, #tpu.memory_space<semaphore_mem>>)
      %dma_wait3A_124 = arith.constant 0 : i32
      %dma_wait3A_125 = tpu.memref_slice %arg17[%add3A_113, %dma_wait3A_124] : memref<10240x128xf32, #tpu.memory_space<vmem_shared>> -> memref<128x128xf32, #tpu.memory_space<vmem_shared>>
      %dma_wait3A_126 = arith.constant 0 : i32
      %dma_wait3A_127 = tpu.memref_slice %arg17[%add3A_113, %dma_wait3A_126] : memref<10240x128xf32, #tpu.memory_space<vmem_shared>> -> memref<128x128xf32, #tpu.memory_space<vmem_shared>>
      tpu.wait_dma2 semaphore(%run_scoped3A : memref<!tpu.dma_semaphore, #tpu.memory_space<semaphore_mem>>) src(%dma_wait3A_127 : memref<128x128xf32, #tpu.memory_space<vmem_shared>>) dst(%arg11 : memref<128x128xf32, #tpu.memory_space<vmem>>)
      tpu.yield
    }) : () -> ()
    "tpu.region"() ({
      %run_scoped3A = tpu.sem_alloc : memref<!tpu.dma_semaphore, #tpu.memory_space<semaphore_mem>>
      %dma_start3A_120 = arith.constant 0 : i32
      %dma_start3A_121 = tpu.memref_slice %arg6[%arg0, %add3A_113, %dma_start3A_120] : memref<2x10240x128xf32, #tpu.memory_space<hbm>> -> memref<1x128x128xf32, #tpu.memory_space<hbm>>
      %dma_start3A_122 = tpu.memref_squeeze %dma_start3A_121 : memref<1x128x128xf32, #tpu.memory_space<hbm>> -> memref<128x128xf32, #tpu.memory_space<hbm>>
      %dma_start3A_123 = arith.constant 0 : i32
      %dma_start3A_124 = tpu.memref_slice %arg6[%arg0, %add3A_113, %dma_start3A_123] : memref<2x10240x128xf32, #tpu.memory_space<hbm>> -> memref<1x128x128xf32, #tpu.memory_space<hbm>>
      %dma_start3A_125 = tpu.memref_squeeze %dma_start3A_124 : memref<1x128x128xf32, #tpu.memory_space<hbm>> -> memref<128x128xf32, #tpu.memory_space<hbm>>
      tpu.enqueue_dma source(%arg11 : memref<128x128xf32, #tpu.memory_space<vmem>>) target(%dma_start3A_125 : memref<128x128xf32, #tpu.memory_space<hbm>>) target_semaphore(%run_scoped3A : memref<!tpu.dma_semaphore, #tpu.memory_space<semaphore_mem>>)
      %dma_wait3A_126 = arith.constant 0 : i32
      %dma_wait3A_127 = tpu.memref_slice %arg6[%arg0, %add3A_113, %dma_wait3A_126] : memref<2x10240x128xf32, #tpu.memory_space<hbm>> -> memref<1x128x128xf32, #tpu.memory_space<hbm>>
      %dma_wait3A_128 = tpu.memref_squeeze %dma_wait3A_127 : memref<1x128x128xf32, #tpu.memory_space<hbm>> -> memref<128x128xf32, #tpu.memory_space<hbm>>
      %dma_wait3A_129 = arith.constant 0 : i32
      %dma_wait3A_130 = tpu.memref_slice %arg6[%arg0, %add3A_113, %dma_wait3A_129] : memref<2x10240x128xf32, #tpu.memory_space<hbm>> -> memref<1x128x128xf32, #tpu.memory_space<hbm>>
      %dma_wait3A_131 = tpu.memref_squeeze %dma_wait3A_130 : memref<1x128x128xf32, #tpu.memory_space<hbm>> -> memref<128x128xf32, #tpu.memory_space<hbm>>
      tpu.wait_dma2 semaphore(%run_scoped3A : memref<!tpu.dma_semaphore, #tpu.memory_space<semaphore_mem>>) src(%arg11 : memref<128x128xf32, #tpu.memory_space<vmem>>) dst(%dma_wait3A_131 : memref<128x128xf32, #tpu.memory_space<hbm>>)
      tpu.yield
    }) : () -> ()
    %add3A_114 = arith.constant 256 : i32
    %add3A_115 = arith.addi %mul3A_2, %add3A_114 : i32
    "tpu.region"() ({
      %run_scoped3A = tpu.sem_alloc : memref<!tpu.dma_semaphore, #tpu.memory_space<semaphore_mem>>
      %dma_start3A_120 = arith.constant 0 : i32
      %dma_start3A_121 = tpu.memref_slice %arg17[%add3A_115, %dma_start3A_120] : memref<10240x128xf32, #tpu.memory_space<vmem_shared>> -> memref<128x128xf32, #tpu.memory_space<vmem_shared>>
      %dma_start3A_122 = arith.constant 0 : i32
      %dma_start3A_123 = tpu.memref_slice %arg17[%add3A_115, %dma_start3A_122] : memref<10240x128xf32, #tpu.memory_space<vmem_shared>> -> memref<128x128xf32, #tpu.memory_space<vmem_shared>>
      tpu.enqueue_dma source(%dma_start3A_123 : memref<128x128xf32, #tpu.memory_space<vmem_shared>>) target(%arg11 : memref<128x128xf32, #tpu.memory_space<vmem>>) target_semaphore(%run_scoped3A : memref<!tpu.dma_semaphore, #tpu.memory_space<semaphore_mem>>)
      %dma_wait3A_124 = arith.constant 0 : i32
      %dma_wait3A_125 = tpu.memref_slice %arg17[%add3A_115, %dma_wait3A_124] : memref<10240x128xf32, #tpu.memory_space<vmem_shared>> -> memref<128x128xf32, #tpu.memory_space<vmem_shared>>
      %dma_wait3A_126 = arith.constant 0 : i32
      %dma_wait3A_127 = tpu.memref_slice %arg17[%add3A_115, %dma_wait3A_126] : memref<10240x128xf32, #tpu.memory_space<vmem_shared>> -> memref<128x128xf32, #tpu.memory_space<vmem_shared>>
      tpu.wait_dma2 semaphore(%run_scoped3A : memref<!tpu.dma_semaphore, #tpu.memory_space<semaphore_mem>>) src(%dma_wait3A_127 : memref<128x128xf32, #tpu.memory_space<vmem_shared>>) dst(%arg11 : memref<128x128xf32, #tpu.memory_space<vmem>>)
      tpu.yield
    }) : () -> ()
    "tpu.region"() ({
      %run_scoped3A = tpu.sem_alloc : memref<!tpu.dma_semaphore, #tpu.memory_space<semaphore_mem>>
      %dma_start3A_120 = arith.constant 0 : i32
      %dma_start3A_121 = tpu.memref_slice %arg6[%arg0, %add3A_115, %dma_start3A_120] : memref<2x10240x128xf32, #tpu.memory_space<hbm>> -> memref<1x128x128xf32, #tpu.memory_space<hbm>>
      %dma_start3A_122 = tpu.memref_squeeze %dma_start3A_121 : memref<1x128x128xf32, #tpu.memory_space<hbm>> -> memref<128x128xf32, #tpu.memory_space<hbm>>
      %dma_start3A_123 = arith.constant 0 : i32
      %dma_start3A_124 = tpu.memref_slice %arg6[%arg0, %add3A_115, %dma_start3A_123] : memref<2x10240x128xf32, #tpu.memory_space<hbm>> -> memref<1x128x128xf32, #tpu.memory_space<hbm>>
      %dma_start3A_125 = tpu.memref_squeeze %dma_start3A_124 : memref<1x128x128xf32, #tpu.memory_space<hbm>> -> memref<128x128xf32, #tpu.memory_space<hbm>>
      tpu.enqueue_dma source(%arg11 : memref<128x128xf32, #tpu.memory_space<vmem>>) target(%dma_start3A_125 : memref<128x128xf32, #tpu.memory_space<hbm>>) target_semaphore(%run_scoped3A : memref<!tpu.dma_semaphore, #tpu.memory_space<semaphore_mem>>)
      %dma_wait3A_126 = arith.constant 0 : i32
      %dma_wait3A_127 = tpu.memref_slice %arg6[%arg0, %add3A_115, %dma_wait3A_126] : memref<2x10240x128xf32, #tpu.memory_space<hbm>> -> memref<1x128x128xf32, #tpu.memory_space<hbm>>
      %dma_wait3A_128 = tpu.memref_squeeze %dma_wait3A_127 : memref<1x128x128xf32, #tpu.memory_space<hbm>> -> memref<128x128xf32, #tpu.memory_space<hbm>>
      %dma_wait3A_129 = arith.constant 0 : i32
      %dma_wait3A_130 = tpu.memref_slice %arg6[%arg0, %add3A_115, %dma_wait3A_129] : memref<2x10240x128xf32, #tpu.memory_space<hbm>> -> memref<1x128x128xf32, #tpu.memory_space<hbm>>
      %dma_wait3A_131 = tpu.memref_squeeze %dma_wait3A_130 : memref<1x128x128xf32, #tpu.memory_space<hbm>> -> memref<128x128xf32, #tpu.memory_space<hbm>>
      tpu.wait_dma2 semaphore(%run_scoped3A : memref<!tpu.dma_semaphore, #tpu.memory_space<semaphore_mem>>) src(%arg11 : memref<128x128xf32, #tpu.memory_space<vmem>>) dst(%dma_wait3A_131 : memref<128x128xf32, #tpu.memory_space<hbm>>)
      tpu.yield
    }) : () -> ()
    %add3A_116 = arith.constant 384 : i32
    %add3A_117 = arith.addi %mul3A_2, %add3A_116 : i32
    "tpu.region"() ({
      %run_scoped3A = tpu.sem_alloc : memref<!tpu.dma_semaphore, #tpu.memory_space<semaphore_mem>>
      %dma_start3A_120 = arith.constant 0 : i32
      %dma_start3A_121 = tpu.memref_slice %arg17[%add3A_117, %dma_start3A_120] : memref<10240x128xf32, #tpu.memory_space<vmem_shared>> -> memref<128x128xf32, #tpu.memory_space<vmem_shared>>
      %dma_start3A_122 = arith.constant 0 : i32
      %dma_start3A_123 = tpu.memref_slice %arg17[%add3A_117, %dma_start3A_122] : memref<10240x128xf32, #tpu.memory_space<vmem_shared>> -> memref<128x128xf32, #tpu.memory_space<vmem_shared>>
      tpu.enqueue_dma source(%dma_start3A_123 : memref<128x128xf32, #tpu.memory_space<vmem_shared>>) target(%arg11 : memref<128x128xf32, #tpu.memory_space<vmem>>) target_semaphore(%run_scoped3A : memref<!tpu.dma_semaphore, #tpu.memory_space<semaphore_mem>>)
      %dma_wait3A_124 = arith.constant 0 : i32
      %dma_wait3A_125 = tpu.memref_slice %arg17[%add3A_117, %dma_wait3A_124] : memref<10240x128xf32, #tpu.memory_space<vmem_shared>> -> memref<128x128xf32, #tpu.memory_space<vmem_shared>>
      %dma_wait3A_126 = arith.constant 0 : i32
      %dma_wait3A_127 = tpu.memref_slice %arg17[%add3A_117, %dma_wait3A_126] : memref<10240x128xf32, #tpu.memory_space<vmem_shared>> -> memref<128x128xf32, #tpu.memory_space<vmem_shared>>
      tpu.wait_dma2 semaphore(%run_scoped3A : memref<!tpu.dma_semaphore, #tpu.memory_space<semaphore_mem>>) src(%dma_wait3A_127 : memref<128x128xf32, #tpu.memory_space<vmem_shared>>) dst(%arg11 : memref<128x128xf32, #tpu.memory_space<vmem>>)
      tpu.yield
    }) : () -> ()
    "tpu.region"() ({
      %run_scoped3A = tpu.sem_alloc : memref<!tpu.dma_semaphore, #tpu.memory_space<semaphore_mem>>
      %dma_start3A_120 = arith.constant 0 : i32
      %dma_start3A_121 = tpu.memref_slice %arg6[%arg0, %add3A_117, %dma_start3A_120] : memref<2x10240x128xf32, #tpu.memory_space<hbm>> -> memref<1x128x128xf32, #tpu.memory_space<hbm>>
      %dma_start3A_122 = tpu.memref_squeeze %dma_start3A_121 : memref<1x128x128xf32, #tpu.memory_space<hbm>> -> memref<128x128xf32, #tpu.memory_space<hbm>>
      %dma_start3A_123 = arith.constant 0 : i32
      %dma_start3A_124 = tpu.memref_slice %arg6[%arg0, %add3A_117, %dma_start3A_123] : memref<2x10240x128xf32, #tpu.memory_space<hbm>> -> memref<1x128x128xf32, #tpu.memory_space<hbm>>
      %dma_start3A_125 = tpu.memref_squeeze %dma_start3A_124 : memref<1x128x128xf32, #tpu.memory_space<hbm>> -> memref<128x128xf32, #tpu.memory_space<hbm>>
      tpu.enqueue_dma source(%arg11 : memref<128x128xf32, #tpu.memory_space<vmem>>) target(%dma_start3A_125 : memref<128x128xf32, #tpu.memory_space<hbm>>) target_semaphore(%run_scoped3A : memref<!tpu.dma_semaphore, #tpu.memory_space<semaphore_mem>>)
      %dma_wait3A_126 = arith.constant 0 : i32
      %dma_wait3A_127 = tpu.memref_slice %arg6[%arg0, %add3A_117, %dma_wait3A_126] : memref<2x10240x128xf32, #tpu.memory_space<hbm>> -> memref<1x128x128xf32, #tpu.memory_space<hbm>>
      %dma_wait3A_128 = tpu.memref_squeeze %dma_wait3A_127 : memref<1x128x128xf32, #tpu.memory_space<hbm>> -> memref<128x128xf32, #tpu.memory_space<hbm>>
      %dma_wait3A_129 = arith.constant 0 : i32
      %dma_wait3A_130 = tpu.memref_slice %arg6[%arg0, %add3A_117, %dma_wait3A_129] : memref<2x10240x128xf32, #tpu.memory_space<hbm>> -> memref<1x128x128xf32, #tpu.memory_space<hbm>>
      %dma_wait3A_131 = tpu.memref_squeeze %dma_wait3A_130 : memref<1x128x128xf32, #tpu.memory_space<hbm>> -> memref<128x128xf32, #tpu.memory_space<hbm>>
      tpu.wait_dma2 semaphore(%run_scoped3A : memref<!tpu.dma_semaphore, #tpu.memory_space<semaphore_mem>>) src(%arg11 : memref<128x128xf32, #tpu.memory_space<vmem>>) dst(%dma_wait3A_131 : memref<128x128xf32, #tpu.memory_space<hbm>>)
      tpu.yield
    }) : () -> ()
    %add3A_118 = arith.constant 512 : i32
    %add3A_119 = arith.addi %mul3A_2, %add3A_118 : i32
    "tpu.region"() ({
      %run_scoped3A = tpu.sem_alloc : memref<!tpu.dma_semaphore, #tpu.memory_space<semaphore_mem>>
      %dma_start3A_120 = arith.constant 0 : i32
      %dma_start3A_121 = tpu.memref_slice %arg17[%add3A_119, %dma_start3A_120] : memref<10240x128xf32, #tpu.memory_space<vmem_shared>> -> memref<128x128xf32, #tpu.memory_space<vmem_shared>>
      %dma_start3A_122 = arith.constant 0 : i32
      %dma_start3A_123 = tpu.memref_slice %arg17[%add3A_119, %dma_start3A_122] : memref<10240x128xf32, #tpu.memory_space<vmem_shared>> -> memref<128x128xf32, #tpu.memory_space<vmem_shared>>
      tpu.enqueue_dma source(%dma_start3A_123 : memref<128x128xf32, #tpu.memory_space<vmem_shared>>) target(%arg11 : memref<128x128xf32, #tpu.memory_space<vmem>>) target_semaphore(%run_scoped3A : memref<!tpu.dma_semaphore, #tpu.memory_space<semaphore_mem>>)
      %dma_wait3A_124 = arith.constant 0 : i32
      %dma_wait3A_125 = tpu.memref_slice %arg17[%add3A_119, %dma_wait3A_124] : memref<10240x128xf32, #tpu.memory_space<vmem_shared>> -> memref<128x128xf32, #tpu.memory_space<vmem_shared>>
      %dma_wait3A_126 = arith.constant 0 : i32
      %dma_wait3A_127 = tpu.memref_slice %arg17[%add3A_119, %dma_wait3A_126] : memref<10240x128xf32, #tpu.memory_space<vmem_shared>> -> memref<128x128xf32, #tpu.memory_space<vmem_shared>>
      tpu.wait_dma2 semaphore(%run_scoped3A : memref<!tpu.dma_semaphore, #tpu.memory_space<semaphore_mem>>) src(%dma_wait3A_127 : memref<128x128xf32, #tpu.memory_space<vmem_shared>>) dst(%arg11 : memref<128x128xf32, #tpu.memory_space<vmem>>)
      tpu.yield
    }) : () -> ()
    "tpu.region"() ({
      %run_scoped3A = tpu.sem_alloc : memref<!tpu.dma_semaphore, #tpu.memory_space<semaphore_mem>>
      %dma_start3A_120 = arith.constant 0 : i32
      %dma_start3A_121 = tpu.memref_slice %arg6[%arg0, %add3A_119, %dma_start3A_120] : memref<2x10240x128xf32, #tpu.memory_space<hbm>> -> memref<1x128x128xf32, #tpu.memory_space<hbm>>
      %dma_start3A_122 = tpu.memref_squeeze %dma_start3A_121 : memref<1x128x128xf32, #tpu.memory_space<hbm>> -> memref<128x128xf32, #tpu.memory_space<hbm>>
      %dma_start3A_123 = arith.constant 0 : i32
      %dma_start3A_124 = tpu.memref_slice %arg6[%arg0, %add3A_119, %dma_start3A_123] : memref<2x10240x128xf32, #tpu.memory_space<hbm>> -> memref<1x128x128xf32, #tpu.memory_space<hbm>>
      %dma_start3A_125 = tpu.memref_squeeze %dma_start3A_124 : memref<1x128x128xf32, #tpu.memory_space<hbm>> -> memref<128x128xf32, #tpu.memory_space<hbm>>
      tpu.enqueue_dma source(%arg11 : memref<128x128xf32, #tpu.memory_space<vmem>>) target(%dma_start3A_125 : memref<128x128xf32, #tpu.memory_space<hbm>>) target_semaphore(%run_scoped3A : memref<!tpu.dma_semaphore, #tpu.memory_space<semaphore_mem>>)
      %dma_wait3A_126 = arith.constant 0 : i32
      %dma_wait3A_127 = tpu.memref_slice %arg6[%arg0, %add3A_119, %dma_wait3A_126] : memref<2x10240x128xf32, #tpu.memory_space<hbm>> -> memref<1x128x128xf32, #tpu.memory_space<hbm>>
      %dma_wait3A_128 = tpu.memref_squeeze %dma_wait3A_127 : memref<1x128x128xf32, #tpu.memory_space<hbm>> -> memref<128x128xf32, #tpu.memory_space<hbm>>
      %dma_wait3A_129 = arith.constant 0 : i32
      %dma_wait3A_130 = tpu.memref_slice %arg6[%arg0, %add3A_119, %dma_wait3A_129] : memref<2x10240x128xf32, #tpu.memory_space<hbm>> -> memref<1x128x128xf32, #tpu.memory_space<hbm>>
      %dma_wait3A_131 = tpu.memref_squeeze %dma_wait3A_130 : memref<1x128x128xf32, #tpu.memory_space<hbm>> -> memref<128x128xf32, #tpu.memory_space<hbm>>
      tpu.wait_dma2 semaphore(%run_scoped3A : memref<!tpu.dma_semaphore, #tpu.memory_space<semaphore_mem>>) src(%arg11 : memref<128x128xf32, #tpu.memory_space<vmem>>) dst(%dma_wait3A_131 : memref<128x128xf32, #tpu.memory_space<hbm>>)
      tpu.yield
    }) : () -> ()
    return
  }
}

module attributes {stable_mosaic.version = 14 : i64} {
  func.func @_tc1_body(%arg0: i32, %arg1: memref<2x1000x128xf32, #tpu.memory_space<vmem>>, %arg2: memref<2x1000x16xf32, #tpu.memory_space<vmem>>, %arg3: memref<1000x128xf32, #tpu.memory_space<vmem>>, %arg4: memref<4x128x128xf32, #tpu.memory_space<vmem>>, %arg5: memref<4x16x128xf32, #tpu.memory_space<vmem>>, %arg6: memref<128x128xf32, #tpu.memory_space<vmem>>, %arg7: memref<128x128xf32, #tpu.memory_space<vmem>>, %arg8: memref<1000x128xf32, #tpu.memory_space<vmem>>, %arg9: memref<8x128xf32, #tpu.memory_space<vmem>>) attributes {dimension_semantics = [#tpu.dimension_semantics<arbitrary>], iteration_bounds = array<i64: 10>, scalar_prefetch = 0 : i64, scratch_operands = 0 : i64, tpu.core_type = #tpu.core_type<tc>, window_params = [{transform_indices = @transform_0, window_bounds = array<i64: 2, 1000, 128>}, {transform_indices = @transform_1, window_bounds = array<i64: 2, 1000, 16>}, {transform_indices = @transform_2, window_bounds = array<i64: 1000, 128>}, {pipeline_mode = #tpu.pipeline_mode<synchronous>, transform_indices = @transform_3, window_bounds = array<i64: 4, 128, 128>}, {pipeline_mode = #tpu.pipeline_mode<synchronous>, transform_indices = @transform_4, window_bounds = array<i64: 4, 16, 128>}, {pipeline_mode = #tpu.pipeline_mode<synchronous>, transform_indices = @transform_5, window_bounds = array<i64: 128, 128>}, {pipeline_mode = #tpu.pipeline_mode<synchronous>, transform_indices = @transform_6, window_bounds = array<i64: 128, 128>}, {transform_indices = @transform_7, window_bounds = array<i64: 1000, 128>}, {pipeline_mode = #tpu.pipeline_mode<synchronous>, transform_indices = @transform_8, window_bounds = array<i64: 8, 128>}]} {
    %get3A = arith.constant 0 : index
    %get3A_0 = arith.constant 0 : index
    %get3A_1 = arith.constant 0 : index
    %get3A_2 = vector.load %arg1[%get3A, %get3A_0, %get3A_1] : memref<2x1000x128xf32, #tpu.memory_space<vmem>>, vector<2x1000x128xf32>
    %get3A_3 = arith.constant 0 : index
    %get3A_4 = arith.constant 0 : index
    %get3A_5 = arith.constant 0 : index
    %get3A_6 = vector.load %arg2[%get3A_3, %get3A_4, %get3A_5] : memref<2x1000x16xf32, #tpu.memory_space<vmem>>, vector<2x1000x16xf32>
    %get3A_7 = arith.constant 0 : index
    %get3A_8 = arith.constant 0 : index
    %get3A_9 = arith.constant 0 : index
    %get3A_10 = vector.load %arg4[%get3A_7, %get3A_8, %get3A_9] : memref<4x128x128xf32, #tpu.memory_space<vmem>>, vector<4x128x128xf32>
    %get3A_11 = arith.constant 0 : index
    %get3A_12 = arith.constant 0 : index
    %get3A_13 = arith.constant 0 : index
    %get3A_14 = vector.load %arg5[%get3A_11, %get3A_12, %get3A_13] : memref<4x16x128xf32, #tpu.memory_space<vmem>>, vector<4x16x128xf32>
    %slice3A = vector.extract_strided_slice %get3A_2 {offsets = [0, 0, 0], sizes = [1, 1000, 128], strides = [1, 1, 1]} : vector<2x1000x128xf32> to vector<1x1000x128xf32>
    %squeeze3A = vector.shape_cast %slice3A : vector<1x1000x128xf32> to vector<1000x128xf32>
    %slice3A_15 = vector.extract_strided_slice %get3A_2 {offsets = [1, 0, 0], sizes = [1, 1000, 128], strides = [1, 1, 1]} : vector<2x1000x128xf32> to vector<1x1000x128xf32>
    %squeeze3A_16 = vector.shape_cast %slice3A_15 : vector<1x1000x128xf32> to vector<1000x128xf32>
    %add3A = arith.addf %squeeze3A, %squeeze3A_16 : vector<1000x128xf32>
    %slice3A_17 = vector.extract_strided_slice %get3A_6 {offsets = [0, 0, 0], sizes = [1, 1000, 16], strides = [1, 1, 1]} : vector<2x1000x16xf32> to vector<1x1000x16xf32>
    %squeeze3A_18 = vector.shape_cast %slice3A_17 : vector<1x1000x16xf32> to vector<1000x16xf32>
    %slice3A_19 = vector.extract_strided_slice %get3A_6 {offsets = [1, 0, 0], sizes = [1, 1000, 16], strides = [1, 1, 1]} : vector<2x1000x16xf32> to vector<1x1000x16xf32>
    %squeeze3A_20 = vector.shape_cast %slice3A_19 : vector<1x1000x16xf32> to vector<1000x16xf32>
    %add3A_21 = arith.addf %squeeze3A_18, %squeeze3A_20 : vector<1000x16xf32>
    %slice3A_22 = vector.extract_strided_slice %add3A_21 {offsets = [0, 4], sizes = [1000, 1], strides = [1, 1]} : vector<1000x16xf32> to vector<1000x1xf32>
    %squeeze3A_23 = vector.shape_cast %slice3A_22 : vector<1000x1xf32> to vector<1000xf32>
    %convert_element_type3A = arith.fptosi %squeeze3A_23 : vector<1000xf32> to vector<1000xi32>
    %jit3A = arith.constant 1 : i32
    %jit3A_24 = arith.constant 4 : i32
    %max3A = vector.broadcast %jit3A : i32 to vector<1000xi32>
    %max3A_25 = arith.maxsi %max3A, %convert_element_type3A : vector<1000xi32>
    %min3A = vector.broadcast %jit3A_24 : i32 to vector<1000xi32>
    %min3A_26 = arith.minsi %min3A, %max3A_25 : vector<1000xi32>
    %sub3A = arith.constant 1 : i32
    %sub3A_27 = vector.broadcast %sub3A : i32 to vector<1000xi32>
    %sub3A_28 = arith.subi %min3A_26, %sub3A_27 : vector<1000xi32>
    %broadcast_in_dim3A = arith.constant 0.000000e+00 : f32
    %broadcast_in_dim3A_29 = vector.broadcast %broadcast_in_dim3A : f32 to vector<1000x128xf32>
    %slice3A_30 = vector.extract_strided_slice %get3A_10 {offsets = [0, 0, 0], sizes = [1, 128, 128], strides = [1, 1, 1]} : vector<4x128x128xf32> to vector<1x128x128xf32>
    %squeeze3A_31 = vector.shape_cast %slice3A_30 : vector<1x128x128xf32> to vector<128x128xf32>
    %dot_general3A = arith.constant dense<0.000000e+00> : vector<1000x128xf32>
    %dot_general3A_32 = tpu.matmul %add3A, %squeeze3A_31, %dot_general3A {dimension_numbers = #tpu.dot_dimension_numbers<[1], [0], [0], [1], [0, 0, 1, 1], [], []>, precision = #tpu.contract_precision<fp32>, transpose_lhs_hint = false} : vector<1000x128xf32>, vector<128x128xf32>, vector<1000x128xf32> -> vector<1000x128xf32>
    %slice3A_33 = vector.extract_strided_slice %get3A_14 {offsets = [0, 0, 0], sizes = [1, 16, 128], strides = [1, 1, 1]} : vector<4x16x128xf32> to vector<1x16x128xf32>
    %squeeze3A_34 = vector.shape_cast %slice3A_33 : vector<1x16x128xf32> to vector<16x128xf32>
    %dot_general3A_35 = arith.constant dense<0.000000e+00> : vector<1000x128xf32>
    %dot_general3A_36 = tpu.matmul %add3A_21, %squeeze3A_34, %dot_general3A_35 {dimension_numbers = #tpu.dot_dimension_numbers<[1], [0], [0], [1], [0, 0, 1, 1], [], []>, precision = #tpu.contract_precision<fp32>, transpose_lhs_hint = false} : vector<1000x16xf32>, vector<16x128xf32>, vector<1000x128xf32> -> vector<1000x128xf32>
    %add3A_37 = arith.addf %dot_general3A_32, %dot_general3A_36 : vector<1000x128xf32>
    %eq3A = arith.constant 0 : i32
    %eq3A_38 = vector.broadcast %eq3A : i32 to vector<1000xi32>
    %eq3A_39 = arith.cmpi eq, %sub3A_28, %eq3A_38 : vector<1000xi32>
    %broadcast_in_dim3A_40 = vector.shape_cast %eq3A_39 : vector<1000xi1> to vector<1000x1xi1>
    %broadcast_in_dim3A_41 = vector.shape_cast %broadcast_in_dim3A_40 : vector<1000x1xi1> to vector<1000x1xi1>
    %broadcast_in_dim3A_42 = vector.broadcast %broadcast_in_dim3A_41 : vector<1000x1xi1> to vector<1000x128xi1>
    %select_n3A = arith.select %broadcast_in_dim3A_42, %add3A_37, %broadcast_in_dim3A_29 : vector<1000x128xi1>, vector<1000x128xf32>
    %slice3A_43 = vector.extract_strided_slice %get3A_10 {offsets = [1, 0, 0], sizes = [1, 128, 128], strides = [1, 1, 1]} : vector<4x128x128xf32> to vector<1x128x128xf32>
    %squeeze3A_44 = vector.shape_cast %slice3A_43 : vector<1x128x128xf32> to vector<128x128xf32>
    %dot_general3A_45 = arith.constant dense<0.000000e+00> : vector<1000x128xf32>
    %dot_general3A_46 = tpu.matmul %add3A, %squeeze3A_44, %dot_general3A_45 {dimension_numbers = #tpu.dot_dimension_numbers<[1], [0], [0], [1], [0, 0, 1, 1], [], []>, precision = #tpu.contract_precision<fp32>, transpose_lhs_hint = false} : vector<1000x128xf32>, vector<128x128xf32>, vector<1000x128xf32> -> vector<1000x128xf32>
    %slice3A_47 = vector.extract_strided_slice %get3A_14 {offsets = [1, 0, 0], sizes = [1, 16, 128], strides = [1, 1, 1]} : vector<4x16x128xf32> to vector<1x16x128xf32>
    %squeeze3A_48 = vector.shape_cast %slice3A_47 : vector<1x16x128xf32> to vector<16x128xf32>
    %dot_general3A_49 = arith.constant dense<0.000000e+00> : vector<1000x128xf32>
    %dot_general3A_50 = tpu.matmul %add3A_21, %squeeze3A_48, %dot_general3A_49 {dimension_numbers = #tpu.dot_dimension_numbers<[1], [0], [0], [1], [0, 0, 1, 1], [], []>, precision = #tpu.contract_precision<fp32>, transpose_lhs_hint = false} : vector<1000x16xf32>, vector<16x128xf32>, vector<1000x128xf32> -> vector<1000x128xf32>
    %add3A_51 = arith.addf %dot_general3A_46, %dot_general3A_50 : vector<1000x128xf32>
    %eq3A_52 = arith.constant 1 : i32
    %eq3A_53 = vector.broadcast %eq3A_52 : i32 to vector<1000xi32>
    %eq3A_54 = arith.cmpi eq, %sub3A_28, %eq3A_53 : vector<1000xi32>
    %broadcast_in_dim3A_55 = vector.shape_cast %eq3A_54 : vector<1000xi1> to vector<1000x1xi1>
    %broadcast_in_dim3A_56 = vector.shape_cast %broadcast_in_dim3A_55 : vector<1000x1xi1> to vector<1000x1xi1>
    %broadcast_in_dim3A_57 = vector.broadcast %broadcast_in_dim3A_56 : vector<1000x1xi1> to vector<1000x128xi1>
    %select_n3A_58 = arith.select %broadcast_in_dim3A_57, %add3A_51, %select_n3A : vector<1000x128xi1>, vector<1000x128xf32>
    %slice3A_59 = vector.extract_strided_slice %get3A_10 {offsets = [2, 0, 0], sizes = [1, 128, 128], strides = [1, 1, 1]} : vector<4x128x128xf32> to vector<1x128x128xf32>
    %squeeze3A_60 = vector.shape_cast %slice3A_59 : vector<1x128x128xf32> to vector<128x128xf32>
    %dot_general3A_61 = arith.constant dense<0.000000e+00> : vector<1000x128xf32>
    %dot_general3A_62 = tpu.matmul %add3A, %squeeze3A_60, %dot_general3A_61 {dimension_numbers = #tpu.dot_dimension_numbers<[1], [0], [0], [1], [0, 0, 1, 1], [], []>, precision = #tpu.contract_precision<fp32>, transpose_lhs_hint = false} : vector<1000x128xf32>, vector<128x128xf32>, vector<1000x128xf32> -> vector<1000x128xf32>
    %slice3A_63 = vector.extract_strided_slice %get3A_14 {offsets = [2, 0, 0], sizes = [1, 16, 128], strides = [1, 1, 1]} : vector<4x16x128xf32> to vector<1x16x128xf32>
    %squeeze3A_64 = vector.shape_cast %slice3A_63 : vector<1x16x128xf32> to vector<16x128xf32>
    %dot_general3A_65 = arith.constant dense<0.000000e+00> : vector<1000x128xf32>
    %dot_general3A_66 = tpu.matmul %add3A_21, %squeeze3A_64, %dot_general3A_65 {dimension_numbers = #tpu.dot_dimension_numbers<[1], [0], [0], [1], [0, 0, 1, 1], [], []>, precision = #tpu.contract_precision<fp32>, transpose_lhs_hint = false} : vector<1000x16xf32>, vector<16x128xf32>, vector<1000x128xf32> -> vector<1000x128xf32>
    %add3A_67 = arith.addf %dot_general3A_62, %dot_general3A_66 : vector<1000x128xf32>
    %eq3A_68 = arith.constant 2 : i32
    %eq3A_69 = vector.broadcast %eq3A_68 : i32 to vector<1000xi32>
    %eq3A_70 = arith.cmpi eq, %sub3A_28, %eq3A_69 : vector<1000xi32>
    %broadcast_in_dim3A_71 = vector.shape_cast %eq3A_70 : vector<1000xi1> to vector<1000x1xi1>
    %broadcast_in_dim3A_72 = vector.shape_cast %broadcast_in_dim3A_71 : vector<1000x1xi1> to vector<1000x1xi1>
    %broadcast_in_dim3A_73 = vector.broadcast %broadcast_in_dim3A_72 : vector<1000x1xi1> to vector<1000x128xi1>
    %select_n3A_74 = arith.select %broadcast_in_dim3A_73, %add3A_67, %select_n3A_58 : vector<1000x128xi1>, vector<1000x128xf32>
    %slice3A_75 = vector.extract_strided_slice %get3A_10 {offsets = [3, 0, 0], sizes = [1, 128, 128], strides = [1, 1, 1]} : vector<4x128x128xf32> to vector<1x128x128xf32>
    %squeeze3A_76 = vector.shape_cast %slice3A_75 : vector<1x128x128xf32> to vector<128x128xf32>
    %dot_general3A_77 = arith.constant dense<0.000000e+00> : vector<1000x128xf32>
    %dot_general3A_78 = tpu.matmul %add3A, %squeeze3A_76, %dot_general3A_77 {dimension_numbers = #tpu.dot_dimension_numbers<[1], [0], [0], [1], [0, 0, 1, 1], [], []>, precision = #tpu.contract_precision<fp32>, transpose_lhs_hint = false} : vector<1000x128xf32>, vector<128x128xf32>, vector<1000x128xf32> -> vector<1000x128xf32>
    %slice3A_79 = vector.extract_strided_slice %get3A_14 {offsets = [3, 0, 0], sizes = [1, 16, 128], strides = [1, 1, 1]} : vector<4x16x128xf32> to vector<1x16x128xf32>
    %squeeze3A_80 = vector.shape_cast %slice3A_79 : vector<1x16x128xf32> to vector<16x128xf32>
    %dot_general3A_81 = arith.constant dense<0.000000e+00> : vector<1000x128xf32>
    %dot_general3A_82 = tpu.matmul %add3A_21, %squeeze3A_80, %dot_general3A_81 {dimension_numbers = #tpu.dot_dimension_numbers<[1], [0], [0], [1], [0, 0, 1, 1], [], []>, precision = #tpu.contract_precision<fp32>, transpose_lhs_hint = false} : vector<1000x16xf32>, vector<16x128xf32>, vector<1000x128xf32> -> vector<1000x128xf32>
    %add3A_83 = arith.addf %dot_general3A_78, %dot_general3A_82 : vector<1000x128xf32>
    %eq3A_84 = arith.constant 3 : i32
    %eq3A_85 = vector.broadcast %eq3A_84 : i32 to vector<1000xi32>
    %eq3A_86 = arith.cmpi eq, %sub3A_28, %eq3A_85 : vector<1000xi32>
    %broadcast_in_dim3A_87 = vector.shape_cast %eq3A_86 : vector<1000xi1> to vector<1000x1xi1>
    %broadcast_in_dim3A_88 = vector.shape_cast %broadcast_in_dim3A_87 : vector<1000x1xi1> to vector<1000x1xi1>
    %broadcast_in_dim3A_89 = vector.broadcast %broadcast_in_dim3A_88 : vector<1000x1xi1> to vector<1000x128xi1>
    %select_n3A_90 = arith.select %broadcast_in_dim3A_89, %add3A_83, %select_n3A_74 : vector<1000x128xi1>, vector<1000x128xf32>
    %logistic3A = arith.negf %select_n3A_90 : vector<1000x128xf32>
    %logistic3A_91 = math.exp %logistic3A : vector<1000x128xf32>
    %logistic3A_92 = arith.constant 1.000000e+00 : f32
    %logistic3A_93 = vector.broadcast %logistic3A_92 : f32 to vector<1000x128xf32>
    %logistic3A_94 = arith.addf %logistic3A_93, %logistic3A_91 : vector<1000x128xf32>
    %logistic3A_95 = arith.divf %logistic3A_93, %logistic3A_94 : vector<1000x128xf32>
    %swap3A = arith.constant 0 : index
    %swap3A_96 = arith.constant 0 : index
    %swap3A_97 = vector.load %arg8[%swap3A, %swap3A_96] : memref<1000x128xf32, #tpu.memory_space<vmem>>, vector<1000x128xf32>
    tpu.vector_store %arg8[%swap3A, %swap3A_96], %logistic3A_95 {strides = array<i32>} : memref<1000x128xf32, #tpu.memory_space<vmem>>, vector<1000x128xf32>,
    %get3A_98 = arith.constant 0 : index
    %get3A_99 = arith.constant 0 : index
    %get3A_100 = vector.load %arg3[%get3A_98, %get3A_99] : memref<1000x128xf32, #tpu.memory_space<vmem>>, vector<1000x128xf32>
    %get3A_101 = arith.constant 0 : index
    %get3A_102 = arith.constant 0 : index
    %get3A_103 = vector.load %arg6[%get3A_101, %get3A_102] : memref<128x128xf32, #tpu.memory_space<vmem>>, vector<128x128xf32>
    %dot_general3A_104 = arith.constant dense<0.000000e+00> : vector<1000x128xf32>
    %dot_general3A_105 = tpu.matmul %get3A_100, %get3A_103, %dot_general3A_104 {dimension_numbers = #tpu.dot_dimension_numbers<[1], [0], [0], [1], [0, 0, 1, 1], [], []>, precision = #tpu.contract_precision<fp32>, transpose_lhs_hint = false} : vector<1000x128xf32>, vector<128x128xf32>, vector<1000x128xf32> -> vector<1000x128xf32>
    %reduce_max3A = arith.constant dense<0xFF800000> : vector<1000xf32>
    %reduce_max3A_106 = vector.multi_reduction <maximumf>, %dot_general3A_105, %reduce_max3A [1] : vector<1000x128xf32> to vector<1000xf32>
    %max3A_107 = arith.constant 0xFF800000 : f32
    %max3A_108 = vector.broadcast %max3A_107 : f32 to vector<1000xf32>
    %max3A_109 = arith.maximumf %max3A_108, %reduce_max3A_106 : vector<1000xf32>
    %broadcast_in_dim3A_110 = vector.shape_cast %max3A_109 : vector<1000xf32> to vector<1000x1xf32>
    %sub3A_111 = vector.broadcast %broadcast_in_dim3A_110 : vector<1000x1xf32> to vector<1000x128xf32>
    %sub3A_112 = arith.subf %dot_general3A_105, %sub3A_111 : vector<1000x128xf32>
    %exp3A = math.exp %sub3A_112 : vector<1000x128xf32>
    %reduce_sum3A = arith.constant dense<0.000000e+00> : vector<1000xf32>
    %reduce_sum3A_113 = vector.multi_reduction <add>, %exp3A, %reduce_sum3A [1] : vector<1000x128xf32> to vector<1000xf32>
    %broadcast_in_dim3A_114 = vector.shape_cast %reduce_sum3A_113 : vector<1000xf32> to vector<1000x1xf32>
    %div3A = vector.broadcast %broadcast_in_dim3A_114 : vector<1000x1xf32> to vector<1000x128xf32>
    %div3A_115 = arith.divf %exp3A, %div3A : vector<1000x128xf32>
    %reduce_sum3A_116 = arith.constant dense<0.000000e+00> : vector<128xf32>
    %reduce_sum3A_117 = vector.multi_reduction <add>, %div3A_115, %reduce_sum3A_116 [0] : vector<1000x128xf32> to vector<128xf32>
    %get3A_118 = arith.constant 0 : index
    %get3A_119 = arith.constant 0 : index
    %get3A_120 = vector.load %arg7[%get3A_118, %get3A_119] : memref<128x128xf32, #tpu.memory_space<vmem>>, vector<128x128xf32>
    %dot_general3A_121 = arith.constant dense<0.000000e+00> : vector<1000x128xf32>
    %dot_general3A_122 = tpu.matmul %logistic3A_95, %get3A_120, %dot_general3A_121 {dimension_numbers = #tpu.dot_dimension_numbers<[1], [0], [0], [1], [0, 0, 1, 1], [], []>, precision = #tpu.contract_precision<fp32>, transpose_lhs_hint = false} : vector<1000x128xf32>, vector<128x128xf32>, vector<1000x128xf32> -> vector<1000x128xf32>
    %reduce_max3A_123 = arith.constant dense<0xFF800000> : vector<1000xf32>
    %reduce_max3A_124 = vector.multi_reduction <maximumf>, %dot_general3A_122, %reduce_max3A_123 [1] : vector<1000x128xf32> to vector<1000xf32>
    %max3A_125 = arith.constant 0xFF800000 : f32
    %max3A_126 = vector.broadcast %max3A_125 : f32 to vector<1000xf32>
    %max3A_127 = arith.maximumf %max3A_126, %reduce_max3A_124 : vector<1000xf32>
    %broadcast_in_dim3A_128 = vector.shape_cast %max3A_127 : vector<1000xf32> to vector<1000x1xf32>
    %sub3A_129 = vector.broadcast %broadcast_in_dim3A_128 : vector<1000x1xf32> to vector<1000x128xf32>
    %sub3A_130 = arith.subf %dot_general3A_122, %sub3A_129 : vector<1000x128xf32>
    %exp3A_131 = math.exp %sub3A_130 : vector<1000x128xf32>
    %reduce_sum3A_132 = arith.constant dense<0.000000e+00> : vector<1000xf32>
    %reduce_sum3A_133 = vector.multi_reduction <add>, %exp3A_131, %reduce_sum3A_132 [1] : vector<1000x128xf32> to vector<1000xf32>
    %broadcast_in_dim3A_134 = vector.shape_cast %reduce_sum3A_133 : vector<1000xf32> to vector<1000x1xf32>
    %div3A_135 = vector.broadcast %broadcast_in_dim3A_134 : vector<1000x1xf32> to vector<1000x128xf32>
    %div3A_136 = arith.divf %exp3A_131, %div3A_135 : vector<1000x128xf32>
    %reduce_sum3A_137 = arith.constant dense<0.000000e+00> : vector<128xf32>
    %reduce_sum3A_138 = vector.multi_reduction <add>, %div3A_136, %reduce_sum3A_137 [0] : vector<1000x128xf32> to vector<128xf32>
    %add3A_139 = arith.addf %reduce_sum3A_117, %reduce_sum3A_138 : vector<128xf32>
    %eq3A_140 = arith.constant 0 : i32
    %eq3A_141 = arith.cmpi eq, %arg0, %eq3A_140 : i32
    %convert_element_type3A_142 = arith.extui %eq3A_141 : i1 to i32
    %cond3A = arith.constant 0 : i32
    %cond3A_143 = arith.cmpi ne, %convert_element_type3A_142, %cond3A : i32
    scf.if %cond3A_143 {
      %broadcast_in_dim3A_152 = arith.constant 0.000000e+00 : f32
      %broadcast_in_dim3A_153 = vector.broadcast %broadcast_in_dim3A_152 : f32 to vector<8x128xf32>
      %swap3A_154 = arith.constant 0 : index
      %swap3A_155 = arith.constant 0 : index
      %swap3A_156 = vector.load %arg9[%swap3A_154, %swap3A_155] : memref<8x128xf32, #tpu.memory_space<vmem>>, vector<8x128xf32>
      tpu.vector_store %arg9[%swap3A_154, %swap3A_155], %broadcast_in_dim3A_153 {strides = array<i32>} : memref<8x128xf32, #tpu.memory_space<vmem>>, vector<8x128xf32>,
    } else {
    }
    %get3A_144 = arith.constant 0 : index
    %get3A_145 = arith.constant 0 : index
    %get3A_146 = vector.load %arg9[%get3A_144, %get3A_145] : memref<8x128xf32, #tpu.memory_space<vmem>>, vector<1x128xf32>
    %broadcast_in_dim3A_147 = vector.shape_cast %add3A_139 : vector<128xf32> to vector<1x128xf32>
    %add3A_148 = arith.addf %get3A_146, %broadcast_in_dim3A_147 : vector<1x128xf32>
    %swap3A_149 = arith.constant 0 : index
    %swap3A_150 = arith.constant 0 : index
    %swap3A_151 = vector.load %arg9[%swap3A_149, %swap3A_150] : memref<8x128xf32, #tpu.memory_space<vmem>>, vector<1x128xf32>
    tpu.vector_store %arg9[%swap3A_149, %swap3A_150], %add3A_148 {strides = array<i32>} : memref<8x128xf32, #tpu.memory_space<vmem>>, vector<1x128xf32>,
    return
  }
  func.func @transform_0(%arg0: i32) -> (i32, i32, i32) {
    %c0_i32 = arith.constant 0 : i32
    %c0_i32_0 = arith.constant 0 : i32
    %c0_i32_1 = arith.constant 0 : i32
    return %c0_i32, %arg0, %c0_i32_0 : i32, i32, i32
  }
  func.func @transform_1(%arg0: i32) -> (i32, i32, i32) {
    %c0_i32 = arith.constant 0 : i32
    %c0_i32_0 = arith.constant 0 : i32
    %c0_i32_1 = arith.constant 0 : i32
    return %c0_i32, %arg0, %c0_i32_0 : i32, i32, i32
  }
  func.func @transform_2(%arg0: i32) -> (i32, i32) {
    %c0_i32 = arith.constant 0 : i32
    %c0_i32_0 = arith.constant 0 : i32
    return %arg0, %c0_i32 : i32, i32
  }
  func.func @transform_3(%arg0: i32) -> (i32, i32, i32) {
    %c0_i32 = arith.constant 0 : i32
    %c0_i32_0 = arith.constant 0 : i32
    %c0_i32_1 = arith.constant 0 : i32
    %c0_i32_2 = arith.constant 0 : i32
    return %c0_i32, %c0_i32_0, %c0_i32_1 : i32, i32, i32
  }
  func.func @transform_4(%arg0: i32) -> (i32, i32, i32) {
    %c0_i32 = arith.constant 0 : i32
    %c0_i32_0 = arith.constant 0 : i32
    %c0_i32_1 = arith.constant 0 : i32
    %c0_i32_2 = arith.constant 0 : i32
    return %c0_i32, %c0_i32_0, %c0_i32_1 : i32, i32, i32
  }
  func.func @transform_5(%arg0: i32) -> (i32, i32) {
    %c0_i32 = arith.constant 0 : i32
    %c0_i32_0 = arith.constant 0 : i32
    %c0_i32_1 = arith.constant 0 : i32
    return %c0_i32, %c0_i32_0 : i32, i32
  }
  func.func @transform_6(%arg0: i32) -> (i32, i32) {
    %c0_i32 = arith.constant 0 : i32
    %c0_i32_0 = arith.constant 0 : i32
    %c0_i32_1 = arith.constant 0 : i32
    return %c0_i32, %c0_i32_0 : i32, i32
  }
  func.func @transform_7(%arg0: i32) -> (i32, i32) {
    %c0_i32 = arith.constant 0 : i32
    %c0_i32_0 = arith.constant 0 : i32
    return %arg0, %c0_i32 : i32, i32
  }
  func.func @transform_8(%arg0: i32) -> (i32, i32) {
    %c0_i32 = arith.constant 0 : i32
    %c0_i32_0 = arith.constant 0 : i32
    %c0_i32_1 = arith.constant 0 : i32
    return %c0_i32, %c0_i32_0 : i32, i32
  }
}

module attributes {stable_mosaic.version = 14 : i64} {
  func.func @_tc2_body(%arg0: i32, %arg1: memref<2x1000x128xf32, #tpu.memory_space<vmem>>, %arg2: memref<2x1000x16xf32, #tpu.memory_space<vmem>>, %arg3: memref<4x128x128xf32, #tpu.memory_space<vmem>>, %arg4: memref<4x16x128xf32, #tpu.memory_space<vmem>>, %arg5: memref<128x128xf32, #tpu.memory_space<vmem>>, %arg6: memref<8x128xf32, #tpu.memory_space<vmem>>, %arg7: memref<128x1xf32, #tpu.memory_space<vmem>>, %arg8: memref<1x1xf32, #tpu.memory_space<vmem>>, %arg9: memref<1x1xf32, #tpu.memory_space<vmem>>, %arg10: memref<1x128xf32, #tpu.memory_space<vmem>>) attributes {dimension_semantics = [#tpu.dimension_semantics<arbitrary>], iteration_bounds = array<i64: 10>, scalar_prefetch = 0 : i64, scratch_operands = 1 : i64, tpu.core_type = #tpu.core_type<tc>, window_params = [{transform_indices = @transform_0, window_bounds = array<i64: 2, 1000, 128>}, {transform_indices = @transform_1, window_bounds = array<i64: 2, 1000, 16>}, {pipeline_mode = #tpu.pipeline_mode<synchronous>, transform_indices = @transform_2, window_bounds = array<i64: 4, 128, 128>}, {pipeline_mode = #tpu.pipeline_mode<synchronous>, transform_indices = @transform_3, window_bounds = array<i64: 4, 16, 128>}, {pipeline_mode = #tpu.pipeline_mode<synchronous>, transform_indices = @transform_4, window_bounds = array<i64: 128, 128>}, {pipeline_mode = #tpu.pipeline_mode<synchronous>, transform_indices = @transform_5, window_bounds = array<i64: 8, 128>}, {pipeline_mode = #tpu.pipeline_mode<synchronous>, transform_indices = @transform_6, window_bounds = array<i64: 128, 1>}, {pipeline_mode = #tpu.pipeline_mode<synchronous>, transform_indices = @transform_7, window_bounds = array<i64: 1, 1>}, {pipeline_mode = #tpu.pipeline_mode<synchronous>, transform_indices = @transform_8, window_bounds = array<i64: 1, 1>}]} {
    %get3A = arith.constant 0 : index
    %get3A_0 = arith.constant 0 : index
    %get3A_1 = arith.constant 0 : index
    %get3A_2 = vector.load %arg1[%get3A, %get3A_0, %get3A_1] : memref<2x1000x128xf32, #tpu.memory_space<vmem>>, vector<2x1000x128xf32>
    %get3A_3 = arith.constant 0 : index
    %get3A_4 = arith.constant 0 : index
    %get3A_5 = arith.constant 0 : index
    %get3A_6 = vector.load %arg2[%get3A_3, %get3A_4, %get3A_5] : memref<2x1000x16xf32, #tpu.memory_space<vmem>>, vector<2x1000x16xf32>
    %get3A_7 = arith.constant 0 : index
    %get3A_8 = arith.constant 0 : index
    %get3A_9 = arith.constant 0 : index
    %get3A_10 = vector.load %arg3[%get3A_7, %get3A_8, %get3A_9] : memref<4x128x128xf32, #tpu.memory_space<vmem>>, vector<4x128x128xf32>
    %get3A_11 = arith.constant 0 : index
    %get3A_12 = arith.constant 0 : index
    %get3A_13 = arith.constant 0 : index
    %get3A_14 = vector.load %arg4[%get3A_11, %get3A_12, %get3A_13] : memref<4x16x128xf32, #tpu.memory_space<vmem>>, vector<4x16x128xf32>
    %slice3A = vector.extract_strided_slice %get3A_2 {offsets = [0, 0, 0], sizes = [1, 1000, 128], strides = [1, 1, 1]} : vector<2x1000x128xf32> to vector<1x1000x128xf32>
    %squeeze3A = vector.shape_cast %slice3A : vector<1x1000x128xf32> to vector<1000x128xf32>
    %slice3A_15 = vector.extract_strided_slice %get3A_2 {offsets = [1, 0, 0], sizes = [1, 1000, 128], strides = [1, 1, 1]} : vector<2x1000x128xf32> to vector<1x1000x128xf32>
    %squeeze3A_16 = vector.shape_cast %slice3A_15 : vector<1x1000x128xf32> to vector<1000x128xf32>
    %add3A = arith.addf %squeeze3A, %squeeze3A_16 : vector<1000x128xf32>
    %slice3A_17 = vector.extract_strided_slice %get3A_6 {offsets = [0, 0, 0], sizes = [1, 1000, 16], strides = [1, 1, 1]} : vector<2x1000x16xf32> to vector<1x1000x16xf32>
    %squeeze3A_18 = vector.shape_cast %slice3A_17 : vector<1x1000x16xf32> to vector<1000x16xf32>
    %slice3A_19 = vector.extract_strided_slice %get3A_6 {offsets = [1, 0, 0], sizes = [1, 1000, 16], strides = [1, 1, 1]} : vector<2x1000x16xf32> to vector<1x1000x16xf32>
    %squeeze3A_20 = vector.shape_cast %slice3A_19 : vector<1x1000x16xf32> to vector<1000x16xf32>
    %add3A_21 = arith.addf %squeeze3A_18, %squeeze3A_20 : vector<1000x16xf32>
    %slice3A_22 = vector.extract_strided_slice %add3A_21 {offsets = [0, 4], sizes = [1000, 1], strides = [1, 1]} : vector<1000x16xf32> to vector<1000x1xf32>
    %squeeze3A_23 = vector.shape_cast %slice3A_22 : vector<1000x1xf32> to vector<1000xf32>
    %convert_element_type3A = arith.fptosi %squeeze3A_23 : vector<1000xf32> to vector<1000xi32>
    %jit3A = arith.constant 1 : i32
    %jit3A_24 = arith.constant 4 : i32
    %max3A = vector.broadcast %jit3A : i32 to vector<1000xi32>
    %max3A_25 = arith.maxsi %max3A, %convert_element_type3A : vector<1000xi32>
    %min3A = vector.broadcast %jit3A_24 : i32 to vector<1000xi32>
    %min3A_26 = arith.minsi %min3A, %max3A_25 : vector<1000xi32>
    %sub3A = arith.constant 1 : i32
    %sub3A_27 = vector.broadcast %sub3A : i32 to vector<1000xi32>
    %sub3A_28 = arith.subi %min3A_26, %sub3A_27 : vector<1000xi32>
    %broadcast_in_dim3A = arith.constant 0.000000e+00 : f32
    %broadcast_in_dim3A_29 = vector.broadcast %broadcast_in_dim3A : f32 to vector<1000x128xf32>
    %slice3A_30 = vector.extract_strided_slice %get3A_10 {offsets = [0, 0, 0], sizes = [1, 128, 128], strides = [1, 1, 1]} : vector<4x128x128xf32> to vector<1x128x128xf32>
    %squeeze3A_31 = vector.shape_cast %slice3A_30 : vector<1x128x128xf32> to vector<128x128xf32>
    %dot_general3A = arith.constant dense<0.000000e+00> : vector<1000x128xf32>
    %dot_general3A_32 = tpu.matmul %add3A, %squeeze3A_31, %dot_general3A {dimension_numbers = #tpu.dot_dimension_numbers<[1], [0], [0], [1], [0, 0, 1, 1], [], []>, precision = #tpu.contract_precision<fp32>, transpose_lhs_hint = false} : vector<1000x128xf32>, vector<128x128xf32>, vector<1000x128xf32> -> vector<1000x128xf32>
    %slice3A_33 = vector.extract_strided_slice %get3A_14 {offsets = [0, 0, 0], sizes = [1, 16, 128], strides = [1, 1, 1]} : vector<4x16x128xf32> to vector<1x16x128xf32>
    %squeeze3A_34 = vector.shape_cast %slice3A_33 : vector<1x16x128xf32> to vector<16x128xf32>
    %dot_general3A_35 = arith.constant dense<0.000000e+00> : vector<1000x128xf32>
    %dot_general3A_36 = tpu.matmul %add3A_21, %squeeze3A_34, %dot_general3A_35 {dimension_numbers = #tpu.dot_dimension_numbers<[1], [0], [0], [1], [0, 0, 1, 1], [], []>, precision = #tpu.contract_precision<fp32>, transpose_lhs_hint = false} : vector<1000x16xf32>, vector<16x128xf32>, vector<1000x128xf32> -> vector<1000x128xf32>
    %add3A_37 = arith.addf %dot_general3A_32, %dot_general3A_36 : vector<1000x128xf32>
    %eq3A = arith.constant 0 : i32
    %eq3A_38 = vector.broadcast %eq3A : i32 to vector<1000xi32>
    %eq3A_39 = arith.cmpi eq, %sub3A_28, %eq3A_38 : vector<1000xi32>
    %broadcast_in_dim3A_40 = vector.shape_cast %eq3A_39 : vector<1000xi1> to vector<1000x1xi1>
    %broadcast_in_dim3A_41 = vector.shape_cast %broadcast_in_dim3A_40 : vector<1000x1xi1> to vector<1000x1xi1>
    %broadcast_in_dim3A_42 = vector.broadcast %broadcast_in_dim3A_41 : vector<1000x1xi1> to vector<1000x128xi1>
    %select_n3A = arith.select %broadcast_in_dim3A_42, %add3A_37, %broadcast_in_dim3A_29 : vector<1000x128xi1>, vector<1000x128xf32>
    %slice3A_43 = vector.extract_strided_slice %get3A_10 {offsets = [1, 0, 0], sizes = [1, 128, 128], strides = [1, 1, 1]} : vector<4x128x128xf32> to vector<1x128x128xf32>
    %squeeze3A_44 = vector.shape_cast %slice3A_43 : vector<1x128x128xf32> to vector<128x128xf32>
    %dot_general3A_45 = arith.constant dense<0.000000e+00> : vector<1000x128xf32>
    %dot_general3A_46 = tpu.matmul %add3A, %squeeze3A_44, %dot_general3A_45 {dimension_numbers = #tpu.dot_dimension_numbers<[1], [0], [0], [1], [0, 0, 1, 1], [], []>, precision = #tpu.contract_precision<fp32>, transpose_lhs_hint = false} : vector<1000x128xf32>, vector<128x128xf32>, vector<1000x128xf32> -> vector<1000x128xf32>
    %slice3A_47 = vector.extract_strided_slice %get3A_14 {offsets = [1, 0, 0], sizes = [1, 16, 128], strides = [1, 1, 1]} : vector<4x16x128xf32> to vector<1x16x128xf32>
    %squeeze3A_48 = vector.shape_cast %slice3A_47 : vector<1x16x128xf32> to vector<16x128xf32>
    %dot_general3A_49 = arith.constant dense<0.000000e+00> : vector<1000x128xf32>
    %dot_general3A_50 = tpu.matmul %add3A_21, %squeeze3A_48, %dot_general3A_49 {dimension_numbers = #tpu.dot_dimension_numbers<[1], [0], [0], [1], [0, 0, 1, 1], [], []>, precision = #tpu.contract_precision<fp32>, transpose_lhs_hint = false} : vector<1000x16xf32>, vector<16x128xf32>, vector<1000x128xf32> -> vector<1000x128xf32>
    %add3A_51 = arith.addf %dot_general3A_46, %dot_general3A_50 : vector<1000x128xf32>
    %eq3A_52 = arith.constant 1 : i32
    %eq3A_53 = vector.broadcast %eq3A_52 : i32 to vector<1000xi32>
    %eq3A_54 = arith.cmpi eq, %sub3A_28, %eq3A_53 : vector<1000xi32>
    %broadcast_in_dim3A_55 = vector.shape_cast %eq3A_54 : vector<1000xi1> to vector<1000x1xi1>
    %broadcast_in_dim3A_56 = vector.shape_cast %broadcast_in_dim3A_55 : vector<1000x1xi1> to vector<1000x1xi1>
    %broadcast_in_dim3A_57 = vector.broadcast %broadcast_in_dim3A_56 : vector<1000x1xi1> to vector<1000x128xi1>
    %select_n3A_58 = arith.select %broadcast_in_dim3A_57, %add3A_51, %select_n3A : vector<1000x128xi1>, vector<1000x128xf32>
    %slice3A_59 = vector.extract_strided_slice %get3A_10 {offsets = [2, 0, 0], sizes = [1, 128, 128], strides = [1, 1, 1]} : vector<4x128x128xf32> to vector<1x128x128xf32>
    %squeeze3A_60 = vector.shape_cast %slice3A_59 : vector<1x128x128xf32> to vector<128x128xf32>
    %dot_general3A_61 = arith.constant dense<0.000000e+00> : vector<1000x128xf32>
    %dot_general3A_62 = tpu.matmul %add3A, %squeeze3A_60, %dot_general3A_61 {dimension_numbers = #tpu.dot_dimension_numbers<[1], [0], [0], [1], [0, 0, 1, 1], [], []>, precision = #tpu.contract_precision<fp32>, transpose_lhs_hint = false} : vector<1000x128xf32>, vector<128x128xf32>, vector<1000x128xf32> -> vector<1000x128xf32>
    %slice3A_63 = vector.extract_strided_slice %get3A_14 {offsets = [2, 0, 0], sizes = [1, 16, 128], strides = [1, 1, 1]} : vector<4x16x128xf32> to vector<1x16x128xf32>
    %squeeze3A_64 = vector.shape_cast %slice3A_63 : vector<1x16x128xf32> to vector<16x128xf32>
    %dot_general3A_65 = arith.constant dense<0.000000e+00> : vector<1000x128xf32>
    %dot_general3A_66 = tpu.matmul %add3A_21, %squeeze3A_64, %dot_general3A_65 {dimension_numbers = #tpu.dot_dimension_numbers<[1], [0], [0], [1], [0, 0, 1, 1], [], []>, precision = #tpu.contract_precision<fp32>, transpose_lhs_hint = false} : vector<1000x16xf32>, vector<16x128xf32>, vector<1000x128xf32> -> vector<1000x128xf32>
    %add3A_67 = arith.addf %dot_general3A_62, %dot_general3A_66 : vector<1000x128xf32>
    %eq3A_68 = arith.constant 2 : i32
    %eq3A_69 = vector.broadcast %eq3A_68 : i32 to vector<1000xi32>
    %eq3A_70 = arith.cmpi eq, %sub3A_28, %eq3A_69 : vector<1000xi32>
    %broadcast_in_dim3A_71 = vector.shape_cast %eq3A_70 : vector<1000xi1> to vector<1000x1xi1>
    %broadcast_in_dim3A_72 = vector.shape_cast %broadcast_in_dim3A_71 : vector<1000x1xi1> to vector<1000x1xi1>
    %broadcast_in_dim3A_73 = vector.broadcast %broadcast_in_dim3A_72 : vector<1000x1xi1> to vector<1000x128xi1>
    %select_n3A_74 = arith.select %broadcast_in_dim3A_73, %add3A_67, %select_n3A_58 : vector<1000x128xi1>, vector<1000x128xf32>
    %slice3A_75 = vector.extract_strided_slice %get3A_10 {offsets = [3, 0, 0], sizes = [1, 128, 128], strides = [1, 1, 1]} : vector<4x128x128xf32> to vector<1x128x128xf32>
    %squeeze3A_76 = vector.shape_cast %slice3A_75 : vector<1x128x128xf32> to vector<128x128xf32>
    %dot_general3A_77 = arith.constant dense<0.000000e+00> : vector<1000x128xf32>
    %dot_general3A_78 = tpu.matmul %add3A, %squeeze3A_76, %dot_general3A_77 {dimension_numbers = #tpu.dot_dimension_numbers<[1], [0], [0], [1], [0, 0, 1, 1], [], []>, precision = #tpu.contract_precision<fp32>, transpose_lhs_hint = false} : vector<1000x128xf32>, vector<128x128xf32>, vector<1000x128xf32> -> vector<1000x128xf32>
    %slice3A_79 = vector.extract_strided_slice %get3A_14 {offsets = [3, 0, 0], sizes = [1, 16, 128], strides = [1, 1, 1]} : vector<4x16x128xf32> to vector<1x16x128xf32>
    %squeeze3A_80 = vector.shape_cast %slice3A_79 : vector<1x16x128xf32> to vector<16x128xf32>
    %dot_general3A_81 = arith.constant dense<0.000000e+00> : vector<1000x128xf32>
    %dot_general3A_82 = tpu.matmul %add3A_21, %squeeze3A_80, %dot_general3A_81 {dimension_numbers = #tpu.dot_dimension_numbers<[1], [0], [0], [1], [0, 0, 1, 1], [], []>, precision = #tpu.contract_precision<fp32>, transpose_lhs_hint = false} : vector<1000x16xf32>, vector<16x128xf32>, vector<1000x128xf32> -> vector<1000x128xf32>
    %add3A_83 = arith.addf %dot_general3A_78, %dot_general3A_82 : vector<1000x128xf32>
    %eq3A_84 = arith.constant 3 : i32
    %eq3A_85 = vector.broadcast %eq3A_84 : i32 to vector<1000xi32>
    %eq3A_86 = arith.cmpi eq, %sub3A_28, %eq3A_85 : vector<1000xi32>
    %broadcast_in_dim3A_87 = vector.shape_cast %eq3A_86 : vector<1000xi1> to vector<1000x1xi1>
    %broadcast_in_dim3A_88 = vector.shape_cast %broadcast_in_dim3A_87 : vector<1000x1xi1> to vector<1000x1xi1>
    %broadcast_in_dim3A_89 = vector.broadcast %broadcast_in_dim3A_88 : vector<1000x1xi1> to vector<1000x128xi1>
    %select_n3A_90 = arith.select %broadcast_in_dim3A_89, %add3A_83, %select_n3A_74 : vector<1000x128xi1>, vector<1000x128xf32>
    %logistic3A = arith.negf %select_n3A_90 : vector<1000x128xf32>
    %logistic3A_91 = math.exp %logistic3A : vector<1000x128xf32>
    %logistic3A_92 = arith.constant 1.000000e+00 : f32
    %logistic3A_93 = vector.broadcast %logistic3A_92 : f32 to vector<1000x128xf32>
    %logistic3A_94 = arith.addf %logistic3A_93, %logistic3A_91 : vector<1000x128xf32>
    %logistic3A_95 = arith.divf %logistic3A_93, %logistic3A_94 : vector<1000x128xf32>
    %get3A_96 = arith.constant 0 : index
    %get3A_97 = arith.constant 0 : index
    %get3A_98 = vector.load %arg5[%get3A_96, %get3A_97] : memref<128x128xf32, #tpu.memory_space<vmem>>, vector<128x128xf32>
    %dot_general3A_99 = arith.constant dense<0.000000e+00> : vector<1000x128xf32>
    %dot_general3A_100 = tpu.matmul %logistic3A_95, %get3A_98, %dot_general3A_99 {dimension_numbers = #tpu.dot_dimension_numbers<[1], [0], [0], [1], [0, 0, 1, 1], [], []>, precision = #tpu.contract_precision<fp32>, transpose_lhs_hint = false} : vector<1000x128xf32>, vector<128x128xf32>, vector<1000x128xf32> -> vector<1000x128xf32>
    %reduce_max3A = arith.constant dense<0xFF800000> : vector<1000xf32>
    %reduce_max3A_101 = vector.multi_reduction <maximumf>, %dot_general3A_100, %reduce_max3A [1] : vector<1000x128xf32> to vector<1000xf32>
    %max3A_102 = arith.constant 0xFF800000 : f32
    %max3A_103 = vector.broadcast %max3A_102 : f32 to vector<1000xf32>
    %max3A_104 = arith.maximumf %max3A_103, %reduce_max3A_101 : vector<1000xf32>
    %broadcast_in_dim3A_105 = vector.shape_cast %max3A_104 : vector<1000xf32> to vector<1000x1xf32>
    %sub3A_106 = vector.broadcast %broadcast_in_dim3A_105 : vector<1000x1xf32> to vector<1000x128xf32>
    %sub3A_107 = arith.subf %dot_general3A_100, %sub3A_106 : vector<1000x128xf32>
    %exp3A = math.exp %sub3A_107 : vector<1000x128xf32>
    %reduce_sum3A = arith.constant dense<0.000000e+00> : vector<1000xf32>
    %reduce_sum3A_108 = vector.multi_reduction <add>, %exp3A, %reduce_sum3A [1] : vector<1000x128xf32> to vector<1000xf32>
    %broadcast_in_dim3A_109 = vector.shape_cast %reduce_sum3A_108 : vector<1000xf32> to vector<1000x1xf32>
    %div3A = vector.broadcast %broadcast_in_dim3A_109 : vector<1000x1xf32> to vector<1000x128xf32>
    %div3A_110 = arith.divf %exp3A, %div3A : vector<1000x128xf32>
    %reduce_sum3A_111 = arith.constant dense<0.000000e+00> : vector<128xf32>
    %reduce_sum3A_112 = vector.multi_reduction <add>, %div3A_110, %reduce_sum3A_111 [0] : vector<1000x128xf32> to vector<128xf32>
    %eq3A_113 = arith.constant 0 : i32
    %eq3A_114 = arith.cmpi eq, %arg0, %eq3A_113 : i32
    %convert_element_type3A_115 = arith.extui %eq3A_114 : i1 to i32
    %cond3A = arith.constant 0 : i32
    %cond3A_116 = arith.cmpi ne, %convert_element_type3A_115, %cond3A : i32
    scf.if %cond3A_116 {
      %broadcast_in_dim3A_129 = arith.constant 0.000000e+00 : f32
      %broadcast_in_dim3A_130 = vector.broadcast %broadcast_in_dim3A_129 : f32 to vector<1x128xf32>
      %swap3A_131 = arith.constant 0 : index
      %swap3A_132 = arith.constant 0 : index
      %swap3A_133 = vector.load %arg10[%swap3A_131, %swap3A_132] : memref<1x128xf32, #tpu.memory_space<vmem>>, vector<1x128xf32>
      tpu.vector_store %arg10[%swap3A_131, %swap3A_132], %broadcast_in_dim3A_130 {strides = array<i32>} : memref<1x128xf32, #tpu.memory_space<vmem>>, vector<1x128xf32>,
    } else {
    }
    %get3A_117 = arith.constant 0 : index
    %get3A_118 = arith.constant 0 : index
    %get3A_119 = vector.load %arg10[%get3A_117, %get3A_118] : memref<1x128xf32, #tpu.memory_space<vmem>>, vector<1x128xf32>
    %broadcast_in_dim3A_120 = vector.shape_cast %reduce_sum3A_112 : vector<128xf32> to vector<1x128xf32>
    %add3A_121 = arith.addf %get3A_119, %broadcast_in_dim3A_120 : vector<1x128xf32>
    %swap3A = arith.constant 0 : index
    %swap3A_122 = arith.constant 0 : index
    %swap3A_123 = vector.load %arg10[%swap3A, %swap3A_122] : memref<1x128xf32, #tpu.memory_space<vmem>>, vector<1x128xf32>
    tpu.vector_store %arg10[%swap3A, %swap3A_122], %add3A_121 {strides = array<i32>} : memref<1x128xf32, #tpu.memory_space<vmem>>, vector<1x128xf32>,
    %eq3A_124 = arith.constant 9 : i32
    %eq3A_125 = arith.cmpi eq, %arg0, %eq3A_124 : i32
    %convert_element_type3A_126 = arith.extui %eq3A_125 : i1 to i32
    %cond3A_127 = arith.constant 0 : i32
    %cond3A_128 = arith.cmpi ne, %convert_element_type3A_126, %cond3A_127 : i32
    scf.if %cond3A_128 {
      %get3A_129 = arith.constant 0 : index
      %get3A_130 = arith.constant 0 : index
      %get3A_131 = vector.load %arg6[%get3A_129, %get3A_130] : memref<8x128xf32, #tpu.memory_space<vmem>>, vector<1x128xf32>
      %get3A_132 = arith.constant 0 : index
      %get3A_133 = arith.constant 0 : index
      %get3A_134 = vector.load %arg10[%get3A_132, %get3A_133] : memref<1x128xf32, #tpu.memory_space<vmem>>, vector<1x128xf32>
      %add3A_135 = arith.addf %get3A_131, %get3A_134 : vector<1x128xf32>
      %get3A_136 = arith.constant 0 : index
      %get3A_137 = arith.constant 0 : index
      %get3A_138 = vector.load %arg7[%get3A_136, %get3A_137] : memref<128x1xf32, #tpu.memory_space<vmem>>, vector<128x1xf32>
      %dot_general3A_139 = arith.constant dense<0.000000e+00> : vector<1x1xf32>
      %dot_general3A_140 = tpu.matmul %add3A_135, %get3A_138, %dot_general3A_139 {dimension_numbers = #tpu.dot_dimension_numbers<[1], [0], [0], [1], [0, 0, 1, 1], [], []>, precision = #tpu.contract_precision<fp32>, transpose_lhs_hint = false} : vector<1x128xf32>, vector<128x1xf32>, vector<1x1xf32> -> vector<1x1xf32>
      %get3A_141 = arith.constant 0 : index
      %get3A_142 = arith.constant 0 : index
      %get3A_143 = vector.load %arg8[%get3A_141, %get3A_142] : memref<1x1xf32, #tpu.memory_space<vmem>>, vector<1x1xf32>
      %add3A_144 = arith.addf %dot_general3A_140, %get3A_143 : vector<1x1xf32>
      %swap3A_145 = arith.constant 0 : index
      %swap3A_146 = arith.constant 0 : index
      %swap3A_147 = vector.load %arg9[%swap3A_145, %swap3A_146] : memref<1x1xf32, #tpu.memory_space<vmem>>, vector<1x1xf32>
      tpu.vector_store %arg9[%swap3A_145, %swap3A_146], %add3A_144 {strides = array<i32>} : memref<1x1xf32, #tpu.memory_space<vmem>>, vector<1x1xf32>,
    } else {
    }
    return
  }
  func.func @transform_0(%arg0: i32) -> (i32, i32, i32) {
    %c0_i32 = arith.constant 0 : i32
    %c0_i32_0 = arith.constant 0 : i32
    %c0_i32_1 = arith.constant 0 : i32
    return %c0_i32, %arg0, %c0_i32_0 : i32, i32, i32
  }
  func.func @transform_1(%arg0: i32) -> (i32, i32, i32) {
    %c0_i32 = arith.constant 0 : i32
    %c0_i32_0 = arith.constant 0 : i32
    %c0_i32_1 = arith.constant 0 : i32
    return %c0_i32, %arg0, %c0_i32_0 : i32, i32, i32
  }
  func.func @transform_2(%arg0: i32) -> (i32, i32, i32) {
    %c0_i32 = arith.constant 0 : i32
    %c0_i32_0 = arith.constant 0 : i32
    %c0_i32_1 = arith.constant 0 : i32
    %c0_i32_2 = arith.constant 0 : i32
    return %c0_i32, %c0_i32_0, %c0_i32_1 : i32, i32, i32
  }
  func.func @transform_3(%arg0: i32) -> (i32, i32, i32) {
    %c0_i32 = arith.constant 0 : i32
    %c0_i32_0 = arith.constant 0 : i32
    %c0_i32_1 = arith.constant 0 : i32
    %c0_i32_2 = arith.constant 0 : i32
    return %c0_i32, %c0_i32_0, %c0_i32_1 : i32, i32, i32
  }
  func.func @transform_4(%arg0: i32) -> (i32, i32) {
    %c0_i32 = arith.constant 0 : i32
    %c0_i32_0 = arith.constant 0 : i32
    %c0_i32_1 = arith.constant 0 : i32
    return %c0_i32, %c0_i32_0 : i32, i32
  }
  func.func @transform_5(%arg0: i32) -> (i32, i32) {
    %c0_i32 = arith.constant 0 : i32
    %c0_i32_0 = arith.constant 0 : i32
    %c0_i32_1 = arith.constant 0 : i32
    return %c0_i32, %c0_i32_0 : i32, i32
  }
  func.func @transform_6(%arg0: i32) -> (i32, i32) {
    %c0_i32 = arith.constant 0 : i32
    %c0_i32_0 = arith.constant 0 : i32
    %c0_i32_1 = arith.constant 0 : i32
    return %c0_i32, %c0_i32_0 : i32, i32
  }
  func.func @transform_7(%arg0: i32) -> (i32, i32) {
    %c0_i32 = arith.constant 0 : i32
    %c0_i32_0 = arith.constant 0 : i32
    %c0_i32_1 = arith.constant 0 : i32
    return %c0_i32, %c0_i32_0 : i32, i32
  }
  func.func @transform_8(%arg0: i32) -> (i32, i32) {
    %c0_i32 = arith.constant 0 : i32
    %c0_i32_0 = arith.constant 0 : i32
    %c0_i32_1 = arith.constant 0 : i32
    return %c0_i32, %c0_i32_0 : i32, i32
  }
}

</mosaic_0001>

<sc_bundles>
// kernel: kernel.6.cloned.1.call-start
scs
__scs_entry_jumppad:
0x0: {  	(pc) =	sbr.rel $0x88, $3  }
0x1: {  	(tag) =	ssettag $0x0;
	lr =	simm.s32 $0x1  }
0x2: {  	[smem:$0x3F97] =	sst lr;
	_ =	strace $0xD0000000  }
0x3: {  	_ = 	snop  }
0x4: {  	_ = 	snop  }
0x5: {  	_ = 	snop  }
0x6: {  	_ = 	snop  }
0x7: {  	_ = 	snop  }
__scs_overlays_trampoline_lowered:
0x8: {  	[smem:$0x3FA6] =	sst s0  }
0x9: {  	[smem:$0x3FA7] =	sst s1  }
0xa: {  	[smem:$0x3FA8] =	sst s2  }
0xb: {  	[smem:$0x3FA9] =	sst s3  }
0xc: {  	[smem:$0x3FAA] =	sst s4  }
0xd: {  	[smem:$0x3FAB] =	sst s5  }
0xe: {  	[smem:$0x3FAC] =	sst s6  }
0xf: {  	[smem:$0x3FAD] =	sst s7  }
0x10: {  	[smem:$0x3FAE] =	sst s8  }
0x11: {  	[smem:$0x3FAF] =	sst s9;
	s0 =	simm.s32 @!p0 $0x0  }
0x12: {  	s1 =	sld [smem:$0x3F95];
	s0 =	simm.s32 @p0 $0x1  }
0x13: {  	[smem:$0x3FB0] =	sst s0;
	s0 =	simm.s32 @!p1 $0x0  }
0x14: {  	s2 =	sld [smem:$0x3F94];
	s0 =	simm.s32 @p1 $0x1  }
0x15: {  	[smem:$0x3FB1] =	sst s0;
	s0 =	simm.s32 @!p2 $0x0  }
0x16: {  	s3 =	sld [smem:$0x3FDB];
	s0 =	simm.s32 @p2 $0x1  }
0x17: {  	s4 =	simm.s32 $0x1BF5;
	[smem:$0x3FB3] =	sst s0  }
0x18: {  	s0 =	sld [smem:$0x3F96];
	_ =	swait.ge [sflag:s4], $0x0  }
0x19: {  	s7 =	sld [smem:$0x3F97]  }
0x1a: {  	s8 =	sadd.s32 $0xFFFFE003, lr  }
0x1b: {  	s9 =	sadd.s32 $0xFFFFFEF7, lr;
	s5 =	simm.s32 $0xFFFFFFFF;
	p2 =	slt.u32 s8, $0xFFFFF086  }
0x1c: {  	p1 =	slt.u32 s9, $0xF7A;
	s5 =	simm.s32 @!p2 $0x0  }
0x1d: {  	s5 =	simm.s32 @p1 $0x1;
	p0 =	seq.s32 s7, s2  }
0x1e: {  	s7 =	smul.u32 @!p0 $0xF7A, s2;
	p2 =	seq.s32 @!p0 s5, $0x0  }
0x1f: {  	s9 =	smul.u32 $0xF7A, s1;
	s8 =	simm.s32 @!p0 $0x1BF5;
	p2 =	por !p2, p0  }
0x20: {  	[sflag:s8] =	ssyncset.s32 @!p0 $0xFFFFF086;
	s6 =	sadd.s32 @!p0 s3, s7;
	s7 =	simm.s32 @!p0 $0x108  }
0x21: {  	s3 =	sadd.s32 s3, s9;
	s6 =	sadd.s32 @!p0 $0x88, s6;
	s7 =	simm.s32 @p2 $0x1082  }
0x22: {  	[simem:s7], [sflag:s8] =	dma.local @!p0 [hbm:s6], $0xF7A  }
0x23: {  	s9 =	sor.u32 $0xD0000000, s2;
	s6 =	simm.s32 $0x108;
	_ =	swait.ge @!p0 [sflag:s8], $0x0  }
0x24: {  	s3 =	sadd.s32 $0x88, s3;
	s6 =	simm.s32 @!p1 $0x1082;
	[sflag:s4] =	ssyncset.s32 $0xFFFFF086  }
0x25: {  	[simem:s6], [sflag:s4] =	dma.local [hbm:s3], $0xF7A  }
0x26: {  	[smem:$0x3F97] =	sst s1;
	(tag) =	ssettag s2;
	_ =	strace s9  }
0x27: {  	s1 =	sld [smem:$0x3FA7]  }
0x28: {  	s2 =	sld [smem:$0x3FA8]  }
0x29: {  	s4 =	sld [smem:$0x3FAA]  }
0x2a: {  	p0 =	seq.s32 s5, $0x0;
	s5 =	sld [smem:$0x3FAB]  }
0x2b: {  	s6 =	sld [smem:$0x3FAC]  }
0x2c: {  	s7 =	sld [smem:$0x3FAD]  }
0x2d: {  	s3 =	simm.s32 $0x108;
	s8 =	sld [smem:$0x3FAE]  }
0x2e: {  	s3 =	simm.s32 @!p0 $0x1082;
	s9 =	sld [smem:$0x3FAF]  }
0x2f: {  	lr =	sadd.s32 s0, s3;
	s0 =	sld [smem:$0x3FA6]  }
0x30: {  	s3 =	sld [smem:$0x3FA9]  }
0x31: {  	[smem:$0x3FB2] =	sst s10  }
0x32: {  	s10 =	sld [smem:$0x3FB0];
	_ =	sdelay $0x3  }
0x33: {  	p0 =	seq.s32 s10, $0x1;
	s10 =	sld [smem:$0x3FB2];
	_ =	sdelay $0x3  }
0x34: {  	[smem:$0x3FB2] =	sst s10  }
0x35: {  	s10 =	sld [smem:$0x3FB1];
	_ =	sdelay $0x3  }
0x36: {  	p1 =	seq.s32 s10, $0x1;
	s10 =	sld [smem:$0x3FB2];
	_ =	sdelay $0x3  }
0x37: {  	[smem:$0x3FB2] =	sst s10  }
0x38: {  	s10 =	sld [smem:$0x3FB3]  }
0x39: {  	_ = 	snop;
	(pc) =	sbr.ind lr, $3  }
0x3a: {  	_ = 	snop  }
0x3b: {  	_ = 	snop  }
0x3c: {  	p2 =	seq.s32 s10, $0x1;
	s10 =	sld [smem:$0x3FB2]  }
0x3d: {  	_ =	shalt  }
0x3e: {  	_ =	shalt  }
0x3f: {  	_ =	shalt  }
0x40: {  	_ =	shalt  }
0x41: {  	_ =	shalt  }
0x42: {  	_ =	shalt  }
0x43: {  	_ =	shalt  }
0x44: {  	_ =	shalt  }
0x45: {  	_ =	shalt  }
0x46: {  	_ =	shalt  }
0x47: {  	_ =	shalt  }
0x48: {  	_ =	shalt  }
0x49: {  	_ =	shalt  }
0x4a: {  	_ =	shalt  }
0x4b: {  	_ =	shalt  }
0x4c: {  	_ =	shalt  }
0x4d: {  	_ =	shalt  }
0x4e: {  	_ =	shalt  }
0x4f: {  	_ =	shalt  }
0x50: {  	_ =	shalt  }
0x51: {  	_ =	shalt  }
0x52: {  	_ =	shalt  }
0x53: {  	_ =	shalt  }
0x54: {  	_ =	shalt  }
0x55: {  	_ =	shalt  }
0x56: {  	_ =	shalt  }
0x57: {  	_ =	shalt  }
0x58: {  	_ =	shalt  }
0x59: {  	_ =	shalt  }
0x5a: {  	_ =	shalt  }
0x5b: {  	_ =	shalt  }
0x5c: {  	_ =	shalt  }
0x5d: {  	_ =	shalt  }
0x5e: {  	_ =	shalt  }
0x5f: {  	_ =	shalt  }
0x60: {  	_ =	shalt  }
0x61: {  	_ =	shalt  }
0x62: {  	_ =	shalt  }
0x63: {  	_ =	shalt  }
0x64: {  	_ =	shalt  }
0x65: {  	_ =	shalt  }
0x66: {  	_ =	shalt  }
0x67: {  	_ =	shalt  }
0x68: {  	_ =	shalt  }
0x69: {  	_ =	shalt  }
0x6a: {  	_ =	shalt  }
0x6b: {  	_ =	shalt  }
0x6c: {  	_ =	shalt  }
0x6d: {  	_ =	shalt  }
0x6e: {  	_ =	shalt  }
0x6f: {  	_ =	shalt  }
0x70: {  	_ =	shalt  }
0x71: {  	_ =	shalt  }
0x72: {  	_ =	shalt  }
0x73: {  	_ =	shalt  }
0x74: {  	_ =	shalt  }
0x75: {  	_ =	shalt  }
0x76: {  	_ =	shalt  }
0x77: {  	_ =	shalt  }
0x78: {  	_ =	shalt  }
0x79: {  	_ =	shalt  }
0x7a: {  	_ =	shalt  }
0x7b: {  	_ =	shalt  }
0x7c: {  	_ =	shalt  }
0x7d: {  	_ =	shalt  }
0x7e: {  	_ =	shalt  }
0x7f: {  	_ =	shalt  }
0x80: {  	_ =	shalt  }
0x81: {  	_ =	shalt  }
0x82: {  	_ =	shalt  }
0x83: {  	_ =	shalt  }
0x84: {  	_ =	shalt  }
0x85: {  	_ =	shalt  }
0x86: {  	_ =	shalt  }
0x87: {  	_ =	shalt  }
.Lfunc_end0:
.L_simem_size_0:
called_computation_lowered:
.L_overlay_start_0:
0x88: {  	s2 =	sld [smem:$0x3FD9]  }
0x89: {  	s3 =	sld [smem:$0x3FFE];
	_ =	sdelay $0x1  }
0x8a: {  	s1 =	srdreg.scid  }
0x8b: {  	s0 =	sand.u32 $0x1, s1  }
0x8c: {  	s17 =	sshll.u32 s0, $0xA;
	s2 =	sadd.s32 s3, s2  }
0x8d: {  	s2 =	sadd.s32 s2, s17  }
0x8e: {  	[smem:$0x3FBE] =	sst s2  }
0x8f: {  	_ = 	snop  }
0x90: {  	s2 =	sld [smem:$0x3FC9];
	(tm) =	ssettm $0x1  }
0x91: {  	s18 =	sld [smem:$0x3FFB];
	_ =	sdelay $0x3  }
0x92: {  	_ =	strace s18  }
0x93: {  	s3 =	sld [smem:$0x3FFC];
	_ =	sdelay $0x3  }
0x94: {  	_ =	strace s3  }
0x95: {  	s3 =	sld [smem:$0x3FFD];
	_ =	sdelay $0x3  }
0x96: {  	_ =	strace s3  }
0x97: {  	_ =	strace $0x8FFFFFFF  }
0x98: {  	s19 =	sld [smem:$0x3FDB];
	_ =	sdelay $0x1  }
0x99: {  	s4 =	simm.s32 $_scs_section_size  }
0x9a: {  	s5 =	simm.s32 $_size__tile_overlayer_lowered;
	s6 =	simm.s32 $_tile_overlayer_lowered  }
0x9b: {  	s22 =	simm.s32 $0x1BFF;
	s21 =	sshll.u32 s6, $0x1;
	s3 =	sadd.s32 s4, s19  }
0x9c: {  	s7 =	simm.s32 $0x0;
	s20 =	sshll.u32 s5, $0x1;
	s5 =	sadd.s32 s21, s3  }
0x9d: {  	[timem:s7], [sflag:s22] =	dma.local [hbm:s5], s20  }
0x9e: {  	_ =	swait.ge [sflag:s22], s20  }
0x9f: {  	s4 =	ssub.s32 $0x0, s20;
	[sflag:s22] =	ssyncset.done $0x0  }
0xa0: {  	[sflag:s22] =	ssyncadd.s32 s4;
	_ =	sdelay $0x1  }
0xa1: {  	s23 =	simm.s32 $0x1B8B  }
0xa2: {  	_ =	swait.ge [sflag:s23], $0x1  }
0xa3: {  	[sflag:s23] =	ssyncset.done $0x0  }
0xa4: {  	s25 =	simm.s32 $0x1B8E;
	s24 =	sld [smem:$0x3FFE];
	[sflag:s23] =	ssyncadd.s32 $0xFFFFFFFF  }
0xa5: {  	s26 =	simm.s32 $execute0_lowered;
	[smem:$0x3FD2] =	sst s25  }
0xa6: {  	s5 =	sshll.u32 s26, $0x1;
	_ =	strace $0x80000046;
	[dreg:$0x1] =	wrdreg $0xFFFFFFFF  }
0xa7: {  	s28 =	simm.s32 $_size_execute0_lowered;
	s3 =	sadd.s32 s3, s5;
	[dreg:$0x0] =	wrdreg $0x0  }
0xa8: {  	s5 =	sshll.u32 s28, $0x1;
	[dreg:$0x2] =	wrdreg s3  }
0xa9: {  	[dreg:$0x3] =	wrdreg s5  }
0xaa: {  	[dreg:$0x4] =	wrdreg $0xC0  }
0xab: {  	_ =	task [dreg:s7], $0x5FFFF  }
0xac: {  	[dreg:$0x1] =	wrdreg $0xFFFFFFFF  }
0xad: {  	[dreg:$0x0] =	wrdreg $0x60  }
0xae: {  	[dreg:$0x2] =	wrdreg s24  }
0xaf: {  	[dreg:$0x3] =	wrdreg s2  }
0xb0: {  	[dreg:$0x4] =	wrdreg $0x82000  }
0xb1: {  	[dreg:$0x5] =	wrdreg $0x1D2000  }
0xb2: {  	[dreg:$0x6] =	wrdreg $0x9  }
0xb3: {  	_ =	task.clear_ibuf [dreg:s7], $0x7FFFF;
	_ =	strace $0x90000046  }
0xb4: {  	s29 =	simm.s32 $0x9;
	_ =	strace $0x80000048  }
0xb5: {  	_ =	swait.ge [sflag:s29], $0x1  }
0xb6: {  	[sflag:s29] =	ssyncadd.s32 $0xFFFFFFFF  }
0xb7: {  	_ =	strace $0x90000048  }
0xb8: {  	_ =	sfence  }
0xb9: {  	s30 =	sld [smem:$0x0];
	_ =	sdelay $0x2  }
0xba: {  	s31 =	sshll.u32 s1, $0xD;
	s1 =	sshrl.u32 s1, $0x2  }
0xbb: {  	s3 =	sand.u32 $0x4000, s31;
	s1 =	sadd.s32 s1, s30  }
0xbc: {  	s0 =	sor.u32 s3, s0;
	s1 =	sshll.u32 s1, $0x11  }
0xbd: {  	s0 =	sor.u32 s1, s0  }
0xbe: {  	s0 =	sadd.s32 $0x8F2B, s0  }
0xbf: {  	[sflag:s0] =	ssyncadd.remote.s32 $0x1  }
0xc0: {  	_ =	sfence.sel $0xFFFF  }
0xc1: {  	[dreg:$0x0] =	wrdreg $0xFFFFFFFF;
	(pc) =	sbr.abs _section_cstart, $3  }
0xc2: {  	[dreg:$0x1] =	wrdreg $0xFFFFFFFF  }
0xc3: {  	_ =	task.clear_ibuf [dreg:s7], $0x2FFFF;
	_ =	strace $0x9FFFFFFF  }
0xc4: {  	(tm) =	ssettm $0x7FFFFFFF  }
0xc5: {  	_ =	shalt  }
tec
execute0_lowered:
.L_overlay_start_1:
0x0: {  	(tag) =	ssettag $0x1  }
0x1: {  	s0 =	srdreg.scid;
	s22 =	stileid.u32  }
0x2: {  	s1 =	rddreg [dreg:$0x0];
	s13 =	sand.u32 $0x1, s0;
	s9 =	smul.u32 $0x280, s22  }
0x3: {  	s12 =	sadd.s32 $0xCBA00, s1;
	s16 =	smul.u32 $0x140000, s13  }
0x4: {  	s14 =	sadd.s32 $0xC1A00, s1;
	s0 =	ssub.s32 $0x2, s13;
	s17 =	smul.u32 $0x28000, s13  }
0x5: {  	s3 =	sshll.u32 s13, $0x4;
	s13 =	smul.u32 $0x280000, s13;
	s2 =	sshrl.u32 s0, $0x1  }
0x6: {  	s15 =	sor.u32 s22, s3;
	s3 =	smul.u32 $0x2800, s22;
	s5 =	sadd.s32 $0x80, s9  }
0x7: {  	s7 =	sadd.s32 $0x100, s9;
	s10 =	sadd.s32 $0x180, s9;
	s11 =	sadd.s32 $0x200, s9  }
0x8: {  	s0 =	ssub.s32 s0, s2;
	s2 =	smul.u32 $0x14000, s22;
	s4 =	sshll.u32 s5, $0x7  }
0x9: {  	s5 =	sshll.u32 s5, $0x4;
	s6 =	sshll.u32 s7, $0x7;
	s7 =	sshll.u32 s7, $0x4  }
0xa: {  	s8 =	sshll.u32 s10, $0x7;
	s9 =	sshll.u32 s10, $0x4;
	s10 =	sshll.u32 s11, $0x7  }
0xb: {  	s11 =	sshll.u32 s11, $0x4;
	s20 =	sadd.s32 s3, s17;
	s19 =	sadd.s32 s16, s4  }
0xc: {  	s23 =	sadd.s32 s17, s5;
	s25 =	sadd.s32 s16, s6;
	s18 =	sadd.s32 s2, s16  }
0xd: {  	s26 =	sshrl.u32 s20, $0x3;
	s21 =	sshrl.u32 s19, $0x3;
	s19 =	sshrl.u32 s25, $0x3  }
0xe: {  	s24 =	sshrl.u32 s23, $0x3;
	s25 =	smul.u32 $0x28000, s15;
	s19 =	sadd.s32 s12, s19  }
0xf: {  	s18 =	sshrl.u32 s18, $0x3;
	s23 =	sadd.s32 s14, s24;
	[dreg:$0x8] =	wrdreg s19  }
0x10: {  	s24 =	sadd.s32 s17, s9;
	s18 =	sadd.s32 s12, s18;
	[dreg:$0xb] =	wrdreg s23  }
0x11: {  	s23 =	smul.u32 $0x2800, s15;
	[dreg:$0x5] =	wrdreg s18;
	s18 =	sadd.s32 s14, s26  }
0x12: {  	[dreg:$0x6] =	wrdreg s18;
	s18 =	sadd.s32 s12, s21;
	s21 =	sadd.s32 s16, s8  }
0x13: {  	s16 =	sadd.s32 s16, s10;
	[dreg:$0x7] =	wrdreg s18;
	s26 =	sshrl.u32 s21, $0x3  }
0x14: {  	s16 =	sshrl.u32 s16, $0x3;
	s21 =	sadd.s32 s17, s7;
	s17 =	sadd.s32 s17, s11  }
0x15: {  	s19 =	sadd.s32 s12, s26;
	s12 =	sadd.s32 s12, s16;
	s16 =	sshrl.u32 s24, $0x3  }
0x16: {  	s17 =	sshrl.u32 s17, $0x3;
	s26 =	smul.u32 $0x28000, s22;
	[dreg:$0x9] =	wrdreg s19  }
0x17: {  	s24 =	sshrl.u32 s25, $0x3;
	[dreg:$0xa] =	wrdreg s12;
	s16 =	sadd.s32 s14, s16  }
0x18: {  	s12 =	sshrl.u32 s21, $0x3;
	s21 =	sadd.s32 s14, s17;
	[dreg:$0xd] =	wrdreg s16  }
0x19: {  	s19 =	sshrl.u32 s23, $0x3;
	s12 =	sadd.s32 s14, s12;
	[dreg:$0xe] =	wrdreg s21  }
0x1a: {  	s22 =	sadd.s32 s26, s13;
	s26 =	sadd.s32 $0x17A00, s1;
	s13 =	sadd.s32 $0xB7A00, s1  }
0x1b: {  	s21 =	sadd.s32 $0x3E00, s1;
	s23 =	sor.u32 $0x10, s19;
	[dreg:$0xc] =	wrdreg s12  }
0x1c: {  	s25 =	sor.u32 $0x1000, s22;
	s12 =	sor.u32 $0x1800, s22;
	s22 =	sadd.s32 s13, s19  }
0x1d: {  	s17 =	sadd.s32 s26, s24;
	s24 =	sadd.s32 s13, s23;
	[dreg:$0x12] =	wrdreg s22  }
0x1e: {  	s28 =	simm.s32 $0x1;
	s16 =	sadd.s32 s21, s23;
	[dreg:$0x14] =	wrdreg s24  }
0x1f: {  	s18 =	sshrl.u32 s25, $0x3;
	s12 =	sshrl.u32 s12, $0x3;
	[dreg:$0x15] =	wrdreg s16  }
0x20: {  	s25 =	sor.u32 $0x100, s20;
	s24 =	rddreg [dreg:$0x3];
	s14 =	sadd.s32 s18, s26  }
0x21: {  	s12 =	sadd.s32 s12, s26;
	s26 =	sor.u32 $0x180, s20;
	s20 =	rddreg [dreg:$0x2]  }
0x22: {  	s29 =	simm.s32 $0x4;
	s0 =	smax.u32 s0, $0x1;
	[dreg:$0x10] =	wrdreg s14  }
0x23: {  	s3 =	sadd.s32 s3, s24;
	s16 =	sadd.s32 s7, s24;
	[dreg:$0x11] =	wrdreg s12  }
0x24: {  	s14 =	simm.s32 $0x0;
	s12 =	sadd.s32 s21, s19;
	s19 =	rddreg [dreg:$0x1]  }
0x25: {  	s30 =	sadd.s32 s9, s24;
	s9 =	simm.s32 $0x200;
	[smem:$0x7FF] =	sst s14  }
0x26: {  	s7 =	simm.s32 $0x4200;
	s2 =	sadd.s32 s2, s20;
	[dreg:$0x13] =	wrdreg s12  }
0x27: {  	s18 =	sshrl.u32 s26, $0x3;
	_ =	strace $0x80000047;
	[dreg:$0x18] =	wrdreg s2  }
0x28: {  	s15 =	sadd.s32 s6, s20;
	s31 =	sadd.s32 s10, s20;
	[dreg:$0x19] =	wrdreg s3  }
0x29: {  	s12 =	sshrl.u32 s25, $0x3;
	s25 =	sadd.s32 s18, s21;
	[smem:$0x7F9] =	sst s0  }
0x2a: {  	s26 =	sadd.s32 s18, s13;
	s18 =	sadd.s32 $0x100, s17;
	[dreg:$0xf] =	wrdreg s17  }
0x2b: {  	s6 =	sadd.s32 s11, s24;
	s10 =	simm.s32 $0x7;
	[smem:$0x7FA] =	sst s18  }
0x2c: {  	s11 =	simm.s32 $0x180;
	s22 =	sadd.s32 s12, s21;
	[dreg:$0x1f] =	wrdreg s30  }
0x2d: {  	s23 =	sadd.s32 s12, s13;
	s21 =	sadd.s32 $0xDE00, s1;
	[smem:$0x7FC] =	sst s31  }
0x2e: {  	s1 =	sadd.s32 $0xE600, s1;
	s12 =	sadd.s32 s4, s20;
	[smem:$0x7FD] =	sst s6  }
0x2f: {  	s13 =	sadd.s32 s5, s24;
	s17 =	smov.u32 s16;
	[dreg:$0x16] =	wrdreg s21  }
0x30: {  	s16 =	simm.s32 $0x1CA00;
	s18 =	simm.s32 $0x20;
	[dreg:$0x17] =	wrdreg s1  }
0x31: {  	s0 =	simm.s32 $0xE0;
	s2 =	simm.s32 $0x5;
	[dreg:$0x1a] =	wrdreg s12  }
.Ltmp0:
0x32: {  	s5 =	simm.s32 $0x0;
	[dreg:$0x1b] =	wrdreg s13;
	(pc) =	sbr.rel .LBB2_1-.Ltmp0, $4  }
0x33: {  	s3 =	simm.s32 $0x2;
	s4 =	simm.s32 $0x6;
	[smem:$0x7FB] =	sst s5  }
0x34: {  	s21 =	sadd.s32 s8, s20;
	s8 =	smov.u32 s15;
	[dreg:$0x1d] =	wrdreg s17  }
0x35: {  	s12 =	simm.s32 $0x1C200;
	s13 =	simm.s32 $0x100;
	[dreg:$0x1c] =	wrdreg s8  }
0x36: {  	s15 =	simm.s32 $0x80;
	s1 =	simm.s32 $0x7200;
	[dreg:$0x1e] =	wrdreg s21  }
.LBB2_4:
0x37: {  	[bflag:$0x0] =	sbarrier.arrive $0xFFFF  }
0x38: {  	s5 =	rddreg [dreg:$0x18]  }
0x39: {  	[tilespmem:s9], [sflag:$0x7] =	stream.linear.gather [spmem:s5], $0x4000, $0x38;
	[tilespmem:$0x1FA00] =	vst v63  }
0x3a: {  	_ =	swait.ge [sflag:s10], $0x4000  }
0x3b: {  	[sflag:s10] =	ssyncset.done $0x0  }
0x3c: {  	s17 =	rddreg [dreg:$0x5];
	[sflag:s10] =	ssyncadd.s32 $0xFFFFC000  }
0x3d: {  	[hbm4b:s17+s14] =	stream.linear.scatter [tilespmem:s9], [sflag:$0x7], $0x4000, $0x38;
	[tilespmem:$0x1FA00] =	vst v63  }
0x3e: {  	_ =	swait.ge [sflag:s10], $0x4000  }
0x3f: {  	[sflag:s10] =	ssyncset.done $0x0  }
0x40: {  	s21 =	rddreg [dreg:$0x19];
	[sflag:s10] =	ssyncadd.s32 $0xFFFFC000  }
0x41: {  	[tilespmem:s12], [sflag:$0x7] =	stream.linear.gather [spmem:s21], $0x800, $0x38;
	[tilespmem:$0x1FA00] =	vst v63  }
0x42: {  	_ =	swait.ge [sflag:s10], $0x800  }
0x43: {  	[sflag:s10] =	ssyncset.done $0x0  }
0x44: {  	s6 =	rddreg [dreg:$0x6];
	[sflag:s10] =	ssyncadd.s32 $0xFFFFF800  }
0x45: {  	[hbm4b:s6+s14] =	stream.linear.scatter [tilespmem:s12], [sflag:$0x7], $0x800, $0x38;
	[tilespmem:$0x1FA00] =	vst v63  }
0x46: {  	_ =	swait.ge [sflag:s10], $0x800  }
0x47: {  	[sflag:s10] =	ssyncset.done $0x0  }
0x48: {  	s8 =	rddreg [dreg:$0x1a];
	[sflag:s10] =	ssyncadd.s32 $0xFFFFF800  }
0x49: {  	[tilespmem:s9], [sflag:$0x7] =	stream.linear.gather [spmem:s8], $0x4000, $0x38;
	[tilespmem:$0x1FA00] =	vst v63  }
0x4a: {  	_ =	swait.ge [sflag:s10], $0x4000  }
0x4b: {  	[sflag:s10] =	ssyncset.done $0x0  }
0x4c: {  	s17 =	rddreg [dreg:$0x7];
	[sflag:s10] =	ssyncadd.s32 $0xFFFFC000  }
0x4d: {  	[hbm4b:s17+s14] =	stream.linear.scatter [tilespmem:s9], [sflag:$0x7], $0x4000, $0x38;
	[tilespmem:$0x1FA00] =	vst v63  }
0x4e: {  	_ =	swait.ge [sflag:s10], $0x4000  }
0x4f: {  	[sflag:s10] =	ssyncset.done $0x0  }
0x50: {  	s21 =	rddreg [dreg:$0x1b];
	[sflag:s10] =	ssyncadd.s32 $0xFFFFC000  }
0x51: {  	[tilespmem:s12], [sflag:$0x7] =	stream.linear.gather [spmem:s21], $0x800, $0x38;
	[tilespmem:$0x1FA00] =	vst v63  }
0x52: {  	_ =	swait.ge [sflag:s10], $0x800  }
0x53: {  	[sflag:s10] =	ssyncset.done $0x0  }
0x54: {  	s6 =	rddreg [dreg:$0xb];
	[sflag:s10] =	ssyncadd.s32 $0xFFFFF800  }
0x55: {  	[hbm4b:s6+s14] =	stream.linear.scatter [tilespmem:s12], [sflag:$0x7], $0x800, $0x38;
	[tilespmem:$0x1FA00] =	vst v63  }
0x56: {  	_ =	swait.ge [sflag:s10], $0x800  }
0x57: {  	[sflag:s10] =	ssyncset.done $0x0  }
0x58: {  	s8 =	rddreg [dreg:$0x1c];
	[sflag:s10] =	ssyncadd.s32 $0xFFFFF800  }
0x59: {  	[tilespmem:s9], [sflag:$0x7] =	stream.linear.gather [spmem:s8], $0x4000, $0x38;
	[tilespmem:$0x1FA00] =	vst v63  }
0x5a: {  	_ =	swait.ge [sflag:s10], $0x4000  }
0x5b: {  	[sflag:s10] =	ssyncset.done $0x0  }
0x5c: {  	s17 =	rddreg [dreg:$0x8];
	[sflag:s10] =	ssyncadd.s32 $0xFFFFC000  }
0x5d: {  	[hbm4b:s17+s14] =	stream.linear.scatter [tilespmem:s9], [sflag:$0x7], $0x4000, $0x38;
	[tilespmem:$0x1FA00] =	vst v63  }
0x5e: {  	_ =	swait.ge [sflag:s10], $0x4000  }
0x5f: {  	[sflag:s10] =	ssyncset.done $0x0  }
0x60: {  	s17 =	rddreg [dreg:$0x1d];
	[sflag:s10] =	ssyncadd.s32 $0xFFFFC000  }
0x61: {  	[tilespmem:s12], [sflag:$0x7] =	stream.linear.gather [spmem:s17], $0x800, $0x38;
	[tilespmem:$0x1FA00] =	vst v63  }
0x62: {  	_ =	swait.ge [sflag:s10], $0x800  }
0x63: {  	[sflag:s10] =	ssyncset.done $0x0  }
0x64: {  	s21 =	rddreg [dreg:$0xc];
	[sflag:s10] =	ssyncadd.s32 $0xFFFFF800  }
0x65: {  	[hbm4b:s21+s14] =	stream.linear.scatter [tilespmem:s12], [sflag:$0x7], $0x800, $0x38;
	[tilespmem:$0x1FA00] =	vst v63  }
0x66: {  	_ =	swait.ge [sflag:s10], $0x800  }
0x67: {  	[sflag:s10] =	ssyncset.done $0x0  }
0x68: {  	s21 =	rddreg [dreg:$0x1e];
	[sflag:s10] =	ssyncadd.s32 $0xFFFFF800  }
0x69: {  	[tilespmem:s9], [sflag:$0x7] =	stream.linear.gather [spmem:s21], $0x4000, $0x38;
	[tilespmem:$0x1FA00] =	vst v63  }
0x6a: {  	_ =	swait.ge [sflag:s10], $0x4000  }
0x6b: {  	[sflag:s10] =	ssyncset.done $0x0  }
0x6c: {  	s6 =	rddreg [dreg:$0x9];
	[sflag:s10] =	ssyncadd.s32 $0xFFFFC000  }
0x6d: {  	[hbm4b:s6+s14] =	stream.linear.scatter [tilespmem:s9], [sflag:$0x7], $0x4000, $0x38;
	[tilespmem:$0x1FA00] =	vst v63  }
0x6e: {  	_ =	swait.ge [sflag:s10], $0x4000  }
0x6f: {  	[sflag:s10] =	ssyncset.done $0x0  }
0x70: {  	s30 =	rddreg [dreg:$0x1f];
	[sflag:s10] =	ssyncadd.s32 $0xFFFFC000  }
0x71: {  	[tilespmem:s12], [sflag:$0x7] =	stream.linear.gather [spmem:s30], $0x800, $0x38;
	[tilespmem:$0x1FA00] =	vst v63  }
0x72: {  	_ =	swait.ge [sflag:s10], $0x800  }
0x73: {  	[sflag:s10] =	ssyncset.done $0x0  }
0x74: {  	s8 =	rddreg [dreg:$0xd];
	[sflag:s10] =	ssyncadd.s32 $0xFFFFF800  }
0x75: {  	[hbm4b:s8+s14] =	stream.linear.scatter [tilespmem:s12], [sflag:$0x7], $0x800, $0x38;
	[tilespmem:$0x1FA00] =	vst v63  }
0x76: {  	_ =	swait.ge [sflag:s10], $0x800  }
0x77: {  	s31 =	sld [smem:$0x7FC]  }
0x78: {  	[sflag:s10] =	ssyncset.done $0x0  }
0x79: {  	[sflag:s10] =	ssyncadd.s32 $0xFFFFF800  }
0x7a: {  	[tilespmem:s9], [sflag:$0x7] =	stream.linear.gather [spmem:s31], $0x4000, $0x38;
	[tilespmem:$0x1FA00] =	vst v63  }
0x7b: {  	_ =	swait.ge [sflag:s10], $0x4000  }
0x7c: {  	[sflag:s10] =	ssyncset.done $0x0  }
0x7d: {  	s6 =	rddreg [dreg:$0xa];
	[sflag:s10] =	ssyncadd.s32 $0xFFFFC000  }
0x7e: {  	[hbm4b:s6+s14] =	stream.linear.scatter [tilespmem:s9], [sflag:$0x7], $0x4000, $0x38;
	[tilespmem:$0x1FA00] =	vst v63  }
0x7f: {  	_ =	swait.ge [sflag:s10], $0x4000  }
0x80: {  	s6 =	sld [smem:$0x7FD]  }
0x81: {  	[sflag:s10] =	ssyncset.done $0x0  }
0x82: {  	[sflag:s10] =	ssyncadd.s32 $0xFFFFC000  }
0x83: {  	[tilespmem:s12], [sflag:$0x7] =	stream.linear.gather [spmem:s6], $0x800, $0x38;
	[tilespmem:$0x1FA00] =	vst v63  }
0x84: {  	_ =	swait.ge [sflag:s10], $0x800  }
0x85: {  	[sflag:s10] =	ssyncset.done $0x0  }
0x86: {  	s8 =	rddreg [dreg:$0xe];
	[sflag:s10] =	ssyncadd.s32 $0xFFFFF800  }
0x87: {  	[hbm4b:s8+s14] =	stream.linear.scatter [tilespmem:s12], [sflag:$0x7], $0x800, $0x38;
	[tilespmem:$0x1FA00] =	vst v63  }
0x88: {  	_ =	swait.ge [sflag:s10], $0x800  }
0x89: {  	s8 =	sld [smem:$0x7FB]  }
0x8a: {  	s5 =	sld [smem:$0x7F9];
	_ =	sdelay $0x1  }
0x8b: {  	s8 =	sadd.s32 $0x1, s8  }
0x8c: {  	p0 =	sne.s32 s8, s5  }
.Ltmp1:
0x8d: {  	_ = 	snop;
	(pc) =	sbr.rel @!p0 .LBB2_5-.Ltmp1, $3  }
0x8e: {  	_ =	sdelay $0x1  }
0x8f: {  	[sflag:s10] =	ssyncset.done $0x0;
	[smem:$0x7FB] =	sst s8  }
0x90: {  	[sflag:s10] =	ssyncadd.s32 $0xFFFFF800;
	s8 =	rddreg [dreg:$0x1c]  }
.LBB2_1:
0x91: {  	s5 =	rddreg [dreg:$0x16]  }
0x92: {  	[tilespmem:s9], [sflag:$0x7] =	stream.linear.gather [hbm4b:s5+s14], $0x4000, $0x38;
	[tilespmem:$0x1FA00] =	vst v63  }
0x93: {  	_ =	swait.ge [sflag:s10], $0x4000  }
0x94: {  	[sflag:s10] =	ssyncset.done $0x0  }
0x95: {  	s5 =	rddreg [dreg:$0x17];
	[sflag:s10] =	ssyncadd.s32 $0xFFFFC000  }
0x96: {  	[tilespmem:s12], [sflag:$0x7] =	stream.linear.gather [hbm4b:s5+s14], $0x800, $0x38;
	[tilespmem:$0x1FA00] =	vst v63  }
0x97: {  	_ =	swait.ge [sflag:s10], $0x800  }
0x98: {  	[sflag:s10] =	ssyncset.done $0x0  }
0x99: {  	s5 =	rddreg [dreg:$0x18];
	[sflag:s10] =	ssyncadd.s32 $0xFFFFF800  }
0x9a: {  	[spmem:s5] =	stream.linear.scatter [tilespmem:s9], [sflag:$0x7], $0x4000, $0x38;
	[tilespmem:$0x1FA00] =	vst v63  }
0x9b: {  	_ =	swait.ge [sflag:s10], $0x4000  }
0x9c: {  	[sflag:s10] =	ssyncset.done $0x0  }
0x9d: {  	s5 =	rddreg [dreg:$0x19];
	[sflag:s10] =	ssyncadd.s32 $0xFFFFC000  }
0x9e: {  	[spmem:s5] =	stream.linear.scatter [tilespmem:s12], [sflag:$0x7], $0x800, $0x38;
	[tilespmem:$0x1FA00] =	vst v63  }
0x9f: {  	_ =	swait.ge [sflag:s10], $0x800  }
0xa0: {  	[sflag:s10] =	ssyncset.done $0x0  }
0xa1: {  	s5 =	rddreg [dreg:$0x1a];
	[sflag:s10] =	ssyncadd.s32 $0xFFFFF800  }
0xa2: {  	[spmem:s5] =	stream.linear.scatter [tilespmem:s9], [sflag:$0x7], $0x4000, $0x38;
	[tilespmem:$0x1FA00] =	vst v63  }
0xa3: {  	_ =	swait.ge [sflag:s10], $0x4000  }
0xa4: {  	[sflag:s10] =	ssyncset.done $0x0  }
0xa5: {  	s5 =	rddreg [dreg:$0x1b];
	[sflag:s10] =	ssyncadd.s32 $0xFFFFC000  }
0xa6: {  	[spmem:s5] =	stream.linear.scatter [tilespmem:s12], [sflag:$0x7], $0x800, $0x38;
	[tilespmem:$0x1FA00] =	vst v63  }
0xa7: {  	_ =	swait.ge [sflag:s10], $0x800  }
0xa8: {  	[sflag:s10] =	ssyncset.done $0x0  }
0xa9: {  	[sflag:s10] =	ssyncadd.s32 $0xFFFFF800  }
0xaa: {  	[spmem:s8] =	stream.linear.scatter [tilespmem:s9], [sflag:$0x7], $0x4000, $0x38;
	[tilespmem:$0x1FA00] =	vst v63  }
0xab: {  	_ =	swait.ge [sflag:s10], $0x4000  }
0xac: {  	[sflag:s10] =	ssyncset.done $0x0  }
0xad: {  	[sflag:s10] =	ssyncadd.s32 $0xFFFFC000  }
0xae: {  	[spmem:s17] =	stream.linear.scatter [tilespmem:s12], [sflag:$0x7], $0x800, $0x38;
	[tilespmem:$0x1FA00] =	vst v63  }
0xaf: {  	_ =	swait.ge [sflag:s10], $0x800  }
0xb0: {  	[sflag:s10] =	ssyncset.done $0x0  }
0xb1: {  	[sflag:s10] =	ssyncadd.s32 $0xFFFFF800  }
0xb2: {  	[spmem:s21] =	stream.linear.scatter [tilespmem:s9], [sflag:$0x7], $0x4000, $0x38;
	[tilespmem:$0x1FA00] =	vst v63  }
0xb3: {  	_ =	swait.ge [sflag:s10], $0x4000  }
0xb4: {  	[sflag:s10] =	ssyncset.done $0x0  }
0xb5: {  	[sflag:s10] =	ssyncadd.s32 $0xFFFFC000  }
0xb6: {  	[spmem:s30] =	stream.linear.scatter [tilespmem:s12], [sflag:$0x7], $0x800, $0x38;
	[tilespmem:$0x1FA00] =	vst v63  }
0xb7: {  	_ =	swait.ge [sflag:s10], $0x800  }
0xb8: {  	[sflag:s10] =	ssyncset.done $0x0  }
0xb9: {  	[sflag:s10] =	ssyncadd.s32 $0xFFFFF800  }
0xba: {  	[spmem:s31] =	stream.linear.scatter [tilespmem:s9], [sflag:$0x7], $0x4000, $0x38;
	[tilespmem:$0x1FA00] =	vst v63  }
0xbb: {  	_ =	swait.ge [sflag:s10], $0x4000  }
0xbc: {  	[sflag:s10] =	ssyncset.done $0x0  }
0xbd: {  	[sflag:s10] =	ssyncadd.s32 $0xFFFFC000  }
0xbe: {  	[spmem:s6] =	stream.linear.scatter [tilespmem:s12], [sflag:$0x7], $0x800, $0x38;
	[tilespmem:$0x1FA00] =	vst v63  }
0xbf: {  	_ =	swait.ge [sflag:s10], $0x800  }
0xc0: {  	[sflag:s10] =	ssyncset.done $0x0  }
0xc1: {  	[sflag:s10] =	ssyncadd.s32 $0xFFFFF800  }
0xc2: {  	[bflag:$0x0] =	sbarrier.arrive $0xFFFF  }
0xc3: {  	s6 =	rddreg [dreg:$0x12]  }
0xc4: {  	s8 =	rddreg [dreg:$0x13]  }
0xc5: {  	[tilespmem:s14], [sflag:$0x3] =	stream.linear.gather [hbm4b:s6+s14], $0x80, $0x38;
	[tilespmem:$0x1FA00] =	vst v63  }
0xc6: {  	s17 =	rddreg [dreg:$0x14]  }
0xc7: {  	[tilespmem:s13], [sflag:$0x3] =	stream.linear.gather [hbm4b:s8+s14], $0x80, $0x38;
	[tilespmem:$0x1FA00] =	vst v63  }
0xc8: {  	s21 =	rddreg [dreg:$0x15]  }
0xc9: {  	[tilespmem:s15], [sflag:$0x4] =	stream.linear.gather [hbm4b:s17+s14], $0x80, $0x38;
	[tilespmem:$0x1FA00] =	vst v63  }
0xca: {  	s30 =	rddreg [dreg:$0xf]  }
0xcb: {  	[tilespmem:s11], [sflag:$0x4] =	stream.linear.gather [hbm4b:s21+s14], $0x80, $0x38;
	[tilespmem:$0x1FA00] =	vst v63  }
0xcc: {  	s31 =	sld [smem:$0x7FA]  }
0xcd: {  	[tilespmem:s12], [sflag:$0x5] =	stream.linear.gather [hbm4b:s30+s14], $0x800, $0x38;
	[tilespmem:$0x1FA00] =	vst v63  }
0xce: {  	s6 =	simm.s32 $0x3  }
0xcf: {  	[tilespmem:s16], [sflag:$0x6] =	stream.linear.gather [hbm4b:s31+s14], $0x800, $0x38;
	[tilespmem:$0x1FA00] =	vst v63  }
0xd0: {  	_ =	swait.ge [sflag:s6], $0x80  }
0xd1: {  	[sflag:s6] =	ssyncset.done $0x0  }
0xd2: {  	[sflag:s6] =	ssyncadd.s32 $0xFFFFFF80  }
0xd3: {  	_ =	swait.ge [sflag:s6], $0x80  }
0xd4: {  	[sflag:s6] =	ssyncset.done $0x0  }
0xd5: {  	[sflag:s6] =	ssyncadd.s32 $0xFFFFFF80  }
0xd6: {  	[tilespmem:s9], [sflag:$0x1] =	stream.indirect.gather [hbm4b:s19+s18], $0x80, s14, s18, $0xb8;
	[tilespmem:$0x1FA00] =	vst v63  }
0xd7: {  	s8 =	simm.s32 $0x1200;
	s17 =	simm.s32 $0x40;
	s21 =	simm.s32 $0x2200  }
0xd8: {  	[tilespmem:s8], [sflag:$0x1] =	stream.indirect.gather [hbm4b:s19+s18], $0x80, s18, s18, $0xb8;
	[tilespmem:$0x1FA00] =	vst v63  }
0xd9: {  	s30 =	simm.s32 $0x60;
	s31 =	simm.s32 $0x3200;
	s5 =	rddreg [dreg:$0x10]  }
0xda: {  	[tilespmem:s21], [sflag:$0x1] =	stream.indirect.gather [hbm4b:s19+s18], $0x80, s17, s18, $0xb8;
	[tilespmem:$0x1FA00] =	vst v63  }
0xdb: {  	s6 =	rddreg [dreg:$0x11];
	s8 =	simm.s32 $0x0;
	s17 =	simm.s32 $0x0  }
0xdc: {  	[tilespmem:s31], [sflag:$0x1] =	stream.indirect.gather [hbm4b:s19+s18], $0x80, s30, s18, $0xb8;
	[tilespmem:$0x1FA00] =	vst v63  }
.LBB2_2:
0xdd: {  	_ =	swait.ge [sflag:s28], $0x1000  }
0xde: {  	[sflag:s28] =	ssyncset.done $0x0  }
0xdf: {  	[sflag:s28] =	ssyncadd.s32 $0xFFFFF000  }
0xe0: {  	_ =	swait.ge [sflag:s28], $0x1000  }
0xe1: {  	[sflag:s28] =	ssyncset.done $0x0  }
0xe2: {  	[sflag:s28] =	ssyncadd.s32 $0xFFFFF000  }
0xe3: {  	_ =	swait.ge [sflag:s28], $0x1000  }
0xe4: {  	[sflag:s28] =	ssyncset.done $0x0  }
0xe5: {  	[sflag:s28] =	ssyncadd.s32 $0xFFFFF000  }
0xe6: {  	_ =	swait.ge [sflag:s28], $0x1000  }
0xe7: {  	[sflag:s28] =	ssyncset.done $0x0  }
0xe8: {  	[sflag:s28] =	ssyncadd.s32 $0xFFFFF000  }
0xe9: {  	_ =	swait.ge [sflag:s29], $0x80  }
0xea: {  	[sflag:s29] =	ssyncset.done $0x0  }
0xeb: {  	[sflag:s29] =	ssyncadd.s32 $0xFFFFFF80  }
0xec: {  	_ =	swait.ge [sflag:s29], $0x80  }
0xed: {  	[sflag:s29] =	ssyncset.done $0x0  }
0xee: {  	[sflag:s29] =	ssyncadd.s32 $0xFFFFFF80  }
0xef: {  	[tilespmem:s7], [sflag:$0x2] =	stream.indirect.gather [hbm4b:s19+s18], $0x80, s15, s18, $0xb8;
	[tilespmem:$0x1FA00] =	vst v63  }
0xf0: {  	s21 =	simm.s32 $0xA0;
	s30 =	simm.s32 $0x5200  }
0xf1: {  	[tilespmem:s30], [sflag:$0x2] =	stream.indirect.gather [hbm4b:s19+s18], $0x80, s21, s18, $0xb8;
	[tilespmem:$0x1FA00] =	vst v63  }
0xf2: {  	s31 =	simm.s32 $0x6200;
	s21 =	simm.s32 $0xC0  }
0xf3: {  	[tilespmem:s31], [sflag:$0x2] =	stream.indirect.gather [hbm4b:s19+s18], $0x80, s21, s18, $0xb8;
	[tilespmem:$0x1FA00] =	vst v63  }
0xf4: {  	_ = 	snop  }
0xf5: {  	[tilespmem:s1], [sflag:$0x2] =	stream.indirect.gather [hbm4b:s19+s18], $0x80, s0, s18, $0xb8;
	[tilespmem:$0x1FA00] =	vst v63  }
0xf6: {  	_ = 	snop  }
0xf7: {  	[spmem:s20] =	stream.indirect.scatter.add.f32 [tilespmem:s9], [sflag:$0x7], $0x80, s13, s15, $0xb8;
	[tilespmem:$0x1FA00] =	vst v63  }
0xf8: {  	_ =	swait.ge [sflag:s10], $0x4000  }
0xf9: {  	[sflag:s10] =	ssyncset.done $0x0  }
0xfa: {  	[sflag:s10] =	ssyncadd.s32 $0xFFFFC000  }
0xfb: {  	_ =	swait.ge [sflag:s2], $0x800  }
0xfc: {  	[sflag:s2] =	ssyncset.done $0x0  }
0xfd: {  	[sflag:s2] =	ssyncadd.s32 $0xFFFFF800  }
0xfe: {  	[spmem:s24] =	stream.indirect.scatter.add.f32 [tilespmem:s12], [sflag:$0x7], $0x10, s13, s15, $0xb8;
	[tilespmem:$0x1FA00] =	vst v63  }
0xff: {  	_ =	swait.ge [sflag:s10], $0x800  }
0x100: {  	p0 =	seq.s32 s17, $0x4E0;
	[sflag:s10] =	ssyncset.done $0x0  }
0x101: {  	s30 =	sadd.s32 @!p0 s17, s23;
	s31 =	simm.s32 @!p0 $0x0;
	[sflag:s10] =	ssyncadd.s32 $0xFFFFF800  }
0x102: {  	[tilespmem:s31], [sflag:$0x3] =	stream.linear.gather @!p0 [hbm4b:s30+s31], $0x80, $0x38;
	[tilespmem:$0x1FA00] =	vst v63  }
0x103: {  	s21 =	simm.s32 @!p0 $0x100;
	s30 =	sadd.s32 @!p0 s17, s22  }
0x104: {  	[tilespmem:s21], [sflag:$0x3] =	stream.linear.gather @!p0 [hbm4b:s30+s31], $0x80, $0x38;
	[tilespmem:$0x1FA00] =	vst v63  }
0x105: {  	s21 =	simm.s32 @!p0 $0x1C200  }
0x106: {  	[tilespmem:s21], [sflag:$0x5] =	stream.linear.gather @!p0 [hbm4b:s5+s31], $0x800, $0x38;
	[tilespmem:$0x1FA00] =	vst v63  }
0x107: {  	_ =	swait.ge [sflag:s3], $0x1000  }
0x108: {  	[sflag:s3] =	ssyncset.done $0x0  }
0x109: {  	[sflag:s3] =	ssyncadd.s32 $0xFFFFF000  }
0x10a: {  	_ =	swait.ge [sflag:s3], $0x1000  }
0x10b: {  	[sflag:s3] =	ssyncset.done $0x0  }
0x10c: {  	[sflag:s3] =	ssyncadd.s32 $0xFFFFF000  }
0x10d: {  	_ =	swait.ge [sflag:s3], $0x1000  }
0x10e: {  	[sflag:s3] =	ssyncset.done $0x0  }
0x10f: {  	[sflag:s3] =	ssyncadd.s32 $0xFFFFF000  }
0x110: {  	_ =	swait.ge [sflag:s3], $0x1000  }
0x111: {  	p1 =	sgt.u32 s8, $0x26;
	[sflag:s3] =	ssyncset.done $0x0  }
0x112: {  	s21 =	simm.s32 @!p1 $0x3;
	[sflag:s3] =	ssyncadd.s32 $0xFFFFF000  }
0x113: {  	_ =	swait.ge @!p1 [sflag:s21], $0x80  }
0x114: {  	[sflag:s21] =	ssyncset.done @!p1 $0x0  }
0x115: {  	[sflag:s21] =	ssyncadd.s32 @!p1 $0xFFFFFF80  }
0x116: {  	_ =	swait.ge @!p1 [sflag:s21], $0x80  }
0x117: {  	s30 =	simm.s32 @!p1 $0x0;
	[sflag:s21] =	ssyncset.done @!p1 $0x0  }
0x118: {  	s31 =	simm.s32 @!p1 $0x200;
	[sflag:s21] =	ssyncadd.s32 @!p1 $0xFFFFFF80;
	s21 =	simm.s32 @!p1 $0x20  }
0x119: {  	[tilespmem:s31], [sflag:$0x1] =	stream.indirect.gather @!p1 [hbm4b:s19+s21], $0x80, s30, s21, $0xb8;
	[tilespmem:$0x1FA00] =	vst v63  }
0x11a: {  	s30 =	simm.s32 @!p1 $0x1200  }
0x11b: {  	[tilespmem:s30], [sflag:$0x1] =	stream.indirect.gather @!p1 [hbm4b:s19+s21], $0x80, s21, s21, $0xb8;
	[tilespmem:$0x1FA00] =	vst v63  }
0x11c: {  	s31 =	simm.s32 @!p1 $0x2200;
	s30 =	simm.s32 @!p1 $0x40  }
0x11d: {  	[tilespmem:s31], [sflag:$0x1] =	stream.indirect.gather @!p1 [hbm4b:s19+s21], $0x80, s30, s21, $0xb8;
	[tilespmem:$0x1FA00] =	vst v63  }
0x11e: {  	s30 =	simm.s32 @!p1 $0x60;
	s31 =	simm.s32 @!p1 $0x3200  }
0x11f: {  	[tilespmem:s31], [sflag:$0x1] =	stream.indirect.gather @!p1 [hbm4b:s19+s21], $0x80, s30, s21, $0xb8;
	[tilespmem:$0x1FA00] =	vst v63  }
0x120: {  	_ = 	snop  }
0x121: {  	[spmem:s20] =	stream.indirect.scatter.add.f32 [tilespmem:s7], [sflag:$0x7], $0x80, s11, s15, $0xb8;
	[tilespmem:$0x1FA00] =	vst v63  }
0x122: {  	_ =	swait.ge [sflag:s10], $0x4000  }
0x123: {  	[sflag:s10] =	ssyncset.done $0x0  }
0x124: {  	[sflag:s10] =	ssyncadd.s32 $0xFFFFC000  }
0x125: {  	_ =	swait.ge [sflag:s4], $0x800  }
0x126: {  	[sflag:s4] =	ssyncset.done $0x0  }
.Ltmp2:
0x127: {  	[sflag:s4] =	ssyncadd.s32 $0xFFFFF800;
	(pc) =	sbr.rel @p0 .LBB2_4-.Ltmp2, $4  }
0x128: {  	[spmem:s24] =	stream.indirect.scatter.add.f32 [tilespmem:s16], [sflag:$0x7], $0x10, s11, s15, $0xb8;
	[tilespmem:$0x1FA00] =	vst v63  }
0x129: {  	_ =	swait.ge [sflag:s10], $0x800  }
0x12a: {  	[sflag:s10] =	ssyncset.done $0x0  }
0x12b: {  	[sflag:s10] =	ssyncadd.s32 $0xFFFFF800  }
0x12c: {  	s21 =	sadd.s32 s17, s26  }
0x12d: {  	[tilespmem:s15], [sflag:$0x4] =	stream.linear.gather [hbm4b:s21+s14], $0x80, $0x38;
	[tilespmem:$0x1FA00] =	vst v63  }
.Ltmp3:
0x12e: {  	s31 =	sadd.s32 s17, s25;
	(pc) =	sbr.rel .LBB2_2-.Ltmp3, $4  }
0x12f: {  	[tilespmem:s11], [sflag:$0x4] =	stream.linear.gather [hbm4b:s31+s14], $0x80, $0x38;
	[tilespmem:$0x1FA00] =	vst v63  }
0x130: {  	s8 =	sadd.s32 $0x1, s8  }
0x131: {  	[tilespmem:s16], [sflag:$0x6] =	stream.linear.gather [hbm4b:s6+s14], $0x800, $0x38;
	[tilespmem:$0x1FA00] =	vst v63  }
0x132: {  	s5 =	sadd.s32 $0x200, s5;
	s17 =	sadd.s32 $0x20, s17;
	s6 =	sadd.s32 $0x200, s6  }
.LBB2_5:
0x133: {  	_ =	sfence.sel $0x180000  }
0x134: {  	[bflag:$0x0] =	sbarrier.arrive $0xFFFF  }
0x135: {  	_ =	strace $0x90000047  }
0x136: {  	s0 =	stileid.u32;
	[bflag:$0x2] =	sbarrier.arrive $0xFFFF  }
0x137: {  	p0 =	sne.s32 s0, $0x0;
	s0 =	rddreg [dreg:$0x4]  }
0x138: {  	s0 =	sadd.s32 @!p0 $0x100000, s0  }
0x139: {  	[sflag:s0] =	ssyncadd.tile.s32 @!p0 $0x1;
	_ =	shalt  }
.Lfunc_end2:
_tile_overlayer_lowered:
.L_overlay_start_2:
0x13a: {  	(tag) =	ssettag $0x2  }
0x13b: {  	s0 =	rddreg [dreg:$0x0];
	s2 =	stileid.u32  }
0x13c: {  	s1 =	rddreg [dreg:$0x1];
	p0 =	sne.s32 s2, $0x0  }
0x13d: {  	s3 =	rddreg [dreg:$0x2];
	[bflag:$0x3] =	sbarrier.arrive $0xFFFF;
	s2 =	simm.s32 @!p0 $0x1C07  }
0x13e: {  	[timem:s3], [sflag:s2] =	dma.local @!p0 [hbm:s0], s1  }
0x13f: {  	s0 =	simm.s32 @!p0 $0x7  }
0x140: {  	_ =	swait.ge @!p0 [sflag:s0], s1  }
0x141: {  	s1 =	ssub.s32 @!p0 $0x0, s1;
	[sflag:s0] =	ssyncset.done @!p0 $0x0  }
0x142: {  	[sflag:s0] =	ssyncadd.s32 @!p0 s1  }
0x143: {  	[bflag:$0x3] =	sbarrier.arrive $0xFFFF  }
0x144: {  	_ =	shalt  }

// kernel: kernel.9.cloned.1.call-start
scs
__scs_entry_jumppad:
0x0: {  	(pc) =	sbr.rel $0x88, $3  }
0x1: {  	(tag) =	ssettag $0x0;
	lr =	simm.s32 $0x1  }
0x2: {  	[smem:$0x3F97] =	sst lr;
	_ =	strace $0xD0000000  }
0x3: {  	_ = 	snop  }
0x4: {  	_ = 	snop  }
0x5: {  	_ = 	snop  }
0x6: {  	_ = 	snop  }
0x7: {  	_ = 	snop  }
__scs_overlays_trampoline_lowered:
0x8: {  	[smem:$0x3FA6] =	sst s0  }
0x9: {  	[smem:$0x3FA7] =	sst s1  }
0xa: {  	[smem:$0x3FA8] =	sst s2  }
0xb: {  	[smem:$0x3FA9] =	sst s3  }
0xc: {  	[smem:$0x3FAA] =	sst s4  }
0xd: {  	[smem:$0x3FAB] =	sst s5  }
0xe: {  	[smem:$0x3FAC] =	sst s6  }
0xf: {  	[smem:$0x3FAD] =	sst s7  }
0x10: {  	[smem:$0x3FAE] =	sst s8  }
0x11: {  	[smem:$0x3FAF] =	sst s9;
	s0 =	simm.s32 @!p0 $0x0  }
0x12: {  	s1 =	sld [smem:$0x3F95];
	s0 =	simm.s32 @p0 $0x1  }
0x13: {  	[smem:$0x3FB0] =	sst s0;
	s0 =	simm.s32 @!p1 $0x0  }
0x14: {  	s2 =	sld [smem:$0x3F94];
	s0 =	simm.s32 @p1 $0x1  }
0x15: {  	[smem:$0x3FB1] =	sst s0;
	s0 =	simm.s32 @!p2 $0x0  }
0x16: {  	s3 =	sld [smem:$0x3FDB];
	s0 =	simm.s32 @p2 $0x1  }
0x17: {  	s4 =	simm.s32 $0x1BF5;
	[smem:$0x3FB3] =	sst s0  }
0x18: {  	s0 =	sld [smem:$0x3F96];
	_ =	swait.ge [sflag:s4], $0x0  }
0x19: {  	s7 =	sld [smem:$0x3F97]  }
0x1a: {  	s8 =	sadd.s32 $0xFFFFE003, lr  }
0x1b: {  	s9 =	sadd.s32 $0xFFFFFEF7, lr;
	s5 =	simm.s32 $0xFFFFFFFF;
	p2 =	slt.u32 s8, $0xFFFFF086  }
0x1c: {  	p1 =	slt.u32 s9, $0xF7A;
	s5 =	simm.s32 @!p2 $0x0  }
0x1d: {  	s5 =	simm.s32 @p1 $0x1;
	p0 =	seq.s32 s7, s2  }
0x1e: {  	s7 =	smul.u32 @!p0 $0xF7A, s2;
	p2 =	seq.s32 @!p0 s5, $0x0  }
0x1f: {  	s9 =	smul.u32 $0xF7A, s1;
	s8 =	simm.s32 @!p0 $0x1BF5;
	p2 =	por !p2, p0  }
0x20: {  	[sflag:s8] =	ssyncset.s32 @!p0 $0xFFFFF086;
	s6 =	sadd.s32 @!p0 s3, s7;
	s7 =	simm.s32 @!p0 $0x108  }
0x21: {  	s3 =	sadd.s32 s3, s9;
	s6 =	sadd.s32 @!p0 $0x88, s6;
	s7 =	simm.s32 @p2 $0x1082  }
0x22: {  	[simem:s7], [sflag:s8] =	dma.local @!p0 [hbm:s6], $0xF7A  }
0x23: {  	s9 =	sor.u32 $0xD0000000, s2;
	s6 =	simm.s32 $0x108;
	_ =	swait.ge @!p0 [sflag:s8], $0x0  }
0x24: {  	s3 =	sadd.s32 $0x88, s3;
	s6 =	simm.s32 @!p1 $0x1082;
	[sflag:s4] =	ssyncset.s32 $0xFFFFF086  }
0x25: {  	[simem:s6], [sflag:s4] =	dma.local [hbm:s3], $0xF7A  }
0x26: {  	[smem:$0x3F97] =	sst s1;
	(tag) =	ssettag s2;
	_ =	strace s9  }
0x27: {  	s1 =	sld [smem:$0x3FA7]  }
0x28: {  	s2 =	sld [smem:$0x3FA8]  }
0x29: {  	s4 =	sld [smem:$0x3FAA]  }
0x2a: {  	p0 =	seq.s32 s5, $0x0;
	s5 =	sld [smem:$0x3FAB]  }
0x2b: {  	s6 =	sld [smem:$0x3FAC]  }
0x2c: {  	s7 =	sld [smem:$0x3FAD]  }
0x2d: {  	s3 =	simm.s32 $0x108;
	s8 =	sld [smem:$0x3FAE]  }
0x2e: {  	s3 =	simm.s32 @!p0 $0x1082;
	s9 =	sld [smem:$0x3FAF]  }
0x2f: {  	lr =	sadd.s32 s0, s3;
	s0 =	sld [smem:$0x3FA6]  }
0x30: {  	s3 =	sld [smem:$0x3FA9]  }
0x31: {  	[smem:$0x3FB2] =	sst s10  }
0x32: {  	s10 =	sld [smem:$0x3FB0];
	_ =	sdelay $0x3  }
0x33: {  	p0 =	seq.s32 s10, $0x1;
	s10 =	sld [smem:$0x3FB2];
	_ =	sdelay $0x3  }
0x34: {  	[smem:$0x3FB2] =	sst s10  }
0x35: {  	s10 =	sld [smem:$0x3FB1];
	_ =	sdelay $0x3  }
0x36: {  	p1 =	seq.s32 s10, $0x1;
	s10 =	sld [smem:$0x3FB2];
	_ =	sdelay $0x3  }
0x37: {  	[smem:$0x3FB2] =	sst s10  }
0x38: {  	s10 =	sld [smem:$0x3FB3]  }
0x39: {  	_ = 	snop;
	(pc) =	sbr.ind lr, $3  }
0x3a: {  	_ = 	snop  }
0x3b: {  	_ = 	snop  }
0x3c: {  	p2 =	seq.s32 s10, $0x1;
	s10 =	sld [smem:$0x3FB2]  }
0x3d: {  	_ =	shalt  }
0x3e: {  	_ =	shalt  }
0x3f: {  	_ =	shalt  }
0x40: {  	_ =	shalt  }
0x41: {  	_ =	shalt  }
0x42: {  	_ =	shalt  }
0x43: {  	_ =	shalt  }
0x44: {  	_ =	shalt  }
0x45: {  	_ =	shalt  }
0x46: {  	_ =	shalt  }
0x47: {  	_ =	shalt  }
0x48: {  	_ =	shalt  }
0x49: {  	_ =	shalt  }
0x4a: {  	_ =	shalt  }
0x4b: {  	_ =	shalt  }
0x4c: {  	_ =	shalt  }
0x4d: {  	_ =	shalt  }
0x4e: {  	_ =	shalt  }
0x4f: {  	_ =	shalt  }
0x50: {  	_ =	shalt  }
0x51: {  	_ =	shalt  }
0x52: {  	_ =	shalt  }
0x53: {  	_ =	shalt  }
0x54: {  	_ =	shalt  }
0x55: {  	_ =	shalt  }
0x56: {  	_ =	shalt  }
0x57: {  	_ =	shalt  }
0x58: {  	_ =	shalt  }
0x59: {  	_ =	shalt  }
0x5a: {  	_ =	shalt  }
0x5b: {  	_ =	shalt  }
0x5c: {  	_ =	shalt  }
0x5d: {  	_ =	shalt  }
0x5e: {  	_ =	shalt  }
0x5f: {  	_ =	shalt  }
0x60: {  	_ =	shalt  }
0x61: {  	_ =	shalt  }
0x62: {  	_ =	shalt  }
0x63: {  	_ =	shalt  }
0x64: {  	_ =	shalt  }
0x65: {  	_ =	shalt  }
0x66: {  	_ =	shalt  }
0x67: {  	_ =	shalt  }
0x68: {  	_ =	shalt  }
0x69: {  	_ =	shalt  }
0x6a: {  	_ =	shalt  }
0x6b: {  	_ =	shalt  }
0x6c: {  	_ =	shalt  }
0x6d: {  	_ =	shalt  }
0x6e: {  	_ =	shalt  }
0x6f: {  	_ =	shalt  }
0x70: {  	_ =	shalt  }
0x71: {  	_ =	shalt  }
0x72: {  	_ =	shalt  }
0x73: {  	_ =	shalt  }
0x74: {  	_ =	shalt  }
0x75: {  	_ =	shalt  }
0x76: {  	_ =	shalt  }
0x77: {  	_ =	shalt  }
0x78: {  	_ =	shalt  }
0x79: {  	_ =	shalt  }
0x7a: {  	_ =	shalt  }
0x7b: {  	_ =	shalt  }
0x7c: {  	_ =	shalt  }
0x7d: {  	_ =	shalt  }
0x7e: {  	_ =	shalt  }
0x7f: {  	_ =	shalt  }
0x80: {  	_ =	shalt  }
0x81: {  	_ =	shalt  }
0x82: {  	_ =	shalt  }
0x83: {  	_ =	shalt  }
0x84: {  	_ =	shalt  }
0x85: {  	_ =	shalt  }
0x86: {  	_ =	shalt  }
0x87: {  	_ =	shalt  }
.Lfunc_end0:
.L_simem_size_0:
called_computation.1_lowered:
.L_overlay_start_0:
0x88: {  	s2 =	sld [smem:$0x3FD9]  }
0x89: {  	s3 =	sld [smem:$0x3FFE];
	_ =	sdelay $0x1  }
0x8a: {  	s1 =	srdreg.scid  }
0x8b: {  	s0 =	sand.u32 $0x1, s1  }
0x8c: {  	s16 =	sshll.u32 s0, $0xA;
	s2 =	sadd.s32 s3, s2  }
0x8d: {  	s2 =	sadd.s32 s2, s16  }
0x8e: {  	[smem:$0x3FBE] =	sst s2  }
0x8f: {  	_ = 	snop  }
0x90: {  	(tm) =	ssettm $0x1  }
0x91: {  	s17 =	sld [smem:$0x3FFB];
	_ =	sdelay $0x3  }
0x92: {  	_ =	strace s17  }
0x93: {  	s2 =	sld [smem:$0x3FFC];
	_ =	sdelay $0x3  }
0x94: {  	_ =	strace s2  }
0x95: {  	s2 =	sld [smem:$0x3FFD];
	_ =	sdelay $0x3  }
0x96: {  	_ =	strace s2  }
0x97: {  	_ =	strace $0x8FFFFFFF  }
0x98: {  	s18 =	sld [smem:$0x3FDB];
	_ =	sdelay $0x1  }
0x99: {  	s19 =	simm.s32 $_scs_section_size  }
0x9a: {  	s4 =	simm.s32 $_size__tile_overlayer_lowered;
	s5 =	simm.s32 $_tile_overlayer_lowered  }
0x9b: {  	s22 =	simm.s32 $0x1BFF;
	s21 =	sshll.u32 s5, $0x1;
	s2 =	sadd.s32 s19, s18  }
0x9c: {  	s6 =	simm.s32 $0x0;
	s20 =	sshll.u32 s4, $0x1;
	s4 =	sadd.s32 s21, s2  }
0x9d: {  	[timem:s6], [sflag:s22] =	dma.local [hbm:s4], s20  }
0x9e: {  	_ =	swait.ge [sflag:s22], s20  }
0x9f: {  	s3 =	ssub.s32 $0x0, s20;
	[sflag:s22] =	ssyncset.done $0x0  }
0xa0: {  	[sflag:s22] =	ssyncadd.s32 s3;
	_ =	sdelay $0x1  }
0xa1: {  	s23 =	simm.s32 $0x1B8B  }
0xa2: {  	_ =	swait.ge [sflag:s23], $0x1  }
0xa3: {  	[sflag:s23] =	ssyncset.done $0x0  }
0xa4: {  	s25 =	simm.s32 $0x1B8E;
	s24 =	sld [smem:$0x3FFE];
	[sflag:s23] =	ssyncadd.s32 $0xFFFFFFFF  }
0xa5: {  	s26 =	simm.s32 $execute0_lowered;
	[smem:$0x3FD2] =	sst s25  }
0xa6: {  	s4 =	sshll.u32 s26, $0x1;
	_ =	strace $0x80000049;
	[dreg:$0x1] =	wrdreg $0xFFFFFFFF  }
0xa7: {  	s28 =	simm.s32 $_size_execute0_lowered;
	s2 =	sadd.s32 s2, s4;
	[dreg:$0x0] =	wrdreg $0x0  }
0xa8: {  	s4 =	sshll.u32 s28, $0x1;
	[dreg:$0x2] =	wrdreg s2  }
0xa9: {  	[dreg:$0x3] =	wrdreg s4  }
0xaa: {  	[dreg:$0x4] =	wrdreg $0xC0  }
0xab: {  	_ =	task [dreg:s6], $0x5FFFF  }
0xac: {  	[dreg:$0x1] =	wrdreg $0xFFFFFFFF  }
0xad: {  	[dreg:$0x0] =	wrdreg $0x60  }
0xae: {  	[dreg:$0x2] =	wrdreg s24  }
0xaf: {  	[dreg:$0x3] =	wrdreg $0x82000  }
0xb0: {  	[dreg:$0x4] =	wrdreg $0x9  }
0xb1: {  	_ =	task.clear_ibuf [dreg:s6], $0x5FFFF;
	_ =	strace $0x90000049  }
0xb2: {  	s29 =	simm.s32 $0x9;
	_ =	strace $0x8000004B  }
0xb3: {  	_ =	swait.ge [sflag:s29], $0x1  }
0xb4: {  	[sflag:s29] =	ssyncadd.s32 $0xFFFFFFFF  }
0xb5: {  	_ =	strace $0x9000004B  }
0xb6: {  	_ =	sfence  }
0xb7: {  	s30 =	sld [smem:$0x0];
	_ =	sdelay $0x2  }
0xb8: {  	s31 =	sshll.u32 s1, $0xD;
	s1 =	sshrl.u32 s1, $0x2  }
0xb9: {  	s3 =	sand.u32 $0x4000, s31;
	s1 =	sadd.s32 s1, s30  }
0xba: {  	s0 =	sor.u32 s3, s0;
	s1 =	sshll.u32 s1, $0x11  }
0xbb: {  	s0 =	sor.u32 s1, s0  }
0xbc: {  	s0 =	sadd.s32 $0x8F2B, s0  }
0xbd: {  	[sflag:s0] =	ssyncadd.remote.s32 $0x1  }
0xbe: {  	_ =	sfence.sel $0xFFFF  }
0xbf: {  	[dreg:$0x0] =	wrdreg $0xFFFFFFFF;
	(pc) =	sbr.abs _section_cstart, $3  }
0xc0: {  	[dreg:$0x1] =	wrdreg $0xFFFFFFFF  }
0xc1: {  	_ =	task.clear_ibuf [dreg:s6], $0x2FFFF;
	_ =	strace $0x9FFFFFFF  }
0xc2: {  	(tm) =	ssettm $0x7FFFFFFF  }
0xc3: {  	_ =	shalt  }
tec
execute0_lowered:
.L_overlay_start_1:
0x0: {  	(tag) =	ssettag $0x1  }
0x1: {  	s0 =	rddreg [dreg:$0x0]  }
0x2: {  	s1 =	rddreg [dreg:$0x1];
	s2 =	simm.s32 $0x0  }
0x3: {  	s3 =	srdreg.scid;
	s8 =	stileid.u32;
	s28 =	simm.s32 $0x100  }
0x4: {  	s29 =	simm.s32 $0x80;
	s30 =	simm.s32 $0x180;
	s31 =	simm.s32 $0x3  }
0x5: {  	[smem:$0x7FF] =	sst s2;
	s9 =	sadd.s32 $0xB7A00, s0;
	s10 =	sadd.s32 $0x3E00, s0  }
0x6: {  	s3 =	sand.u32 $0x1, s3;
	s6 =	sadd.s32 $0x5E600, s0;
	s7 =	sadd.s32 $0xDE00, s0  }
0x7: {  	s5 =	smul.u32 $0x14000, s8;
	_ =	strace $0x8000004A;
	[dreg:$0x5] =	wrdreg s7  }
0x8: {  	s0 =	sadd.s32 $0xC1A00, s0;
	s4 =	ssub.s32 $0x2, s3;
	[dreg:$0x3] =	wrdreg s9  }
0x9: {  	s25 =	sshll.u32 s3, $0x4;
	s17 =	smul.u32 $0x140000, s3;
	[dreg:$0x4] =	wrdreg s10  }
0xa: {  	s3 =	smul.u32 $0x28000, s3;
	s24 =	sshrl.u32 s4, $0x1;
	s13 =	sadd.s32 $0x4000, s5  }
0xb: {  	s7 =	sor.u32 s8, s25;
	s20 =	sadd.s32 s5, s1;
	s14 =	sadd.s32 $0x8000, s5  }
0xc: {  	s15 =	sadd.s32 $0xC000, s5;
	s16 =	sadd.s32 $0x10000, s5;
	s4 =	ssub.s32 s4, s24  }
0xd: {  	s21 =	sadd.s32 s13, s1;
	s7 =	smul.u32 $0x2800, s7;
	s22 =	sadd.s32 s14, s1  }
0xe: {  	s11 =	sadd.s32 s15, s1;
	s12 =	sadd.s32 s16, s1;
	s5 =	sadd.s32 s5, s17  }
0xf: {  	s13 =	sadd.s32 s17, s13;
	s14 =	sadd.s32 s17, s14;
	s15 =	sadd.s32 s17, s15  }
0x10: {  	s16 =	sadd.s32 s17, s16;
	s17 =	smul.u32 $0x2800, s8;
	s5 =	sshrl.u32 s5, $0x3  }
0x11: {  	s23 =	sshrl.u32 s15, $0x3;
	s24 =	sshrl.u32 s16, $0x3;
	s4 =	smax.u32 s4, $0x1  }
0x12: {  	s15 =	simm.s32 $0x6200;
	s16 =	simm.s32 $0xE0;
	[dreg:$0x6] =	wrdreg s22  }
0x13: {  	s7 =	sshrl.u32 s7, $0x3;
	s5 =	sadd.s32 s0, s5;
	s3 =	sadd.s32 s17, s3  }
0x14: {  	[dreg:$0x12] =	wrdreg s4;
	s4 =	simm.s32 $0x4200;
	s17 =	simm.s32 $0x7200  }
0x15: {  	s18 =	sadd.s32 s9, s7;
	s26 =	sadd.s32 s10, s7;
	[dreg:$0xd] =	wrdreg s5  }
0x16: {  	s7 =	sor.u32 $0x10, s7;
	s5 =	sadd.s32 s0, s23;
	[dreg:$0x9] =	wrdreg s18  }
0x17: {  	s25 =	sor.u32 $0x180, s3;
	[dreg:$0xa] =	wrdreg s26;
	s9 =	sadd.s32 s9, s7  }
0x18: {  	s7 =	sadd.s32 s10, s7;
	s10 =	smov.u32 s12;
	[dreg:$0x10] =	wrdreg s5  }
0x19: {  	s23 =	sshrl.u32 s25, $0x3;
	s26 =	sor.u32 $0x100, s3;
	s25 =	simm.s32 $0x200  }
0x1a: {  	s3 =	simm.s32 $0x1;
	s5 =	simm.s32 $0xA0;
	[dreg:$0xb] =	wrdreg s9  }
0x1b: {  	s9 =	smov.u32 s11;
	[dreg:$0xc] =	wrdreg s7;
	s7 =	sshrl.u32 s13, $0x3  }
0x1c: {  	s13 =	sshrl.u32 s14, $0x3;
	s14 =	simm.s32 $0xC0;
	[dreg:$0x8] =	wrdreg s10  }
.Ltmp0:
0x1d: {  	s18 =	sadd.s32 s0, s7;
	[dreg:$0x7] =	wrdreg s9;
	(pc) =	sbr.rel .LBB2_1-.Ltmp0, $4  }
0x1e: {  	s19 =	sadd.s32 s0, s13;
	s0 =	sadd.s32 s0, s24;
	[dreg:$0xe] =	wrdreg s18  }
0x1f: {  	s24 =	sshrl.u32 s26, $0x3;
	s26 =	simm.s32 $0x5;
	[dreg:$0xf] =	wrdreg s19  }
0x20: {  	s7 =	simm.s32 $0x4;
	s13 =	simm.s32 $0x5200;
	[dreg:$0x11] =	wrdreg s0  }
0x21: {  	s0 =	simm.s32 $0x20;
	s18 =	simm.s32 $0x2;
	s19 =	simm.s32 $0x0  }
.LBB2_4:
0x22: {  	[bflag:$0x0] =	sbarrier.arrive $0xFFFF  }
0x23: {  	[tilespmem:s25], [sflag:$0x5] =	stream.linear.gather [spmem:s11], $0x4000, $0x38;
	[tilespmem:$0x1C200] =	vst v63  }
0x24: {  	_ =	swait.ge [sflag:s26], $0x4000  }
0x25: {  	[sflag:s26] =	ssyncset.done $0x0  }
0x26: {  	s8 =	rddreg [dreg:$0xd];
	[sflag:s26] =	ssyncadd.s32 $0xFFFFC000  }
0x27: {  	[hbm4b:s8+s2] =	stream.linear.scatter [tilespmem:s25], [sflag:$0x5], $0x4000, $0x38;
	[tilespmem:$0x1C200] =	vst v63  }
0x28: {  	_ =	swait.ge [sflag:s26], $0x4000  }
0x29: {  	[sflag:s26] =	ssyncset.done $0x0  }
0x2a: {  	[sflag:s26] =	ssyncadd.s32 $0xFFFFC000  }
0x2b: {  	[tilespmem:s25], [sflag:$0x5] =	stream.linear.gather [spmem:s12], $0x4000, $0x38;
	[tilespmem:$0x1C200] =	vst v63  }
0x2c: {  	_ =	swait.ge [sflag:s26], $0x4000  }
0x2d: {  	[sflag:s26] =	ssyncset.done $0x0  }
0x2e: {  	s22 =	rddreg [dreg:$0xe];
	[sflag:s26] =	ssyncadd.s32 $0xFFFFC000  }
0x2f: {  	[hbm4b:s22+s2] =	stream.linear.scatter [tilespmem:s25], [sflag:$0x5], $0x4000, $0x38;
	[tilespmem:$0x1C200] =	vst v63  }
0x30: {  	_ =	swait.ge [sflag:s26], $0x4000  }
0x31: {  	[sflag:s26] =	ssyncset.done $0x0  }
0x32: {  	s22 =	rddreg [dreg:$0x6];
	[sflag:s26] =	ssyncadd.s32 $0xFFFFC000  }
0x33: {  	[tilespmem:s25], [sflag:$0x5] =	stream.linear.gather [spmem:s22], $0x4000, $0x38;
	[tilespmem:$0x1C200] =	vst v63  }
0x34: {  	_ =	swait.ge [sflag:s26], $0x4000  }
0x35: {  	[sflag:s26] =	ssyncset.done $0x0  }
0x36: {  	s9 =	rddreg [dreg:$0xf];
	[sflag:s26] =	ssyncadd.s32 $0xFFFFC000  }
0x37: {  	[hbm4b:s9+s2] =	stream.linear.scatter [tilespmem:s25], [sflag:$0x5], $0x4000, $0x38;
	[tilespmem:$0x1C200] =	vst v63  }
0x38: {  	_ =	swait.ge [sflag:s26], $0x4000  }
0x39: {  	[sflag:s26] =	ssyncset.done $0x0  }
0x3a: {  	s9 =	rddreg [dreg:$0x7];
	[sflag:s26] =	ssyncadd.s32 $0xFFFFC000  }
0x3b: {  	[tilespmem:s25], [sflag:$0x5] =	stream.linear.gather [spmem:s9], $0x4000, $0x38;
	[tilespmem:$0x1C200] =	vst v63  }
0x3c: {  	_ =	swait.ge [sflag:s26], $0x4000  }
0x3d: {  	[sflag:s26] =	ssyncset.done $0x0  }
0x3e: {  	s10 =	rddreg [dreg:$0x10];
	[sflag:s26] =	ssyncadd.s32 $0xFFFFC000  }
0x3f: {  	[hbm4b:s10+s2] =	stream.linear.scatter [tilespmem:s25], [sflag:$0x5], $0x4000, $0x38;
	[tilespmem:$0x1C200] =	vst v63  }
0x40: {  	_ =	swait.ge [sflag:s26], $0x4000  }
0x41: {  	[sflag:s26] =	ssyncset.done $0x0  }
0x42: {  	s10 =	rddreg [dreg:$0x8];
	[sflag:s26] =	ssyncadd.s32 $0xFFFFC000  }
0x43: {  	[tilespmem:s25], [sflag:$0x5] =	stream.linear.gather [spmem:s10], $0x4000, $0x38;
	[tilespmem:$0x1C200] =	vst v63  }
0x44: {  	_ =	swait.ge [sflag:s26], $0x4000  }
0x45: {  	[sflag:s26] =	ssyncset.done $0x0  }
0x46: {  	s20 =	smov.u32 s11;
	s11 =	rddreg [dreg:$0x11];
	[sflag:s26] =	ssyncadd.s32 $0xFFFFC000  }
0x47: {  	[hbm4b:s11+s2] =	stream.linear.scatter [tilespmem:s25], [sflag:$0x5], $0x4000, $0x38;
	[tilespmem:$0x1C200] =	vst v63  }
0x48: {  	_ =	swait.ge [sflag:s26], $0x4000  }
0x49: {  	s21 =	smov.u32 s12;
	s19 =	sadd.s32 $0x1, s19;
	s12 =	rddreg [dreg:$0x12]  }
0x4a: {  	p0 =	sne.s32 s19, s12  }
.Ltmp1:
0x4b: {  	_ = 	snop;
	(pc) =	sbr.rel @!p0 .LBB2_5-.Ltmp1, $3  }
0x4c: {  	_ =	sdelay $0x1  }
0x4d: {  	[sflag:s26] =	ssyncset.done $0x0  }
0x4e: {  	[sflag:s26] =	ssyncadd.s32 $0xFFFFC000  }
.LBB2_1:
0x4f: {  	s8 =	rddreg [dreg:$0x5]  }
0x50: {  	[tilespmem:s25], [sflag:$0x5] =	stream.linear.gather [hbm4b:s8+s2], $0x4000, $0x38;
	[tilespmem:$0x1C200] =	vst v63  }
0x51: {  	_ =	swait.ge [sflag:s26], $0x4000  }
0x52: {  	[sflag:s26] =	ssyncset.done $0x0  }
0x53: {  	[sflag:s26] =	ssyncadd.s32 $0xFFFFC000  }
0x54: {  	[spmem:s20] =	stream.linear.scatter [tilespmem:s25], [sflag:$0x5], $0x4000, $0x38;
	[tilespmem:$0x1C200] =	vst v63  }
0x55: {  	_ =	swait.ge [sflag:s26], $0x4000  }
0x56: {  	[sflag:s26] =	ssyncset.done $0x0  }
0x57: {  	[sflag:s26] =	ssyncadd.s32 $0xFFFFC000  }
0x58: {  	[spmem:s21] =	stream.linear.scatter [tilespmem:s25], [sflag:$0x5], $0x4000, $0x38;
	[tilespmem:$0x1C200] =	vst v63  }
0x59: {  	_ =	swait.ge [sflag:s26], $0x4000  }
0x5a: {  	[sflag:s26] =	ssyncset.done $0x0  }
0x5b: {  	[sflag:s26] =	ssyncadd.s32 $0xFFFFC000  }
0x5c: {  	[spmem:s22] =	stream.linear.scatter [tilespmem:s25], [sflag:$0x5], $0x4000, $0x38;
	[tilespmem:$0x1C200] =	vst v63  }
0x5d: {  	_ =	swait.ge [sflag:s26], $0x4000  }
0x5e: {  	[sflag:s26] =	ssyncset.done $0x0  }
0x5f: {  	[sflag:s26] =	ssyncadd.s32 $0xFFFFC000  }
0x60: {  	[spmem:s9] =	stream.linear.scatter [tilespmem:s25], [sflag:$0x5], $0x4000, $0x38;
	[tilespmem:$0x1C200] =	vst v63  }
0x61: {  	_ =	swait.ge [sflag:s26], $0x4000  }
0x62: {  	[sflag:s26] =	ssyncset.done $0x0  }
0x63: {  	[sflag:s26] =	ssyncadd.s32 $0xFFFFC000  }
0x64: {  	[spmem:s10] =	stream.linear.scatter [tilespmem:s25], [sflag:$0x5], $0x4000, $0x38;
	[tilespmem:$0x1C200] =	vst v63  }
0x65: {  	_ =	swait.ge [sflag:s26], $0x4000  }
0x66: {  	[sflag:s26] =	ssyncset.done $0x0  }
0x67: {  	[sflag:s26] =	ssyncadd.s32 $0xFFFFC000  }
0x68: {  	[bflag:$0x0] =	sbarrier.arrive $0xFFFF  }
0x69: {  	s10 =	rddreg [dreg:$0x9]  }
0x6a: {  	[tilespmem:s2], [sflag:$0x3] =	stream.linear.gather [hbm4b:s10+s2], $0x80, $0x38;
	[tilespmem:$0x1C200] =	vst v63  }
0x6b: {  	s11 =	smov.u32 s20;
	s20 =	rddreg [dreg:$0xa]  }
0x6c: {  	[tilespmem:s28], [sflag:$0x3] =	stream.linear.gather [hbm4b:s20+s2], $0x80, $0x38;
	[tilespmem:$0x1C200] =	vst v63  }
0x6d: {  	s12 =	smov.u32 s21;
	s21 =	rddreg [dreg:$0xb]  }
0x6e: {  	[tilespmem:s29], [sflag:$0x4] =	stream.linear.gather [hbm4b:s21+s2], $0x80, $0x38;
	[tilespmem:$0x1C200] =	vst v63  }
0x6f: {  	s22 =	rddreg [dreg:$0xc]  }
0x70: {  	[tilespmem:s30], [sflag:$0x4] =	stream.linear.gather [hbm4b:s22+s2], $0x80, $0x38;
	[tilespmem:$0x1C200] =	vst v63  }
0x71: {  	_ =	swait.ge [sflag:s31], $0x80  }
0x72: {  	[sflag:s31] =	ssyncset.done $0x0  }
0x73: {  	[sflag:s31] =	ssyncadd.s32 $0xFFFFFF80  }
0x74: {  	_ =	swait.ge [sflag:s31], $0x80  }
0x75: {  	[sflag:s31] =	ssyncset.done $0x0  }
0x76: {  	[sflag:s31] =	ssyncadd.s32 $0xFFFFFF80  }
0x77: {  	[tilespmem:s25], [sflag:$0x1] =	stream.indirect.gather [hbm4b:s6+s0], $0x80, s2, s0, $0xb8;
	[tilespmem:$0x1C200] =	vst v63  }
0x78: {  	s9 =	simm.s32 $0x1200  }
0x79: {  	[tilespmem:s9], [sflag:$0x1] =	stream.indirect.gather [hbm4b:s6+s0], $0x80, s0, s0, $0xb8;
	[tilespmem:$0x1C200] =	vst v63  }
0x7a: {  	s10 =	simm.s32 $0x40;
	s20 =	simm.s32 $0x2200  }
0x7b: {  	[tilespmem:s20], [sflag:$0x1] =	stream.indirect.gather [hbm4b:s6+s0], $0x80, s10, s0, $0xb8;
	[tilespmem:$0x1C200] =	vst v63  }
0x7c: {  	s21 =	simm.s32 $0x60;
	s22 =	simm.s32 $0x3200;
	s20 =	rddreg [dreg:$0x3]  }
0x7d: {  	[tilespmem:s22], [sflag:$0x1] =	stream.indirect.gather [hbm4b:s6+s0], $0x80, s21, s0, $0xb8;
	[tilespmem:$0x1C200] =	vst v63  }
0x7e: {  	s21 =	rddreg [dreg:$0x4];
	s22 =	simm.s32 $0x0  }
.LBB2_2:
0x7f: {  	_ =	swait.ge [sflag:s3], $0x1000  }
0x80: {  	[sflag:s3] =	ssyncset.done $0x0  }
0x81: {  	[sflag:s3] =	ssyncadd.s32 $0xFFFFF000  }
0x82: {  	_ =	swait.ge [sflag:s3], $0x1000  }
0x83: {  	[sflag:s3] =	ssyncset.done $0x0  }
0x84: {  	[sflag:s3] =	ssyncadd.s32 $0xFFFFF000  }
0x85: {  	_ =	swait.ge [sflag:s3], $0x1000  }
0x86: {  	[sflag:s3] =	ssyncset.done $0x0  }
0x87: {  	[sflag:s3] =	ssyncadd.s32 $0xFFFFF000  }
0x88: {  	_ =	swait.ge [sflag:s3], $0x1000  }
0x89: {  	[sflag:s3] =	ssyncset.done $0x0  }
0x8a: {  	[sflag:s3] =	ssyncadd.s32 $0xFFFFF000  }
0x8b: {  	_ =	swait.ge [sflag:s7], $0x80  }
0x8c: {  	[sflag:s7] =	ssyncset.done $0x0  }
0x8d: {  	[sflag:s7] =	ssyncadd.s32 $0xFFFFFF80  }
0x8e: {  	_ =	swait.ge [sflag:s7], $0x80  }
0x8f: {  	[sflag:s7] =	ssyncset.done $0x0  }
0x90: {  	[sflag:s7] =	ssyncadd.s32 $0xFFFFFF80  }
0x91: {  	[tilespmem:s4], [sflag:$0x2] =	stream.indirect.gather [hbm4b:s6+s0], $0x80, s29, s0, $0xb8;
	[tilespmem:$0x1C200] =	vst v63  }
0x92: {  	_ = 	snop  }
0x93: {  	[tilespmem:s13], [sflag:$0x2] =	stream.indirect.gather [hbm4b:s6+s0], $0x80, s5, s0, $0xb8;
	[tilespmem:$0x1C200] =	vst v63  }
0x94: {  	_ = 	snop  }
0x95: {  	[tilespmem:s15], [sflag:$0x2] =	stream.indirect.gather [hbm4b:s6+s0], $0x80, s14, s0, $0xb8;
	[tilespmem:$0x1C200] =	vst v63  }
0x96: {  	_ = 	snop  }
0x97: {  	[tilespmem:s17], [sflag:$0x2] =	stream.indirect.gather [hbm4b:s6+s0], $0x80, s16, s0, $0xb8;
	[tilespmem:$0x1C200] =	vst v63  }
0x98: {  	_ = 	snop  }
0x99: {  	[spmem:s1] =	stream.indirect.scatter.add.f32 [tilespmem:s25], [sflag:$0x5], $0x80, s28, s29, $0xb8;
	[tilespmem:$0x1C200] =	vst v63  }
0x9a: {  	_ =	swait.ge [sflag:s26], $0x4000  }
0x9b: {  	p0 =	seq.s32 s22, $0x27;
	[sflag:s26] =	ssyncset.done $0x0  }
0x9c: {  	s8 =	sadd.s32 @!p0 s20, s24;
	s9 =	simm.s32 @!p0 $0x0;
	[sflag:s26] =	ssyncadd.s32 $0xFFFFC000  }
0x9d: {  	[tilespmem:s9], [sflag:$0x3] =	stream.linear.gather @!p0 [hbm4b:s8+s9], $0x80, $0x38;
	[tilespmem:$0x1C200] =	vst v63  }
0x9e: {  	s10 =	simm.s32 @!p0 $0x100;
	s8 =	sadd.s32 @!p0 s21, s24  }
0x9f: {  	[tilespmem:s10], [sflag:$0x3] =	stream.linear.gather @!p0 [hbm4b:s8+s9], $0x80, $0x38;
	[tilespmem:$0x1C200] =	vst v63  }
0xa0: {  	_ =	swait.ge [sflag:s18], $0x1000  }
0xa1: {  	[sflag:s18] =	ssyncset.done $0x0  }
0xa2: {  	[sflag:s18] =	ssyncadd.s32 $0xFFFFF000  }
0xa3: {  	_ =	swait.ge [sflag:s18], $0x1000  }
0xa4: {  	[sflag:s18] =	ssyncset.done $0x0  }
0xa5: {  	[sflag:s18] =	ssyncadd.s32 $0xFFFFF000  }
0xa6: {  	_ =	swait.ge [sflag:s18], $0x1000  }
0xa7: {  	[sflag:s18] =	ssyncset.done $0x0  }
0xa8: {  	[sflag:s18] =	ssyncadd.s32 $0xFFFFF000  }
0xa9: {  	_ =	swait.ge [sflag:s18], $0x1000  }
0xaa: {  	p1 =	sgt.u32 s22, $0x26;
	[sflag:s18] =	ssyncset.done $0x0  }
0xab: {  	s8 =	simm.s32 @!p1 $0x3;
	[sflag:s18] =	ssyncadd.s32 $0xFFFFF000  }
0xac: {  	_ =	swait.ge @!p1 [sflag:s8], $0x80  }
0xad: {  	[sflag:s8] =	ssyncset.done @!p1 $0x0  }
0xae: {  	[sflag:s8] =	ssyncadd.s32 @!p1 $0xFFFFFF80  }
0xaf: {  	_ =	swait.ge @!p1 [sflag:s8], $0x80  }
0xb0: {  	s9 =	simm.s32 @!p1 $0x0;
	[sflag:s8] =	ssyncset.done @!p1 $0x0  }
0xb1: {  	s10 =	simm.s32 @!p1 $0x200;
	[sflag:s8] =	ssyncadd.s32 @!p1 $0xFFFFFF80;
	s8 =	simm.s32 @!p1 $0x20  }
0xb2: {  	[tilespmem:s10], [sflag:$0x1] =	stream.indirect.gather @!p1 [hbm4b:s6+s8], $0x80, s9, s8, $0xb8;
	[tilespmem:$0x1C200] =	vst v63  }
0xb3: {  	s9 =	simm.s32 @!p1 $0x1200  }
0xb4: {  	[tilespmem:s9], [sflag:$0x1] =	stream.indirect.gather @!p1 [hbm4b:s6+s8], $0x80, s8, s8, $0xb8;
	[tilespmem:$0x1C200] =	vst v63  }
0xb5: {  	s10 =	simm.s32 @!p1 $0x2200;
	s9 =	simm.s32 @!p1 $0x40  }
0xb6: {  	[tilespmem:s10], [sflag:$0x1] =	stream.indirect.gather @!p1 [hbm4b:s6+s8], $0x80, s9, s8, $0xb8;
	[tilespmem:$0x1C200] =	vst v63  }
0xb7: {  	s9 =	simm.s32 @!p1 $0x60;
	s10 =	simm.s32 @!p1 $0x3200  }
0xb8: {  	[tilespmem:s10], [sflag:$0x1] =	stream.indirect.gather @!p1 [hbm4b:s6+s8], $0x80, s9, s8, $0xb8;
	[tilespmem:$0x1C200] =	vst v63  }
.Ltmp2:
0xb9: {  	_ = 	snop;
	(pc) =	sbr.rel @p0 .LBB2_4-.Ltmp2, $4  }
0xba: {  	[spmem:s1] =	stream.indirect.scatter.add.f32 [tilespmem:s4], [sflag:$0x5], $0x80, s30, s29, $0xb8;
	[tilespmem:$0x1C200] =	vst v63  }
0xbb: {  	_ =	swait.ge [sflag:s26], $0x4000  }
0xbc: {  	[sflag:s26] =	ssyncset.done $0x0  }
0xbd: {  	[sflag:s26] =	ssyncadd.s32 $0xFFFFC000  }
.Ltmp3:
0xbe: {  	(pc) =	sbr.rel .LBB2_2-.Ltmp3, $4  }
0xbf: {  	s8 =	sadd.s32 s20, s23;
	s10 =	sadd.s32 s21, s23  }
0xc0: {  	[tilespmem:s29], [sflag:$0x4] =	stream.linear.gather [hbm4b:s8+s2], $0x80, $0x38;
	[tilespmem:$0x1C200] =	vst v63  }
0xc1: {  	s22 =	sadd.s32 $0x1, s22;
	s21 =	sadd.s32 $0x20, s21;
	s20 =	sadd.s32 $0x20, s20  }
0xc2: {  	[tilespmem:s30], [sflag:$0x4] =	stream.linear.gather [hbm4b:s10+s2], $0x80, $0x38;
	[tilespmem:$0x1C200] =	vst v63  }
.LBB2_5:
0xc3: {  	_ =	sfence.sel $0x180000  }
0xc4: {  	[bflag:$0x0] =	sbarrier.arrive $0xFFFF  }
0xc5: {  	_ =	strace $0x9000004A  }
0xc6: {  	s0 =	stileid.u32;
	[bflag:$0x2] =	sbarrier.arrive $0xFFFF  }
0xc7: {  	p0 =	sne.s32 s0, $0x0;
	s0 =	rddreg [dreg:$0x2]  }
0xc8: {  	s0 =	sadd.s32 @!p0 $0x100000, s0  }
0xc9: {  	[sflag:s0] =	ssyncadd.tile.s32 @!p0 $0x1;
	_ =	shalt  }
.Lfunc_end2:
_tile_overlayer_lowered:
.L_overlay_start_2:
0xca: {  	(tag) =	ssettag $0x2  }
0xcb: {  	s0 =	rddreg [dreg:$0x0];
	s2 =	stileid.u32  }
0xcc: {  	s1 =	rddreg [dreg:$0x1];
	p0 =	sne.s32 s2, $0x0  }
0xcd: {  	s3 =	rddreg [dreg:$0x2];
	[bflag:$0x3] =	sbarrier.arrive $0xFFFF;
	s2 =	simm.s32 @!p0 $0x1C05  }
0xce: {  	[timem:s3], [sflag:s2] =	dma.local @!p0 [hbm:s0], s1  }
0xcf: {  	s0 =	simm.s32 @!p0 $0x5  }
0xd0: {  	_ =	swait.ge @!p0 [sflag:s0], s1  }
0xd1: {  	s1 =	ssub.s32 @!p0 $0x0, s1;
	[sflag:s0] =	ssyncset.done @!p0 $0x0  }
0xd2: {  	[sflag:s0] =	ssyncadd.s32 @!p0 s1  }
0xd3: {  	[bflag:$0x3] =	sbarrier.arrive $0xFFFF  }
0xd4: {  	_ =	shalt  }

</sc_bundles>
